<compile_context>
chip_gen: v7x
topology: tpu7x:2x2x1
jax: 0.10.2.dev20260603
libtpu: 0.0.44.dev20260713+nightly
codegen_flags: <defaults>
</compile_context>

<pallas_src>
import functools
import math

import jax
import jax.numpy as jnp
from jax import lax
from jax.experimental import pallas as pl
from jax.experimental.pallas import tpu as pltpu
from jax.experimental.pallas import tpu_sc as plsc

BATCH = 16384
EMB = 32
HID = 64
EPS = 1e-5
_BN_SCALE = 1.0 / math.sqrt(1.0 + EPS)
_PK = 128 // EMB

_NC = 2
_NS = 16
_NW = _NC * _NS
_BPW = BATCH // _NW
_CH = 256
_TBL = 8192


def _tp_body(ut_ref, mt_ref, uo_ref, mo_ref):
    bk = _TBL // _PK
    lane = lax.broadcasted_iota(jnp.int32, (EMB, _PK * EMB), 1)
    feat = lax.broadcasted_iota(jnp.int32, (EMB, _PK * EMB), 0)
    for ref, o in ((ut_ref, uo_ref), (mt_ref, mo_ref)):
        acc = None
        for a in range(_PK):
            e = (lane == feat + EMB * a).astype(jnp.float32)
            t = lax.dot_general(ref[:, a * bk:(a + 1) * bk], e,
                                (((0,), (0,)), ((), ())),
                                preferred_element_type=jnp.float32)
            acc = t if acc is None else acc + t
        o[...] = acc


def _tc_transpose_pack(ut_t, mt_t):
    n = ut_t.shape[1]
    bk = _TBL // _PK
    nblk = pl.cdiv(n, _TBL)
    grid = (nblk,)
    out = jax.ShapeDtypeStruct((nblk * bk, _PK * EMB), jnp.float32)
    return pl.pallas_call(
        _tp_body,
        grid=grid,
        in_specs=[pl.BlockSpec((EMB, _TBL), lambda i: (0, i)),
                  pl.BlockSpec((EMB, _TBL), lambda i: (0, i))],
        out_specs=[pl.BlockSpec((bk, _PK * EMB), lambda i: (i, 0)),
                   pl.BlockSpec((bk, _PK * EMB), lambda i: (i, 0))],
        out_shape=[out, out],
        compiler_params=pltpu.CompilerParams(fuse_transposed_lhs_in_matmul=True),
    )(ut_t, mt_t)


def _sc_gather(users, movies, ut_pk, mt_pk):
    mesh = plsc.VectorSubcoreMesh(core_axis_name="c", subcore_axis_name="s")

    @functools.partial(
        pl.kernel,
        mesh=mesh,
        out_type=[
            jax.ShapeDtypeStruct((BATCH, _PK * EMB), jnp.float32),
            jax.ShapeDtypeStruct((BATCH, _PK * EMB), jnp.float32),
        ],
        scratch_types=[
            pltpu.VMEM((_CH,), jnp.int32),
            pltpu.VMEM((_CH,), jnp.int32),
            pltpu.VMEM((_CH, _PK * EMB), jnp.float32),
            pltpu.VMEM((_CH, _PK * EMB), jnp.float32),
            pltpu.SemaphoreType.DMA,
        ],
    )
    def gather_kernel(u_hbm, m_hbm, ut_hbm, mt_hbm, ue_out, me_out,
                      uidx, midx, urows, mrows, sem):
        wid = lax.axis_index("s") * _NC + lax.axis_index("c")
        for c in range(_BPW // _CH):
            base = wid * _BPW + c * _CH
            pltpu.sync_copy(u_hbm.at[pl.ds(base, _CH)], uidx)
            pltpu.sync_copy(m_hbm.at[pl.ds(base, _CH)], midx)

            def body(g, carry):
                gbase = g * 16
                vu = uidx[pl.ds(gbase, 16)]
                vm = midx[pl.ds(gbase, 16)]
                for j in range(16):
                    pltpu.async_copy(ut_hbm.at[vu[j]], urows.at[gbase + j], sem)
                    pltpu.async_copy(mt_hbm.at[vm[j]], mrows.at[gbase + j], sem)
                return carry

            lax.fori_loop(0, _CH // 16, body, 0)
            pltpu.make_async_copy(ut_hbm.at[pl.ds(0, _CH)], urows, sem).wait()
            pltpu.make_async_copy(mt_hbm.at[pl.ds(0, _CH)], mrows, sem).wait()
            pltpu.sync_copy(urows, ue_out.at[pl.ds(base, _CH)])
            pltpu.sync_copy(mrows, me_out.at[pl.ds(base, _CH)])

    return gather_kernel(users, movies, ut_pk, mt_pk)


def _mlp_body(up_ref, mp_ref, au_ref, am_ref, w1_ref, b1_ref, g1_ref, beta1_ref,
              w2_ref, b2_ref, g2_ref, beta2_ref, wo_ref, bo_ref, out_ref):
    f32 = jnp.float32
    lane_grp = lax.broadcasted_iota(jnp.int32, (1, _PK * EMB), 1) // EMB
    up = jnp.where(au_ref[...] == lane_grp, up_ref[...], 0.0)
    mp = jnp.where(am_ref[...] == lane_grp, mp_ref[...], 0.0)
    w1 = w1_ref[...]
    w1u = jnp.concatenate([w1[:, :EMB]] * _PK, axis=1)
    w1m = jnp.concatenate([w1[:, EMB:]] * _PK, axis=1)
    h = lax.dot_general(up, w1u, (((1,), (1,)), ((), ())),
                        preferred_element_type=f32)
    h = h + lax.dot_general(mp, w1m, (((1,), (1,)), ((), ())),
                            preferred_element_type=f32)
    h = jnp.maximum(h + b1_ref[...], 0.0)
    s1 = g1_ref[...] * _BN_SCALE
    w2s = w2_ref[...] * s1
    h2 = lax.dot_general(h, w2s, (((1,), (1,)), ((), ())),
                         preferred_element_type=f32)
    h2 = h2 + b2_ref[...] + lax.dot_general(
        beta1_ref[...], w2_ref[...], (((1,), (1,)), ((), ())),
        preferred_element_type=f32)
    h2 = jnp.maximum(h2, 0.0)
    s2 = g2_ref[...] * _BN_SCALE
    wos = wo_ref[...] * s2
    out = jnp.sum(h2 * wos, axis=1, keepdims=True)
    out_ref[...] = out + (jnp.sum(beta2_ref[...] * wos, axis=1, keepdims=True)
                          + bo_ref[...])


def _tc_mlp(up, mp, au, am, W1, b1, g1, beta1, W2, b2, g2, beta2, Wo, bo):
    BM = 2048
    grid = (BATCH // BM,)
    row = lambda i: (i, 0)
    fixed = lambda i: (0, 0)
    return pl.pallas_call(
        _mlp_body,
        grid=grid,
        in_specs=[
            pl.BlockSpec((BM, _PK * EMB), row),
            pl.BlockSpec((BM, _PK * EMB), row),
            pl.BlockSpec((BM, 1), row),
            pl.BlockSpec((BM, 1), row),
            pl.BlockSpec((HID, 2 * EMB), fixed),
            pl.BlockSpec((1, HID), fixed),
            pl.BlockSpec((1, HID), fixed),
            pl.BlockSpec((1, HID), fixed),
            pl.BlockSpec((HID, HID), fixed),
            pl.BlockSpec((1, HID), fixed),
            pl.BlockSpec((1, HID), fixed),
            pl.BlockSpec((1, HID), fixed),
            pl.BlockSpec((1, HID), fixed),
            pl.BlockSpec((1, 1), fixed),
        ],
        out_specs=pl.BlockSpec((BM, 1), row),
        out_shape=jax.ShapeDtypeStruct((BATCH, 1), jnp.float32),
    )(up, mp, au, am, W1, b1, g1, beta1, W2, b2, g2, beta2, Wo, bo)


def kernel(users, movies, user_table, movie_table,
           W1, b1, g1, beta1, W2, b2, g2, beta2, Wo, bo):
    users = users.astype(jnp.int32)
    movies = movies.astype(jnp.int32)
    ut_pk, mt_pk = _tc_transpose_pack(user_table.T, movie_table.T)
    bk = _TBL // _PK
    urow = (users // _TBL) * bk + (users % bk)
    mrow = (movies // _TBL) * bk + (movies % bk)
    ugrp = (users % _TBL) // bk
    mgrp = (movies % _TBL) // bk
    up, mp = _sc_gather(urow, mrow, ut_pk, mt_pk)
    return _tc_mlp(
        up, mp, ugrp.reshape(BATCH, 1), mgrp.reshape(BATCH, 1),
        W1,
        b1.reshape(1, HID), g1.reshape(1, HID), beta1.reshape(1, HID),
        W2, b2.reshape(1, HID), g2.reshape(1, HID), beta2.reshape(1, HID),
        Wo.reshape(1, HID), bo.reshape(1, 1),
    )

# --- scband reference (transcript-rebuilt; emitter-appended) ---
"""Pipeline reference for scband-rec-sys-model-7584912244784 (READ-ONLY COPY).

The authoritative reference and input builder live on the scoring server;
editing this copy changes nothing except your own understanding.
"""

import jax, jax.numpy as jnp
import numpy as np

N_USERS = 1000000
N_MOVIES = 1000000
BATCH = 16384
EMB = 32
HID = 64
EPS = 1e-5


def setup_inputs(seed: int = 0) -> dict:
    key = jax.random.key(seed)
    ks = jax.random.split(key, 12)
    users = jax.random.randint(ks[0], (BATCH,), 0, N_USERS, dtype=jnp.int64) if jax.config.jax_enable_x64 else jax.random.randint(ks[0], (BATCH,), 0, N_USERS, dtype=jnp.int32)
    movies = jax.random.randint(ks[1], (BATCH,), 0, N_MOVIES, dtype=users.dtype)
    user_table = jax.random.normal(ks[2], (N_USERS, EMB), dtype=jnp.float32)
    movie_table = jax.random.normal(ks[3], (N_MOVIES, EMB), dtype=jnp.float32)
    W1 = jax.random.normal(ks[4], (HID, 2 * EMB), dtype=jnp.float32) * 0.1
    b1 = jax.random.normal(ks[5], (HID,), dtype=jnp.float32) * 0.01
    W2 = jax.random.normal(ks[6], (HID, HID), dtype=jnp.float32) * 0.1
    b2 = jax.random.normal(ks[7], (HID,), dtype=jnp.float32) * 0.01
    g1 = jnp.ones((HID,), dtype=jnp.float32)
    beta1 = jnp.zeros((HID,), dtype=jnp.float32)
    g2 = jnp.ones((HID,), dtype=jnp.float32)
    beta2 = jnp.zeros((HID,), dtype=jnp.float32)
    Wo = jax.random.normal(ks[8], (1, HID), dtype=jnp.float32) * 0.1
    bo = jax.random.normal(ks[9], (1,), dtype=jnp.float32) * 0.01
    return {
        "users": users, "movies": movies,
        "user_table": user_table, "movie_table": movie_table,
        "W1": W1, "b1": b1, "g1": g1, "beta1": beta1,
        "W2": W2, "b2": b2, "g2": g2, "beta2": beta2,
        "Wo": Wo, "bo": bo,
    }


def _bn_eval(x, g, beta):
    # BatchNorm1d in eval mode with fresh running stats (mean=0, var=1)
    return x * (g / jnp.sqrt(1.0 + EPS)) + beta


def reference(users, movies, user_table, movie_table, W1, b1, g1, beta1, W2, b2, g2, beta2, Wo, bo):
    ue = jnp.take(user_table, users, axis=0)
    me = jnp.take(movie_table, movies, axis=0)
    h = jnp.concatenate([ue, me], axis=1)
    h = h @ W1.T + b1
    h = jax.nn.relu(h)
    h = _bn_eval(h, g1, beta1)  # dropout is identity in eval
    h = h @ W2.T + b2
    h = jax.nn.relu(h)
    h = _bn_eval(h, g2, beta2)
    out = h @ Wo.T + bo
    return out

if __name__ == "__main__":
    import jax
    _d = setup_inputs()
    print(jax.jit(kernel)(*tuple(_d.values())))

</pallas_src>

<mosaic_0001>
#map = affine_map<(d0, d1) -> (0)>
#map1 = affine_map<(d0, d1) -> (0, 0)>
module attributes {stable_mosaic.version = 14 : i64} {
  func.func @gather_kernel(%arg0: i32, %arg1: i32, %arg2: memref<16384xi32, #tpu.memory_space<hbm>>, %arg3: memref<16384xi32, #tpu.memory_space<hbm>>, %arg4: memref<251904x128xf32, #tpu.memory_space<hbm>>, %arg5: memref<251904x128xf32, #tpu.memory_space<hbm>>, %arg6: memref<16384x128xf32, #tpu.memory_space<hbm>>, %arg7: memref<16384x128xf32, #tpu.memory_space<hbm>>, %arg8: memref<256xi32, #tpu.memory_space<vmem>>, %arg9: memref<256xi32, #tpu.memory_space<vmem>>, %arg10: memref<256x128xf32, #tpu.memory_space<vmem>>, %arg11: memref<256x128xf32, #tpu.memory_space<vmem>>, %arg12: memref<!tpu.dma_semaphore, #tpu.memory_space<semaphore_mem>>) attributes {dimension_semantics = [#tpu.dimension_semantics<core_parallel>, #tpu.dimension_semantics<subcore_parallel>], iteration_bounds = array<i64: 2, 16>, scalar_prefetch = 0 : i64, scratch_operands = 5 : i64, tpu.core_type = #tpu.core_type<sc_vector_subcore>, window_params = [{transform_indices = #map}, {transform_indices = #map}, {transform_indices = #map1}, {transform_indices = #map1}, {transform_indices = #map1}, {transform_indices = #map1}]} {
    %mul3A = arith.constant 2 : i32
    %mul3A_0 = arith.muli %arg1, %mul3A : i32
    %add3A = arith.addi %mul3A_0, %arg0 : i32
    %mul3A_1 = arith.constant 512 : i32
    %mul3A_2 = arith.muli %add3A, %mul3A_1 : i32
    %add3A_3 = arith.constant 0 : i32
    %add3A_4 = arith.addi %mul3A_2, %add3A_3 : i32
    "tpu.region"() ({
      %run_scoped3A = tpu.sem_alloc : memref<!tpu.dma_semaphore, #tpu.memory_space<semaphore_mem>>
      %dma_start3A = tpu.memref_slice %arg2[%add3A_4] : memref<16384xi32, #tpu.memory_space<hbm>> -> memref<256xi32, #tpu.memory_space<hbm>>
      %dma_start3A_43 = tpu.memref_slice %arg2[%add3A_4] : memref<16384xi32, #tpu.memory_space<hbm>> -> memref<256xi32, #tpu.memory_space<hbm>>
      tpu.enqueue_dma source(%dma_start3A_43 : memref<256xi32, #tpu.memory_space<hbm>>) target(%arg8 : memref<256xi32, #tpu.memory_space<vmem>>) target_semaphore(%run_scoped3A : memref<!tpu.dma_semaphore, #tpu.memory_space<semaphore_mem>>)
      %dma_wait3A_44 = tpu.memref_slice %arg2[%add3A_4] : memref<16384xi32, #tpu.memory_space<hbm>> -> memref<256xi32, #tpu.memory_space<hbm>>
      %dma_wait3A_45 = tpu.memref_slice %arg2[%add3A_4] : memref<16384xi32, #tpu.memory_space<hbm>> -> memref<256xi32, #tpu.memory_space<hbm>>
      tpu.wait_dma2 semaphore(%run_scoped3A : memref<!tpu.dma_semaphore, #tpu.memory_space<semaphore_mem>>) src(%dma_wait3A_45 : memref<256xi32, #tpu.memory_space<hbm>>) dst(%arg8 : memref<256xi32, #tpu.memory_space<vmem>>)
      tpu.yield
    }) : () -> ()
    "tpu.region"() ({
      %run_scoped3A = tpu.sem_alloc : memref<!tpu.dma_semaphore, #tpu.memory_space<semaphore_mem>>
      %dma_start3A = tpu.memref_slice %arg3[%add3A_4] : memref<16384xi32, #tpu.memory_space<hbm>> -> memref<256xi32, #tpu.memory_space<hbm>>
      %dma_start3A_43 = tpu.memref_slice %arg3[%add3A_4] : memref<16384xi32, #tpu.memory_space<hbm>> -> memref<256xi32, #tpu.memory_space<hbm>>
      tpu.enqueue_dma source(%dma_start3A_43 : memref<256xi32, #tpu.memory_space<hbm>>) target(%arg9 : memref<256xi32, #tpu.memory_space<vmem>>) target_semaphore(%run_scoped3A : memref<!tpu.dma_semaphore, #tpu.memory_space<semaphore_mem>>)
      %dma_wait3A_44 = tpu.memref_slice %arg3[%add3A_4] : memref<16384xi32, #tpu.memory_space<hbm>> -> memref<256xi32, #tpu.memory_space<hbm>>
      %dma_wait3A_45 = tpu.memref_slice %arg3[%add3A_4] : memref<16384xi32, #tpu.memory_space<hbm>> -> memref<256xi32, #tpu.memory_space<hbm>>
      tpu.wait_dma2 semaphore(%run_scoped3A : memref<!tpu.dma_semaphore, #tpu.memory_space<semaphore_mem>>) src(%dma_wait3A_45 : memref<256xi32, #tpu.memory_space<hbm>>) dst(%arg9 : memref<256xi32, #tpu.memory_space<vmem>>)
      tpu.yield
    }) : () -> ()
    %scan3A = arith.constant 0 : i32
    %scan3A_5 = arith.constant 0 : i32
    %scan3A_6 = arith.constant 16 : i32
    %scan3A_7 = arith.addi %scan3A_5, %scan3A_6 : i32
    %scan3A_8 = arith.constant 1 : i32
    scf.for %scan3A_43 = %scan3A_5 to %scan3A_7 step %scan3A_8  : i32 {
      %mul3A_44 = arith.constant 16 : i32
      %mul3A_45 = arith.muli %scan3A_43, %mul3A_44 : i32
      %get3A = arith.index_cast %mul3A_45 : i32 to index
      %get3A_46 = tpu.vector_load %arg8[%get3A] {strides = array<i32>} : memref<256xi32, #tpu.memory_space<vmem>>, vector<16xi32>,
      %get3A_47 = vector.shape_cast %get3A_46 : vector<16xi32> to vector<16xi32>
      %get3A_48 = arith.index_cast %mul3A_45 : i32 to index
      %get3A_49 = tpu.vector_load %arg9[%get3A_48] {strides = array<i32>} : memref<256xi32, #tpu.memory_space<vmem>>, vector<16xi32>,
      %get3A_50 = vector.shape_cast %get3A_49 : vector<16xi32> to vector<16xi32>
      %slice3A = vector.extract_strided_slice %get3A_47 {offsets = [0], sizes = [1], strides = [1]} : vector<16xi32> to vector<1xi32>
      %squeeze3A = vector.extract %slice3A[0] : i32 from vector<1xi32>
      %add3A_51 = arith.constant 0 : i32
      %add3A_52 = arith.addi %mul3A_45, %add3A_51 : i32
      %dma_start3A = arith.constant 0 : i32
      %dma_start3A_53 = tpu.memref_slice %arg10[%add3A_52, %dma_start3A] : memref<256x128xf32, #tpu.memory_space<vmem>> -> memref<1x128xf32, #tpu.memory_space<vmem>>
      %dma_start3A_54 = tpu.memref_squeeze %dma_start3A_53 : memref<1x128xf32, #tpu.memory_space<vmem>> -> memref<128xf32, #tpu.memory_space<vmem>>
      %dma_start3A_55 = arith.constant 0 : i32
      %dma_start3A_56 = tpu.memref_slice %arg4[%squeeze3A, %dma_start3A_55] : memref<251904x128xf32, #tpu.memory_space<hbm>> -> memref<1x128xf32, #tpu.memory_space<hbm>>
      %dma_start3A_57 = tpu.memref_squeeze %dma_start3A_56 : memref<1x128xf32, #tpu.memory_space<hbm>> -> memref<128xf32, #tpu.memory_space<hbm>>
      %dma_start3A_58 = arith.constant 0 : i32
      %dma_start3A_59 = tpu.memref_slice %arg10[%add3A_52, %dma_start3A_58] : memref<256x128xf32, #tpu.memory_space<vmem>> -> memref<1x128xf32, #tpu.memory_space<vmem>>
      %dma_start3A_60 = tpu.memref_squeeze %dma_start3A_59 : memref<1x128xf32, #tpu.memory_space<vmem>> -> memref<128xf32, #tpu.memory_space<vmem>>
      %dma_start3A_61 = arith.constant 0 : i32
      %dma_start3A_62 = tpu.memref_slice %arg4[%squeeze3A, %dma_start3A_61] : memref<251904x128xf32, #tpu.memory_space<hbm>> -> memref<1x128xf32, #tpu.memory_space<hbm>>
      %dma_start3A_63 = tpu.memref_squeeze %dma_start3A_62 : memref<1x128xf32, #tpu.memory_space<hbm>> -> memref<128xf32, #tpu.memory_space<hbm>>
      tpu.enqueue_dma source(%dma_start3A_63 : memref<128xf32, #tpu.memory_space<hbm>>) target(%dma_start3A_60 : memref<128xf32, #tpu.memory_space<vmem>>) target_semaphore(%arg12 : memref<!tpu.dma_semaphore, #tpu.memory_space<semaphore_mem>>)
      %slice3A_64 = vector.extract_strided_slice %get3A_50 {offsets = [0], sizes = [1], strides = [1]} : vector<16xi32> to vector<1xi32>
      %squeeze3A_65 = vector.extract %slice3A_64[0] : i32 from vector<1xi32>
      %add3A_66 = arith.constant 0 : i32
      %add3A_67 = arith.addi %mul3A_45, %add3A_66 : i32
      %dma_start3A_68 = arith.constant 0 : i32
      %dma_start3A_69 = tpu.memref_slice %arg11[%add3A_67, %dma_start3A_68] : memref<256x128xf32, #tpu.memory_space<vmem>> -> memref<1x128xf32, #tpu.memory_space<vmem>>
      %dma_start3A_70 = tpu.memref_squeeze %dma_start3A_69 : memref<1x128xf32, #tpu.memory_space<vmem>> -> memref<128xf32, #tpu.memory_space<vmem>>
      %dma_start3A_71 = arith.constant 0 : i32
      %dma_start3A_72 = tpu.memref_slice %arg5[%squeeze3A_65, %dma_start3A_71] : memref<251904x128xf32, #tpu.memory_space<hbm>> -> memref<1x128xf32, #tpu.memory_space<hbm>>
      %dma_start3A_73 = tpu.memref_squeeze %dma_start3A_72 : memref<1x128xf32, #tpu.memory_space<hbm>> -> memref<128xf32, #tpu.memory_space<hbm>>
      %dma_start3A_74 = arith.constant 0 : i32
      %dma_start3A_75 = tpu.memref_slice %arg11[%add3A_67, %dma_start3A_74] : memref<256x128xf32, #tpu.memory_space<vmem>> -> memref<1x128xf32, #tpu.memory_space<vmem>>
      %dma_start3A_76 = tpu.memref_squeeze %dma_start3A_75 : memref<1x128xf32, #tpu.memory_space<vmem>> -> memref<128xf32, #tpu.memory_space<vmem>>
      %dma_start3A_77 = arith.constant 0 : i32
      %dma_start3A_78 = tpu.memref_slice %arg5[%squeeze3A_65, %dma_start3A_77] : memref<251904x128xf32, #tpu.memory_space<hbm>> -> memref<1x128xf32, #tpu.memory_space<hbm>>
      %dma_start3A_79 = tpu.memref_squeeze %dma_start3A_78 : memref<1x128xf32, #tpu.memory_space<hbm>> -> memref<128xf32, #tpu.memory_space<hbm>>
      tpu.enqueue_dma source(%dma_start3A_79 : memref<128xf32, #tpu.memory_space<hbm>>) target(%dma_start3A_76 : memref<128xf32, #tpu.memory_space<vmem>>) target_semaphore(%arg12 : memref<!tpu.dma_semaphore, #tpu.memory_space<semaphore_mem>>)
      %slice3A_80 = vector.extract_strided_slice %get3A_47 {offsets = [1], sizes = [1], strides = [1]} : vector<16xi32> to vector<1xi32>
      %squeeze3A_81 = vector.extract %slice3A_80[0] : i32 from vector<1xi32>
      %add3A_82 = arith.constant 1 : i32
      %add3A_83 = arith.addi %mul3A_45, %add3A_82 : i32
      %dma_start3A_84 = arith.constant 0 : i32
      %dma_start3A_85 = tpu.memref_slice %arg10[%add3A_83, %dma_start3A_84] : memref<256x128xf32, #tpu.memory_space<vmem>> -> memref<1x128xf32, #tpu.memory_space<vmem>>
      %dma_start3A_86 = tpu.memref_squeeze %dma_start3A_85 : memref<1x128xf32, #tpu.memory_space<vmem>> -> memref<128xf32, #tpu.memory_space<vmem>>
      %dma_start3A_87 = arith.constant 0 : i32
      %dma_start3A_88 = tpu.memref_slice %arg4[%squeeze3A_81, %dma_start3A_87] : memref<251904x128xf32, #tpu.memory_space<hbm>> -> memref<1x128xf32, #tpu.memory_space<hbm>>
      %dma_start3A_89 = tpu.memref_squeeze %dma_start3A_88 : memref<1x128xf32, #tpu.memory_space<hbm>> -> memref<128xf32, #tpu.memory_space<hbm>>
      %dma_start3A_90 = arith.constant 0 : i32
      %dma_start3A_91 = tpu.memref_slice %arg10[%add3A_83, %dma_start3A_90] : memref<256x128xf32, #tpu.memory_space<vmem>> -> memref<1x128xf32, #tpu.memory_space<vmem>>
      %dma_start3A_92 = tpu.memref_squeeze %dma_start3A_91 : memref<1x128xf32, #tpu.memory_space<vmem>> -> memref<128xf32, #tpu.memory_space<vmem>>
      %dma_start3A_93 = arith.constant 0 : i32
      %dma_start3A_94 = tpu.memref_slice %arg4[%squeeze3A_81, %dma_start3A_93] : memref<251904x128xf32, #tpu.memory_space<hbm>> -> memref<1x128xf32, #tpu.memory_space<hbm>>
      %dma_start3A_95 = tpu.memref_squeeze %dma_start3A_94 : memref<1x128xf32, #tpu.memory_space<hbm>> -> memref<128xf32, #tpu.memory_space<hbm>>
      tpu.enqueue_dma source(%dma_start3A_95 : memref<128xf32, #tpu.memory_space<hbm>>) target(%dma_start3A_92 : memref<128xf32, #tpu.memory_space<vmem>>) target_semaphore(%arg12 : memref<!tpu.dma_semaphore, #tpu.memory_space<semaphore_mem>>)
      %slice3A_96 = vector.extract_strided_slice %get3A_50 {offsets = [1], sizes = [1], strides = [1]} : vector<16xi32> to vector<1xi32>
      %squeeze3A_97 = vector.extract %slice3A_96[0] : i32 from vector<1xi32>
      %add3A_98 = arith.constant 1 : i32
      %add3A_99 = arith.addi %mul3A_45, %add3A_98 : i32
      %dma_start3A_100 = arith.constant 0 : i32
      %dma_start3A_101 = tpu.memref_slice %arg11[%add3A_99, %dma_start3A_100] : memref<256x128xf32, #tpu.memory_space<vmem>> -> memref<1x128xf32, #tpu.memory_space<vmem>>
      %dma_start3A_102 = tpu.memref_squeeze %dma_start3A_101 : memref<1x128xf32, #tpu.memory_space<vmem>> -> memref<128xf32, #tpu.memory_space<vmem>>
      %dma_start3A_103 = arith.constant 0 : i32
      %dma_start3A_104 = tpu.memref_slice %arg5[%squeeze3A_97, %dma_start3A_103] : memref<251904x128xf32, #tpu.memory_space<hbm>> -> memref<1x128xf32, #tpu.memory_space<hbm>>
      %dma_start3A_105 = tpu.memref_squeeze %dma_start3A_104 : memref<1x128xf32, #tpu.memory_space<hbm>> -> memref<128xf32, #tpu.memory_space<hbm>>
      %dma_start3A_106 = arith.constant 0 : i32
      %dma_start3A_107 = tpu.memref_slice %arg11[%add3A_99, %dma_start3A_106] : memref<256x128xf32, #tpu.memory_space<vmem>> -> memref<1x128xf32, #tpu.memory_space<vmem>>
      %dma_start3A_108 = tpu.memref_squeeze %dma_start3A_107 : memref<1x128xf32, #tpu.memory_space<vmem>> -> memref<128xf32, #tpu.memory_space<vmem>>
      %dma_start3A_109 = arith.constant 0 : i32
      %dma_start3A_110 = tpu.memref_slice %arg5[%squeeze3A_97, %dma_start3A_109] : memref<251904x128xf32, #tpu.memory_space<hbm>> -> memref<1x128xf32, #tpu.memory_space<hbm>>
      %dma_start3A_111 = tpu.memref_squeeze %dma_start3A_110 : memref<1x128xf32, #tpu.memory_space<hbm>> -> memref<128xf32, #tpu.memory_space<hbm>>
      tpu.enqueue_dma source(%dma_start3A_111 : memref<128xf32, #tpu.memory_space<hbm>>) target(%dma_start3A_108 : memref<128xf32, #tpu.memory_space<vmem>>) target_semaphore(%arg12 : memref<!tpu.dma_semaphore, #tpu.memory_space<semaphore_mem>>)
      %slice3A_112 = vector.extract_strided_slice %get3A_47 {offsets = [2], sizes = [1], strides = [1]} : vector<16xi32> to vector<1xi32>
      %squeeze3A_113 = vector.extract %slice3A_112[0] : i32 from vector<1xi32>
      %add3A_114 = arith.constant 2 : i32
      %add3A_115 = arith.addi %mul3A_45, %add3A_114 : i32
      %dma_start3A_116 = arith.constant 0 : i32
      %dma_start3A_117 = tpu.memref_slice %arg10[%add3A_115, %dma_start3A_116] : memref<256x128xf32, #tpu.memory_space<vmem>> -> memref<1x128xf32, #tpu.memory_space<vmem>>
      %dma_start3A_118 = tpu.memref_squeeze %dma_start3A_117 : memref<1x128xf32, #tpu.memory_space<vmem>> -> memref<128xf32, #tpu.memory_space<vmem>>
      %dma_start3A_119 = arith.constant 0 : i32
      %dma_start3A_120 = tpu.memref_slice %arg4[%squeeze3A_113, %dma_start3A_119] : memref<251904x128xf32, #tpu.memory_space<hbm>> -> memref<1x128xf32, #tpu.memory_space<hbm>>
      %dma_start3A_121 = tpu.memref_squeeze %dma_start3A_120 : memref<1x128xf32, #tpu.memory_space<hbm>> -> memref<128xf32, #tpu.memory_space<hbm>>
      %dma_start3A_122 = arith.constant 0 : i32
      %dma_start3A_123 = tpu.memref_slice %arg10[%add3A_115, %dma_start3A_122] : memref<256x128xf32, #tpu.memory_space<vmem>> -> memref<1x128xf32, #tpu.memory_space<vmem>>
      %dma_start3A_124 = tpu.memref_squeeze %dma_start3A_123 : memref<1x128xf32, #tpu.memory_space<vmem>> -> memref<128xf32, #tpu.memory_space<vmem>>
      %dma_start3A_125 = arith.constant 0 : i32
      %dma_start3A_126 = tpu.memref_slice %arg4[%squeeze3A_113, %dma_start3A_125] : memref<251904x128xf32, #tpu.memory_space<hbm>> -> memref<1x128xf32, #tpu.memory_space<hbm>>
      %dma_start3A_127 = tpu.memref_squeeze %dma_start3A_126 : memref<1x128xf32, #tpu.memory_space<hbm>> -> memref<128xf32, #tpu.memory_space<hbm>>
      tpu.enqueue_dma source(%dma_start3A_127 : memref<128xf32, #tpu.memory_space<hbm>>) target(%dma_start3A_124 : memref<128xf32, #tpu.memory_space<vmem>>) target_semaphore(%arg12 : memref<!tpu.dma_semaphore, #tpu.memory_space<semaphore_mem>>)
      %slice3A_128 = vector.extract_strided_slice %get3A_50 {offsets = [2], sizes = [1], strides = [1]} : vector<16xi32> to vector<1xi32>
      %squeeze3A_129 = vector.extract %slice3A_128[0] : i32 from vector<1xi32>
      %add3A_130 = arith.constant 2 : i32
      %add3A_131 = arith.addi %mul3A_45, %add3A_130 : i32
      %dma_start3A_132 = arith.constant 0 : i32
      %dma_start3A_133 = tpu.memref_slice %arg11[%add3A_131, %dma_start3A_132] : memref<256x128xf32, #tpu.memory_space<vmem>> -> memref<1x128xf32, #tpu.memory_space<vmem>>
      %dma_start3A_134 = tpu.memref_squeeze %dma_start3A_133 : memref<1x128xf32, #tpu.memory_space<vmem>> -> memref<128xf32, #tpu.memory_space<vmem>>
      %dma_start3A_135 = arith.constant 0 : i32
      %dma_start3A_136 = tpu.memref_slice %arg5[%squeeze3A_129, %dma_start3A_135] : memref<251904x128xf32, #tpu.memory_space<hbm>> -> memref<1x128xf32, #tpu.memory_space<hbm>>
      %dma_start3A_137 = tpu.memref_squeeze %dma_start3A_136 : memref<1x128xf32, #tpu.memory_space<hbm>> -> memref<128xf32, #tpu.memory_space<hbm>>
      %dma_start3A_138 = arith.constant 0 : i32
      %dma_start3A_139 = tpu.memref_slice %arg11[%add3A_131, %dma_start3A_138] : memref<256x128xf32, #tpu.memory_space<vmem>> -> memref<1x128xf32, #tpu.memory_space<vmem>>
      %dma_start3A_140 = tpu.memref_squeeze %dma_start3A_139 : memref<1x128xf32, #tpu.memory_space<vmem>> -> memref<128xf32, #tpu.memory_space<vmem>>
      %dma_start3A_141 = arith.constant 0 : i32
      %dma_start3A_142 = tpu.memref_slice %arg5[%squeeze3A_129, %dma_start3A_141] : memref<251904x128xf32, #tpu.memory_space<hbm>> -> memref<1x128xf32, #tpu.memory_space<hbm>>
      %dma_start3A_143 = tpu.memref_squeeze %dma_start3A_142 : memref<1x128xf32, #tpu.memory_space<hbm>> -> memref<128xf32, #tpu.memory_space<hbm>>
      tpu.enqueue_dma source(%dma_start3A_143 : memref<128xf32, #tpu.memory_space<hbm>>) target(%dma_start3A_140 : memref<128xf32, #tpu.memory_space<vmem>>) target_semaphore(%arg12 : memref<!tpu.dma_semaphore, #tpu.memory_space<semaphore_mem>>)
      %slice3A_144 = vector.extract_strided_slice %get3A_47 {offsets = [3], sizes = [1], strides = [1]} : vector<16xi32> to vector<1xi32>
      %squeeze3A_145 = vector.extract %slice3A_144[0] : i32 from vector<1xi32>
      %add3A_146 = arith.constant 3 : i32
      %add3A_147 = arith.addi %mul3A_45, %add3A_146 : i32
      %dma_start3A_148 = arith.constant 0 : i32
      %dma_start3A_149 = tpu.memref_slice %arg10[%add3A_147, %dma_start3A_148] : memref<256x128xf32, #tpu.memory_space<vmem>> -> memref<1x128xf32, #tpu.memory_space<vmem>>
      %dma_start3A_150 = tpu.memref_squeeze %dma_start3A_149 : memref<1x128xf32, #tpu.memory_space<vmem>> -> memref<128xf32, #tpu.memory_space<vmem>>
      %dma_start3A_151 = arith.constant 0 : i32
      %dma_start3A_152 = tpu.memref_slice %arg4[%squeeze3A_145, %dma_start3A_151] : memref<251904x128xf32, #tpu.memory_space<hbm>> -> memref<1x128xf32, #tpu.memory_space<hbm>>
      %dma_start3A_153 = tpu.memref_squeeze %dma_start3A_152 : memref<1x128xf32, #tpu.memory_space<hbm>> -> memref<128xf32, #tpu.memory_space<hbm>>
      %dma_start3A_154 = arith.constant 0 : i32
      %dma_start3A_155 = tpu.memref_slice %arg10[%add3A_147, %dma_start3A_154] : memref<256x128xf32, #tpu.memory_space<vmem>> -> memref<1x128xf32, #tpu.memory_space<vmem>>
      %dma_start3A_156 = tpu.memref_squeeze %dma_start3A_155 : memref<1x128xf32, #tpu.memory_space<vmem>> -> memref<128xf32, #tpu.memory_space<vmem>>
      %dma_start3A_157 = arith.constant 0 : i32
      %dma_start3A_158 = tpu.memref_slice %arg4[%squeeze3A_145, %dma_start3A_157] : memref<251904x128xf32, #tpu.memory_space<hbm>> -> memref<1x128xf32, #tpu.memory_space<hbm>>
      %dma_start3A_159 = tpu.memref_squeeze %dma_start3A_158 : memref<1x128xf32, #tpu.memory_space<hbm>> -> memref<128xf32, #tpu.memory_space<hbm>>
      tpu.enqueue_dma source(%dma_start3A_159 : memref<128xf32, #tpu.memory_space<hbm>>) target(%dma_start3A_156 : memref<128xf32, #tpu.memory_space<vmem>>) target_semaphore(%arg12 : memref<!tpu.dma_semaphore, #tpu.memory_space<semaphore_mem>>)
      %slice3A_160 = vector.extract_strided_slice %get3A_50 {offsets = [3], sizes = [1], strides = [1]} : vector<16xi32> to vector<1xi32>
      %squeeze3A_161 = vector.extract %slice3A_160[0] : i32 from vector<1xi32>
      %add3A_162 = arith.constant 3 : i32
      %add3A_163 = arith.addi %mul3A_45, %add3A_162 : i32
      %dma_start3A_164 = arith.constant 0 : i32
      %dma_start3A_165 = tpu.memref_slice %arg11[%add3A_163, %dma_start3A_164] : memref<256x128xf32, #tpu.memory_space<vmem>> -> memref<1x128xf32, #tpu.memory_space<vmem>>
      %dma_start3A_166 = tpu.memref_squeeze %dma_start3A_165 : memref<1x128xf32, #tpu.memory_space<vmem>> -> memref<128xf32, #tpu.memory_space<vmem>>
      %dma_start3A_167 = arith.constant 0 : i32
      %dma_start3A_168 = tpu.memref_slice %arg5[%squeeze3A_161, %dma_start3A_167] : memref<251904x128xf32, #tpu.memory_space<hbm>> -> memref<1x128xf32, #tpu.memory_space<hbm>>
      %dma_start3A_169 = tpu.memref_squeeze %dma_start3A_168 : memref<1x128xf32, #tpu.memory_space<hbm>> -> memref<128xf32, #tpu.memory_space<hbm>>
      %dma_start3A_170 = arith.constant 0 : i32
      %dma_start3A_171 = tpu.memref_slice %arg11[%add3A_163, %dma_start3A_170] : memref<256x128xf32, #tpu.memory_space<vmem>> -> memref<1x128xf32, #tpu.memory_space<vmem>>
      %dma_start3A_172 = tpu.memref_squeeze %dma_start3A_171 : memref<1x128xf32, #tpu.memory_space<vmem>> -> memref<128xf32, #tpu.memory_space<vmem>>
      %dma_start3A_173 = arith.constant 0 : i32
      %dma_start3A_174 = tpu.memref_slice %arg5[%squeeze3A_161, %dma_start3A_173] : memref<251904x128xf32, #tpu.memory_space<hbm>> -> memref<1x128xf32, #tpu.memory_space<hbm>>
      %dma_start3A_175 = tpu.memref_squeeze %dma_start3A_174 : memref<1x128xf32, #tpu.memory_space<hbm>> -> memref<128xf32, #tpu.memory_space<hbm>>
      tpu.enqueue_dma source(%dma_start3A_175 : memref<128xf32, #tpu.memory_space<hbm>>) target(%dma_start3A_172 : memref<128xf32, #tpu.memory_space<vmem>>) target_semaphore(%arg12 : memref<!tpu.dma_semaphore, #tpu.memory_space<semaphore_mem>>)
      %slice3A_176 = vector.extract_strided_slice %get3A_47 {offsets = [4], sizes = [1], strides = [1]} : vector<16xi32> to vector<1xi32>
      %squeeze3A_177 = vector.extract %slice3A_176[0] : i32 from vector<1xi32>
      %add3A_178 = arith.constant 4 : i32
      %add3A_179 = arith.addi %mul3A_45, %add3A_178 : i32
      %dma_start3A_180 = arith.constant 0 : i32
      %dma_start3A_181 = tpu.memref_slice %arg10[%add3A_179, %dma_start3A_180] : memref<256x128xf32, #tpu.memory_space<vmem>> -> memref<1x128xf32, #tpu.memory_space<vmem>>
      %dma_start3A_182 = tpu.memref_squeeze %dma_start3A_181 : memref<1x128xf32, #tpu.memory_space<vmem>> -> memref<128xf32, #tpu.memory_space<vmem>>
      %dma_start3A_183 = arith.constant 0 : i32
      %dma_start3A_184 = tpu.memref_slice %arg4[%squeeze3A_177, %dma_start3A_183] : memref<251904x128xf32, #tpu.memory_space<hbm>> -> memref<1x128xf32, #tpu.memory_space<hbm>>
      %dma_start3A_185 = tpu.memref_squeeze %dma_start3A_184 : memref<1x128xf32, #tpu.memory_space<hbm>> -> memref<128xf32, #tpu.memory_space<hbm>>
      %dma_start3A_186 = arith.constant 0 : i32
      %dma_start3A_187 = tpu.memref_slice %arg10[%add3A_179, %dma_start3A_186] : memref<256x128xf32, #tpu.memory_space<vmem>> -> memref<1x128xf32, #tpu.memory_space<vmem>>
      %dma_start3A_188 = tpu.memref_squeeze %dma_start3A_187 : memref<1x128xf32, #tpu.memory_space<vmem>> -> memref<128xf32, #tpu.memory_space<vmem>>
      %dma_start3A_189 = arith.constant 0 : i32
      %dma_start3A_190 = tpu.memref_slice %arg4[%squeeze3A_177, %dma_start3A_189] : memref<251904x128xf32, #tpu.memory_space<hbm>> -> memref<1x128xf32, #tpu.memory_space<hbm>>
      %dma_start3A_191 = tpu.memref_squeeze %dma_start3A_190 : memref<1x128xf32, #tpu.memory_space<hbm>> -> memref<128xf32, #tpu.memory_space<hbm>>
      tpu.enqueue_dma source(%dma_start3A_191 : memref<128xf32, #tpu.memory_space<hbm>>) target(%dma_start3A_188 : memref<128xf32, #tpu.memory_space<vmem>>) target_semaphore(%arg12 : memref<!tpu.dma_semaphore, #tpu.memory_space<semaphore_mem>>)
      %slice3A_192 = vector.extract_strided_slice %get3A_50 {offsets = [4], sizes = [1], strides = [1]} : vector<16xi32> to vector<1xi32>
      %squeeze3A_193 = vector.extract %slice3A_192[0] : i32 from vector<1xi32>
      %add3A_194 = arith.constant 4 : i32
      %add3A_195 = arith.addi %mul3A_45, %add3A_194 : i32
      %dma_start3A_196 = arith.constant 0 : i32
      %dma_start3A_197 = tpu.memref_slice %arg11[%add3A_195, %dma_start3A_196] : memref<256x128xf32, #tpu.memory_space<vmem>> -> memref<1x128xf32, #tpu.memory_space<vmem>>
      %dma_start3A_198 = tpu.memref_squeeze %dma_start3A_197 : memref<1x128xf32, #tpu.memory_space<vmem>> -> memref<128xf32, #tpu.memory_space<vmem>>
      %dma_start3A_199 = arith.constant 0 : i32
      %dma_start3A_200 = tpu.memref_slice %arg5[%squeeze3A_193, %dma_start3A_199] : memref<251904x128xf32, #tpu.memory_space<hbm>> -> memref<1x128xf32, #tpu.memory_space<hbm>>
      %dma_start3A_201 = tpu.memref_squeeze %dma_start3A_200 : memref<1x128xf32, #tpu.memory_space<hbm>> -> memref<128xf32, #tpu.memory_space<hbm>>
      %dma_start3A_202 = arith.constant 0 : i32
      %dma_start3A_203 = tpu.memref_slice %arg11[%add3A_195, %dma_start3A_202] : memref<256x128xf32, #tpu.memory_space<vmem>> -> memref<1x128xf32, #tpu.memory_space<vmem>>
      %dma_start3A_204 = tpu.memref_squeeze %dma_start3A_203 : memref<1x128xf32, #tpu.memory_space<vmem>> -> memref<128xf32, #tpu.memory_space<vmem>>
      %dma_start3A_205 = arith.constant 0 : i32
      %dma_start3A_206 = tpu.memref_slice %arg5[%squeeze3A_193, %dma_start3A_205] : memref<251904x128xf32, #tpu.memory_space<hbm>> -> memref<1x128xf32, #tpu.memory_space<hbm>>
      %dma_start3A_207 = tpu.memref_squeeze %dma_start3A_206 : memref<1x128xf32, #tpu.memory_space<hbm>> -> memref<128xf32, #tpu.memory_space<hbm>>
      tpu.enqueue_dma source(%dma_start3A_207 : memref<128xf32, #tpu.memory_space<hbm>>) target(%dma_start3A_204 : memref<128xf32, #tpu.memory_space<vmem>>) target_semaphore(%arg12 : memref<!tpu.dma_semaphore, #tpu.memory_space<semaphore_mem>>)
      %slice3A_208 = vector.extract_strided_slice %get3A_47 {offsets = [5], sizes = [1], strides = [1]} : vector<16xi32> to vector<1xi32>
      %squeeze3A_209 = vector.extract %slice3A_208[0] : i32 from vector<1xi32>
      %add3A_210 = arith.constant 5 : i32
      %add3A_211 = arith.addi %mul3A_45, %add3A_210 : i32
      %dma_start3A_212 = arith.constant 0 : i32
      %dma_start3A_213 = tpu.memref_slice %arg10[%add3A_211, %dma_start3A_212] : memref<256x128xf32, #tpu.memory_space<vmem>> -> memref<1x128xf32, #tpu.memory_space<vmem>>
      %dma_start3A_214 = tpu.memref_squeeze %dma_start3A_213 : memref<1x128xf32, #tpu.memory_space<vmem>> -> memref<128xf32, #tpu.memory_space<vmem>>
      %dma_start3A_215 = arith.constant 0 : i32
      %dma_start3A_216 = tpu.memref_slice %arg4[%squeeze3A_209, %dma_start3A_215] : memref<251904x128xf32, #tpu.memory_space<hbm>> -> memref<1x128xf32, #tpu.memory_space<hbm>>
      %dma_start3A_217 = tpu.memref_squeeze %dma_start3A_216 : memref<1x128xf32, #tpu.memory_space<hbm>> -> memref<128xf32, #tpu.memory_space<hbm>>
      %dma_start3A_218 = arith.constant 0 : i32
      %dma_start3A_219 = tpu.memref_slice %arg10[%add3A_211, %dma_start3A_218] : memref<256x128xf32, #tpu.memory_space<vmem>> -> memref<1x128xf32, #tpu.memory_space<vmem>>
      %dma_start3A_220 = tpu.memref_squeeze %dma_start3A_219 : memref<1x128xf32, #tpu.memory_space<vmem>> -> memref<128xf32, #tpu.memory_space<vmem>>
      %dma_start3A_221 = arith.constant 0 : i32
      %dma_start3A_222 = tpu.memref_slice %arg4[%squeeze3A_209, %dma_start3A_221] : memref<251904x128xf32, #tpu.memory_space<hbm>> -> memref<1x128xf32, #tpu.memory_space<hbm>>
      %dma_start3A_223 = tpu.memref_squeeze %dma_start3A_222 : memref<1x128xf32, #tpu.memory_space<hbm>> -> memref<128xf32, #tpu.memory_space<hbm>>
      tpu.enqueue_dma source(%dma_start3A_223 : memref<128xf32, #tpu.memory_space<hbm>>) target(%dma_start3A_220 : memref<128xf32, #tpu.memory_space<vmem>>) target_semaphore(%arg12 : memref<!tpu.dma_semaphore, #tpu.memory_space<semaphore_mem>>)
      %slice3A_224 = vector.extract_strided_slice %get3A_50 {offsets = [5], sizes = [1], strides = [1]} : vector<16xi32> to vector<1xi32>
      %squeeze3A_225 = vector.extract %slice3A_224[0] : i32 from vector<1xi32>
      %add3A_226 = arith.constant 5 : i32
      %add3A_227 = arith.addi %mul3A_45, %add3A_226 : i32
      %dma_start3A_228 = arith.constant 0 : i32
      %dma_start3A_229 = tpu.memref_slice %arg11[%add3A_227, %dma_start3A_228] : memref<256x128xf32, #tpu.memory_space<vmem>> -> memref<1x128xf32, #tpu.memory_space<vmem>>
      %dma_start3A_230 = tpu.memref_squeeze %dma_start3A_229 : memref<1x128xf32, #tpu.memory_space<vmem>> -> memref<128xf32, #tpu.memory_space<vmem>>
      %dma_start3A_231 = arith.constant 0 : i32
      %dma_start3A_232 = tpu.memref_slice %arg5[%squeeze3A_225, %dma_start3A_231] : memref<251904x128xf32, #tpu.memory_space<hbm>> -> memref<1x128xf32, #tpu.memory_space<hbm>>
      %dma_start3A_233 = tpu.memref_squeeze %dma_start3A_232 : memref<1x128xf32, #tpu.memory_space<hbm>> -> memref<128xf32, #tpu.memory_space<hbm>>
      %dma_start3A_234 = arith.constant 0 : i32
      %dma_start3A_235 = tpu.memref_slice %arg11[%add3A_227, %dma_start3A_234] : memref<256x128xf32, #tpu.memory_space<vmem>> -> memref<1x128xf32, #tpu.memory_space<vmem>>
      %dma_start3A_236 = tpu.memref_squeeze %dma_start3A_235 : memref<1x128xf32, #tpu.memory_space<vmem>> -> memref<128xf32, #tpu.memory_space<vmem>>
      %dma_start3A_237 = arith.constant 0 : i32
      %dma_start3A_238 = tpu.memref_slice %arg5[%squeeze3A_225, %dma_start3A_237] : memref<251904x128xf32, #tpu.memory_space<hbm>> -> memref<1x128xf32, #tpu.memory_space<hbm>>
      %dma_start3A_239 = tpu.memref_squeeze %dma_start3A_238 : memref<1x128xf32, #tpu.memory_space<hbm>> -> memref<128xf32, #tpu.memory_space<hbm>>
      tpu.enqueue_dma source(%dma_start3A_239 : memref<128xf32, #tpu.memory_space<hbm>>) target(%dma_start3A_236 : memref<128xf32, #tpu.memory_space<vmem>>) target_semaphore(%arg12 : memref<!tpu.dma_semaphore, #tpu.memory_space<semaphore_mem>>)
      %slice3A_240 = vector.extract_strided_slice %get3A_47 {offsets = [6], sizes = [1], strides = [1]} : vector<16xi32> to vector<1xi32>
      %squeeze3A_241 = vector.extract %slice3A_240[0] : i32 from vector<1xi32>
      %add3A_242 = arith.constant 6 : i32
      %add3A_243 = arith.addi %mul3A_45, %add3A_242 : i32
      %dma_start3A_244 = arith.constant 0 : i32
      %dma_start3A_245 = tpu.memref_slice %arg10[%add3A_243, %dma_start3A_244] : memref<256x128xf32, #tpu.memory_space<vmem>> -> memref<1x128xf32, #tpu.memory_space<vmem>>
      %dma_start3A_246 = tpu.memref_squeeze %dma_start3A_245 : memref<1x128xf32, #tpu.memory_space<vmem>> -> memref<128xf32, #tpu.memory_space<vmem>>
      %dma_start3A_247 = arith.constant 0 : i32
      %dma_start3A_248 = tpu.memref_slice %arg4[%squeeze3A_241, %dma_start3A_247] : memref<251904x128xf32, #tpu.memory_space<hbm>> -> memref<1x128xf32, #tpu.memory_space<hbm>>
      %dma_start3A_249 = tpu.memref_squeeze %dma_start3A_248 : memref<1x128xf32, #tpu.memory_space<hbm>> -> memref<128xf32, #tpu.memory_space<hbm>>
      %dma_start3A_250 = arith.constant 0 : i32
      %dma_start3A_251 = tpu.memref_slice %arg10[%add3A_243, %dma_start3A_250] : memref<256x128xf32, #tpu.memory_space<vmem>> -> memref<1x128xf32, #tpu.memory_space<vmem>>
      %dma_start3A_252 = tpu.memref_squeeze %dma_start3A_251 : memref<1x128xf32, #tpu.memory_space<vmem>> -> memref<128xf32, #tpu.memory_space<vmem>>
      %dma_start3A_253 = arith.constant 0 : i32
      %dma_start3A_254 = tpu.memref_slice %arg4[%squeeze3A_241, %dma_start3A_253] : memref<251904x128xf32, #tpu.memory_space<hbm>> -> memref<1x128xf32, #tpu.memory_space<hbm>>
      %dma_start3A_255 = tpu.memref_squeeze %dma_start3A_254 : memref<1x128xf32, #tpu.memory_space<hbm>> -> memref<128xf32, #tpu.memory_space<hbm>>
      tpu.enqueue_dma source(%dma_start3A_255 : memref<128xf32, #tpu.memory_space<hbm>>) target(%dma_start3A_252 : memref<128xf32, #tpu.memory_space<vmem>>) target_semaphore(%arg12 : memref<!tpu.dma_semaphore, #tpu.memory_space<semaphore_mem>>)
      %slice3A_256 = vector.extract_strided_slice %get3A_50 {offsets = [6], sizes = [1], strides = [1]} : vector<16xi32> to vector<1xi32>
      %squeeze3A_257 = vector.extract %slice3A_256[0] : i32 from vector<1xi32>
      %add3A_258 = arith.constant 6 : i32
      %add3A_259 = arith.addi %mul3A_45, %add3A_258 : i32
      %dma_start3A_260 = arith.constant 0 : i32
      %dma_start3A_261 = tpu.memref_slice %arg11[%add3A_259, %dma_start3A_260] : memref<256x128xf32, #tpu.memory_space<vmem>> -> memref<1x128xf32, #tpu.memory_space<vmem>>
      %dma_start3A_262 = tpu.memref_squeeze %dma_start3A_261 : memref<1x128xf32, #tpu.memory_space<vmem>> -> memref<128xf32, #tpu.memory_space<vmem>>
      %dma_start3A_263 = arith.constant 0 : i32
      %dma_start3A_264 = tpu.memref_slice %arg5[%squeeze3A_257, %dma_start3A_263] : memref<251904x128xf32, #tpu.memory_space<hbm>> -> memref<1x128xf32, #tpu.memory_space<hbm>>
      %dma_start3A_265 = tpu.memref_squeeze %dma_start3A_264 : memref<1x128xf32, #tpu.memory_space<hbm>> -> memref<128xf32, #tpu.memory_space<hbm>>
      %dma_start3A_266 = arith.constant 0 : i32
      %dma_start3A_267 = tpu.memref_slice %arg11[%add3A_259, %dma_start3A_266] : memref<256x128xf32, #tpu.memory_space<vmem>> -> memref<1x128xf32, #tpu.memory_space<vmem>>
      %dma_start3A_268 = tpu.memref_squeeze %dma_start3A_267 : memref<1x128xf32, #tpu.memory_space<vmem>> -> memref<128xf32, #tpu.memory_space<vmem>>
      %dma_start3A_269 = arith.constant 0 : i32
      %dma_start3A_270 = tpu.memref_slice %arg5[%squeeze3A_257, %dma_start3A_269] : memref<251904x128xf32, #tpu.memory_space<hbm>> -> memref<1x128xf32, #tpu.memory_space<hbm>>
      %dma_start3A_271 = tpu.memref_squeeze %dma_start3A_270 : memref<1x128xf32, #tpu.memory_space<hbm>> -> memref<128xf32, #tpu.memory_space<hbm>>
      tpu.enqueue_dma source(%dma_start3A_271 : memref<128xf32, #tpu.memory_space<hbm>>) target(%dma_start3A_268 : memref<128xf32, #tpu.memory_space<vmem>>) target_semaphore(%arg12 : memref<!tpu.dma_semaphore, #tpu.memory_space<semaphore_mem>>)
      %slice3A_272 = vector.extract_strided_slice %get3A_47 {offsets = [7], sizes = [1], strides = [1]} : vector<16xi32> to vector<1xi32>
      %squeeze3A_273 = vector.extract %slice3A_272[0] : i32 from vector<1xi32>
      %add3A_274 = arith.constant 7 : i32
      %add3A_275 = arith.addi %mul3A_45, %add3A_274 : i32
      %dma_start3A_276 = arith.constant 0 : i32
      %dma_start3A_277 = tpu.memref_slice %arg10[%add3A_275, %dma_start3A_276] : memref<256x128xf32, #tpu.memory_space<vmem>> -> memref<1x128xf32, #tpu.memory_space<vmem>>
      %dma_start3A_278 = tpu.memref_squeeze %dma_start3A_277 : memref<1x128xf32, #tpu.memory_space<vmem>> -> memref<128xf32, #tpu.memory_space<vmem>>
      %dma_start3A_279 = arith.constant 0 : i32
      %dma_start3A_280 = tpu.memref_slice %arg4[%squeeze3A_273, %dma_start3A_279] : memref<251904x128xf32, #tpu.memory_space<hbm>> -> memref<1x128xf32, #tpu.memory_space<hbm>>
      %dma_start3A_281 = tpu.memref_squeeze %dma_start3A_280 : memref<1x128xf32, #tpu.memory_space<hbm>> -> memref<128xf32, #tpu.memory_space<hbm>>
      %dma_start3A_282 = arith.constant 0 : i32
      %dma_start3A_283 = tpu.memref_slice %arg10[%add3A_275, %dma_start3A_282] : memref<256x128xf32, #tpu.memory_space<vmem>> -> memref<1x128xf32, #tpu.memory_space<vmem>>
      %dma_start3A_284 = tpu.memref_squeeze %dma_start3A_283 : memref<1x128xf32, #tpu.memory_space<vmem>> -> memref<128xf32, #tpu.memory_space<vmem>>
      %dma_start3A_285 = arith.constant 0 : i32
      %dma_start3A_286 = tpu.memref_slice %arg4[%squeeze3A_273, %dma_start3A_285] : memref<251904x128xf32, #tpu.memory_space<hbm>> -> memref<1x128xf32, #tpu.memory_space<hbm>>
      %dma_start3A_287 = tpu.memref_squeeze %dma_start3A_286 : memref<1x128xf32, #tpu.memory_space<hbm>> -> memref<128xf32, #tpu.memory_space<hbm>>
      tpu.enqueue_dma source(%dma_start3A_287 : memref<128xf32, #tpu.memory_space<hbm>>) target(%dma_start3A_284 : memref<128xf32, #tpu.memory_space<vmem>>) target_semaphore(%arg12 : memref<!tpu.dma_semaphore, #tpu.memory_space<semaphore_mem>>)
      %slice3A_288 = vector.extract_strided_slice %get3A_50 {offsets = [7], sizes = [1], strides = [1]} : vector<16xi32> to vector<1xi32>
      %squeeze3A_289 = vector.extract %slice3A_288[0] : i32 from vector<1xi32>
      %add3A_290 = arith.constant 7 : i32
      %add3A_291 = arith.addi %mul3A_45, %add3A_290 : i32
      %dma_start3A_292 = arith.constant 0 : i32
      %dma_start3A_293 = tpu.memref_slice %arg11[%add3A_291, %dma_start3A_292] : memref<256x128xf32, #tpu.memory_space<vmem>> -> memref<1x128xf32, #tpu.memory_space<vmem>>
      %dma_start3A_294 = tpu.memref_squeeze %dma_start3A_293 : memref<1x128xf32, #tpu.memory_space<vmem>> -> memref<128xf32, #tpu.memory_space<vmem>>
      %dma_start3A_295 = arith.constant 0 : i32
      %dma_start3A_296 = tpu.memref_slice %arg5[%squeeze3A_289, %dma_start3A_295] : memref<251904x128xf32, #tpu.memory_space<hbm>> -> memref<1x128xf32, #tpu.memory_space<hbm>>
      %dma_start3A_297 = tpu.memref_squeeze %dma_start3A_296 : memref<1x128xf32, #tpu.memory_space<hbm>> -> memref<128xf32, #tpu.memory_space<hbm>>
      %dma_start3A_298 = arith.constant 0 : i32
      %dma_start3A_299 = tpu.memref_slice %arg11[%add3A_291, %dma_start3A_298] : memref<256x128xf32, #tpu.memory_space<vmem>> -> memref<1x128xf32, #tpu.memory_space<vmem>>
      %dma_start3A_300 = tpu.memref_squeeze %dma_start3A_299 : memref<1x128xf32, #tpu.memory_space<vmem>> -> memref<128xf32, #tpu.memory_space<vmem>>
      %dma_start3A_301 = arith.constant 0 : i32
      %dma_start3A_302 = tpu.memref_slice %arg5[%squeeze3A_289, %dma_start3A_301] : memref<251904x128xf32, #tpu.memory_space<hbm>> -> memref<1x128xf32, #tpu.memory_space<hbm>>
      %dma_start3A_303 = tpu.memref_squeeze %dma_start3A_302 : memref<1x128xf32, #tpu.memory_space<hbm>> -> memref<128xf32, #tpu.memory_space<hbm>>
      tpu.enqueue_dma source(%dma_start3A_303 : memref<128xf32, #tpu.memory_space<hbm>>) target(%dma_start3A_300 : memref<128xf32, #tpu.memory_space<vmem>>) target_semaphore(%arg12 : memref<!tpu.dma_semaphore, #tpu.memory_space<semaphore_mem>>)
      %slice3A_304 = vector.extract_strided_slice %get3A_47 {offsets = [8], sizes = [1], strides = [1]} : vector<16xi32> to vector<1xi32>
      %squeeze3A_305 = vector.extract %slice3A_304[0] : i32 from vector<1xi32>
      %add3A_306 = arith.constant 8 : i32
      %add3A_307 = arith.addi %mul3A_45, %add3A_306 : i32
      %dma_start3A_308 = arith.constant 0 : i32
      %dma_start3A_309 = tpu.memref_slice %arg10[%add3A_307, %dma_start3A_308] : memref<256x128xf32, #tpu.memory_space<vmem>> -> memref<1x128xf32, #tpu.memory_space<vmem>>
      %dma_start3A_310 = tpu.memref_squeeze %dma_start3A_309 : memref<1x128xf32, #tpu.memory_space<vmem>> -> memref<128xf32, #tpu.memory_space<vmem>>
      %dma_start3A_311 = arith.constant 0 : i32
      %dma_start3A_312 = tpu.memref_slice %arg4[%squeeze3A_305, %dma_start3A_311] : memref<251904x128xf32, #tpu.memory_space<hbm>> -> memref<1x128xf32, #tpu.memory_space<hbm>>
      %dma_start3A_313 = tpu.memref_squeeze %dma_start3A_312 : memref<1x128xf32, #tpu.memory_space<hbm>> -> memref<128xf32, #tpu.memory_space<hbm>>
      %dma_start3A_314 = arith.constant 0 : i32
      %dma_start3A_315 = tpu.memref_slice %arg10[%add3A_307, %dma_start3A_314] : memref<256x128xf32, #tpu.memory_space<vmem>> -> memref<1x128xf32, #tpu.memory_space<vmem>>
      %dma_start3A_316 = tpu.memref_squeeze %dma_start3A_315 : memref<1x128xf32, #tpu.memory_space<vmem>> -> memref<128xf32, #tpu.memory_space<vmem>>
      %dma_start3A_317 = arith.constant 0 : i32
      %dma_start3A_318 = tpu.memref_slice %arg4[%squeeze3A_305, %dma_start3A_317] : memref<251904x128xf32, #tpu.memory_space<hbm>> -> memref<1x128xf32, #tpu.memory_space<hbm>>
      %dma_start3A_319 = tpu.memref_squeeze %dma_start3A_318 : memref<1x128xf32, #tpu.memory_space<hbm>> -> memref<128xf32, #tpu.memory_space<hbm>>
      tpu.enqueue_dma source(%dma_start3A_319 : memref<128xf32, #tpu.memory_space<hbm>>) target(%dma_start3A_316 : memref<128xf32, #tpu.memory_space<vmem>>) target_semaphore(%arg12 : memref<!tpu.dma_semaphore, #tpu.memory_space<semaphore_mem>>)
      %slice3A_320 = vector.extract_strided_slice %get3A_50 {offsets = [8], sizes = [1], strides = [1]} : vector<16xi32> to vector<1xi32>
      %squeeze3A_321 = vector.extract %slice3A_320[0] : i32 from vector<1xi32>
      %add3A_322 = arith.constant 8 : i32
      %add3A_323 = arith.addi %mul3A_45, %add3A_322 : i32
      %dma_start3A_324 = arith.constant 0 : i32
      %dma_start3A_325 = tpu.memref_slice %arg11[%add3A_323, %dma_start3A_324] : memref<256x128xf32, #tpu.memory_space<vmem>> -> memref<1x128xf32, #tpu.memory_space<vmem>>
      %dma_start3A_326 = tpu.memref_squeeze %dma_start3A_325 : memref<1x128xf32, #tpu.memory_space<vmem>> -> memref<128xf32, #tpu.memory_space<vmem>>
      %dma_start3A_327 = arith.constant 0 : i32
      %dma_start3A_328 = tpu.memref_slice %arg5[%squeeze3A_321, %dma_start3A_327] : memref<251904x128xf32, #tpu.memory_space<hbm>> -> memref<1x128xf32, #tpu.memory_space<hbm>>
      %dma_start3A_329 = tpu.memref_squeeze %dma_start3A_328 : memref<1x128xf32, #tpu.memory_space<hbm>> -> memref<128xf32, #tpu.memory_space<hbm>>
      %dma_start3A_330 = arith.constant 0 : i32
      %dma_start3A_331 = tpu.memref_slice %arg11[%add3A_323, %dma_start3A_330] : memref<256x128xf32, #tpu.memory_space<vmem>> -> memref<1x128xf32, #tpu.memory_space<vmem>>
      %dma_start3A_332 = tpu.memref_squeeze %dma_start3A_331 : memref<1x128xf32, #tpu.memory_space<vmem>> -> memref<128xf32, #tpu.memory_space<vmem>>
      %dma_start3A_333 = arith.constant 0 : i32
      %dma_start3A_334 = tpu.memref_slice %arg5[%squeeze3A_321, %dma_start3A_333] : memref<251904x128xf32, #tpu.memory_space<hbm>> -> memref<1x128xf32, #tpu.memory_space<hbm>>
      %dma_start3A_335 = tpu.memref_squeeze %dma_start3A_334 : memref<1x128xf32, #tpu.memory_space<hbm>> -> memref<128xf32, #tpu.memory_space<hbm>>
      tpu.enqueue_dma source(%dma_start3A_335 : memref<128xf32, #tpu.memory_space<hbm>>) target(%dma_start3A_332 : memref<128xf32, #tpu.memory_space<vmem>>) target_semaphore(%arg12 : memref<!tpu.dma_semaphore, #tpu.memory_space<semaphore_mem>>)
      %slice3A_336 = vector.extract_strided_slice %get3A_47 {offsets = [9], sizes = [1], strides = [1]} : vector<16xi32> to vector<1xi32>
      %squeeze3A_337 = vector.extract %slice3A_336[0] : i32 from vector<1xi32>
      %add3A_338 = arith.constant 9 : i32
      %add3A_339 = arith.addi %mul3A_45, %add3A_338 : i32
      %dma_start3A_340 = arith.constant 0 : i32
      %dma_start3A_341 = tpu.memref_slice %arg10[%add3A_339, %dma_start3A_340] : memref<256x128xf32, #tpu.memory_space<vmem>> -> memref<1x128xf32, #tpu.memory_space<vmem>>
      %dma_start3A_342 = tpu.memref_squeeze %dma_start3A_341 : memref<1x128xf32, #tpu.memory_space<vmem>> -> memref<128xf32, #tpu.memory_space<vmem>>
      %dma_start3A_343 = arith.constant 0 : i32
      %dma_start3A_344 = tpu.memref_slice %arg4[%squeeze3A_337, %dma_start3A_343] : memref<251904x128xf32, #tpu.memory_space<hbm>> -> memref<1x128xf32, #tpu.memory_space<hbm>>
      %dma_start3A_345 = tpu.memref_squeeze %dma_start3A_344 : memref<1x128xf32, #tpu.memory_space<hbm>> -> memref<128xf32, #tpu.memory_space<hbm>>
      %dma_start3A_346 = arith.constant 0 : i32
      %dma_start3A_347 = tpu.memref_slice %arg10[%add3A_339, %dma_start3A_346] : memref<256x128xf32, #tpu.memory_space<vmem>> -> memref<1x128xf32, #tpu.memory_space<vmem>>
      %dma_start3A_348 = tpu.memref_squeeze %dma_start3A_347 : memref<1x128xf32, #tpu.memory_space<vmem>> -> memref<128xf32, #tpu.memory_space<vmem>>
      %dma_start3A_349 = arith.constant 0 : i32
      %dma_start3A_350 = tpu.memref_slice %arg4[%squeeze3A_337, %dma_start3A_349] : memref<251904x128xf32, #tpu.memory_space<hbm>> -> memref<1x128xf32, #tpu.memory_space<hbm>>
      %dma_start3A_351 = tpu.memref_squeeze %dma_start3A_350 : memref<1x128xf32, #tpu.memory_space<hbm>> -> memref<128xf32, #tpu.memory_space<hbm>>
      tpu.enqueue_dma source(%dma_start3A_351 : memref<128xf32, #tpu.memory_space<hbm>>) target(%dma_start3A_348 : memref<128xf32, #tpu.memory_space<vmem>>) target_semaphore(%arg12 : memref<!tpu.dma_semaphore, #tpu.memory_space<semaphore_mem>>)
      %slice3A_352 = vector.extract_strided_slice %get3A_50 {offsets = [9], sizes = [1], strides = [1]} : vector<16xi32> to vector<1xi32>
      %squeeze3A_353 = vector.extract %slice3A_352[0] : i32 from vector<1xi32>
      %add3A_354 = arith.constant 9 : i32
      %add3A_355 = arith.addi %mul3A_45, %add3A_354 : i32
      %dma_start3A_356 = arith.constant 0 : i32
      %dma_start3A_357 = tpu.memref_slice %arg11[%add3A_355, %dma_start3A_356] : memref<256x128xf32, #tpu.memory_space<vmem>> -> memref<1x128xf32, #tpu.memory_space<vmem>>
      %dma_start3A_358 = tpu.memref_squeeze %dma_start3A_357 : memref<1x128xf32, #tpu.memory_space<vmem>> -> memref<128xf32, #tpu.memory_space<vmem>>
      %dma_start3A_359 = arith.constant 0 : i32
      %dma_start3A_360 = tpu.memref_slice %arg5[%squeeze3A_353, %dma_start3A_359] : memref<251904x128xf32, #tpu.memory_space<hbm>> -> memref<1x128xf32, #tpu.memory_space<hbm>>
      %dma_start3A_361 = tpu.memref_squeeze %dma_start3A_360 : memref<1x128xf32, #tpu.memory_space<hbm>> -> memref<128xf32, #tpu.memory_space<hbm>>
      %dma_start3A_362 = arith.constant 0 : i32
      %dma_start3A_363 = tpu.memref_slice %arg11[%add3A_355, %dma_start3A_362] : memref<256x128xf32, #tpu.memory_space<vmem>> -> memref<1x128xf32, #tpu.memory_space<vmem>>
      %dma_start3A_364 = tpu.memref_squeeze %dma_start3A_363 : memref<1x128xf32, #tpu.memory_space<vmem>> -> memref<128xf32, #tpu.memory_space<vmem>>
      %dma_start3A_365 = arith.constant 0 : i32
      %dma_start3A_366 = tpu.memref_slice %arg5[%squeeze3A_353, %dma_start3A_365] : memref<251904x128xf32, #tpu.memory_space<hbm>> -> memref<1x128xf32, #tpu.memory_space<hbm>>
      %dma_start3A_367 = tpu.memref_squeeze %dma_start3A_366 : memref<1x128xf32, #tpu.memory_space<hbm>> -> memref<128xf32, #tpu.memory_space<hbm>>
      tpu.enqueue_dma source(%dma_start3A_367 : memref<128xf32, #tpu.memory_space<hbm>>) target(%dma_start3A_364 : memref<128xf32, #tpu.memory_space<vmem>>) target_semaphore(%arg12 : memref<!tpu.dma_semaphore, #tpu.memory_space<semaphore_mem>>)
      %slice3A_368 = vector.extract_strided_slice %get3A_47 {offsets = [10], sizes = [1], strides = [1]} : vector<16xi32> to vector<1xi32>
      %squeeze3A_369 = vector.extract %slice3A_368[0] : i32 from vector<1xi32>
      %add3A_370 = arith.constant 10 : i32
      %add3A_371 = arith.addi %mul3A_45, %add3A_370 : i32
      %dma_start3A_372 = arith.constant 0 : i32
      %dma_start3A_373 = tpu.memref_slice %arg10[%add3A_371, %dma_start3A_372] : memref<256x128xf32, #tpu.memory_space<vmem>> -> memref<1x128xf32, #tpu.memory_space<vmem>>
      %dma_start3A_374 = tpu.memref_squeeze %dma_start3A_373 : memref<1x128xf32, #tpu.memory_space<vmem>> -> memref<128xf32, #tpu.memory_space<vmem>>
      %dma_start3A_375 = arith.constant 0 : i32
      %dma_start3A_376 = tpu.memref_slice %arg4[%squeeze3A_369, %dma_start3A_375] : memref<251904x128xf32, #tpu.memory_space<hbm>> -> memref<1x128xf32, #tpu.memory_space<hbm>>
      %dma_start3A_377 = tpu.memref_squeeze %dma_start3A_376 : memref<1x128xf32, #tpu.memory_space<hbm>> -> memref<128xf32, #tpu.memory_space<hbm>>
      %dma_start3A_378 = arith.constant 0 : i32
      %dma_start3A_379 = tpu.memref_slice %arg10[%add3A_371, %dma_start3A_378] : memref<256x128xf32, #tpu.memory_space<vmem>> -> memref<1x128xf32, #tpu.memory_space<vmem>>
      %dma_start3A_380 = tpu.memref_squeeze %dma_start3A_379 : memref<1x128xf32, #tpu.memory_space<vmem>> -> memref<128xf32, #tpu.memory_space<vmem>>
      %dma_start3A_381 = arith.constant 0 : i32
      %dma_start3A_382 = tpu.memref_slice %arg4[%squeeze3A_369, %dma_start3A_381] : memref<251904x128xf32, #tpu.memory_space<hbm>> -> memref<1x128xf32, #tpu.memory_space<hbm>>
      %dma_start3A_383 = tpu.memref_squeeze %dma_start3A_382 : memref<1x128xf32, #tpu.memory_space<hbm>> -> memref<128xf32, #tpu.memory_space<hbm>>
      tpu.enqueue_dma source(%dma_start3A_383 : memref<128xf32, #tpu.memory_space<hbm>>) target(%dma_start3A_380 : memref<128xf32, #tpu.memory_space<vmem>>) target_semaphore(%arg12 : memref<!tpu.dma_semaphore, #tpu.memory_space<semaphore_mem>>)
      %slice3A_384 = vector.extract_strided_slice %get3A_50 {offsets = [10], sizes = [1], strides = [1]} : vector<16xi32> to vector<1xi32>
      %squeeze3A_385 = vector.extract %slice3A_384[0] : i32 from vector<1xi32>
      %add3A_386 = arith.constant 10 : i32
      %add3A_387 = arith.addi %mul3A_45, %add3A_386 : i32
      %dma_start3A_388 = arith.constant 0 : i32
      %dma_start3A_389 = tpu.memref_slice %arg11[%add3A_387, %dma_start3A_388] : memref<256x128xf32, #tpu.memory_space<vmem>> -> memref<1x128xf32, #tpu.memory_space<vmem>>
      %dma_start3A_390 = tpu.memref_squeeze %dma_start3A_389 : memref<1x128xf32, #tpu.memory_space<vmem>> -> memref<128xf32, #tpu.memory_space<vmem>>
      %dma_start3A_391 = arith.constant 0 : i32
      %dma_start3A_392 = tpu.memref_slice %arg5[%squeeze3A_385, %dma_start3A_391] : memref<251904x128xf32, #tpu.memory_space<hbm>> -> memref<1x128xf32, #tpu.memory_space<hbm>>
      %dma_start3A_393 = tpu.memref_squeeze %dma_start3A_392 : memref<1x128xf32, #tpu.memory_space<hbm>> -> memref<128xf32, #tpu.memory_space<hbm>>
      %dma_start3A_394 = arith.constant 0 : i32
      %dma_start3A_395 = tpu.memref_slice %arg11[%add3A_387, %dma_start3A_394] : memref<256x128xf32, #tpu.memory_space<vmem>> -> memref<1x128xf32, #tpu.memory_space<vmem>>
      %dma_start3A_396 = tpu.memref_squeeze %dma_start3A_395 : memref<1x128xf32, #tpu.memory_space<vmem>> -> memref<128xf32, #tpu.memory_space<vmem>>
      %dma_start3A_397 = arith.constant 0 : i32
      %dma_start3A_398 = tpu.memref_slice %arg5[%squeeze3A_385, %dma_start3A_397] : memref<251904x128xf32, #tpu.memory_space<hbm>> -> memref<1x128xf32, #tpu.memory_space<hbm>>
      %dma_start3A_399 = tpu.memref_squeeze %dma_start3A_398 : memref<1x128xf32, #tpu.memory_space<hbm>> -> memref<128xf32, #tpu.memory_space<hbm>>
      tpu.enqueue_dma source(%dma_start3A_399 : memref<128xf32, #tpu.memory_space<hbm>>) target(%dma_start3A_396 : memref<128xf32, #tpu.memory_space<vmem>>) target_semaphore(%arg12 : memref<!tpu.dma_semaphore, #tpu.memory_space<semaphore_mem>>)
      %slice3A_400 = vector.extract_strided_slice %get3A_47 {offsets = [11], sizes = [1], strides = [1]} : vector<16xi32> to vector<1xi32>
      %squeeze3A_401 = vector.extract %slice3A_400[0] : i32 from vector<1xi32>
      %add3A_402 = arith.constant 11 : i32
      %add3A_403 = arith.addi %mul3A_45, %add3A_402 : i32
      %dma_start3A_404 = arith.constant 0 : i32
      %dma_start3A_405 = tpu.memref_slice %arg10[%add3A_403, %dma_start3A_404] : memref<256x128xf32, #tpu.memory_space<vmem>> -> memref<1x128xf32, #tpu.memory_space<vmem>>
      %dma_start3A_406 = tpu.memref_squeeze %dma_start3A_405 : memref<1x128xf32, #tpu.memory_space<vmem>> -> memref<128xf32, #tpu.memory_space<vmem>>
      %dma_start3A_407 = arith.constant 0 : i32
      %dma_start3A_408 = tpu.memref_slice %arg4[%squeeze3A_401, %dma_start3A_407] : memref<251904x128xf32, #tpu.memory_space<hbm>> -> memref<1x128xf32, #tpu.memory_space<hbm>>
      %dma_start3A_409 = tpu.memref_squeeze %dma_start3A_408 : memref<1x128xf32, #tpu.memory_space<hbm>> -> memref<128xf32, #tpu.memory_space<hbm>>
      %dma_start3A_410 = arith.constant 0 : i32
      %dma_start3A_411 = tpu.memref_slice %arg10[%add3A_403, %dma_start3A_410] : memref<256x128xf32, #tpu.memory_space<vmem>> -> memref<1x128xf32, #tpu.memory_space<vmem>>
      %dma_start3A_412 = tpu.memref_squeeze %dma_start3A_411 : memref<1x128xf32, #tpu.memory_space<vmem>> -> memref<128xf32, #tpu.memory_space<vmem>>
      %dma_start3A_413 = arith.constant 0 : i32
      %dma_start3A_414 = tpu.memref_slice %arg4[%squeeze3A_401, %dma_start3A_413] : memref<251904x128xf32, #tpu.memory_space<hbm>> -> memref<1x128xf32, #tpu.memory_space<hbm>>
      %dma_start3A_415 = tpu.memref_squeeze %dma_start3A_414 : memref<1x128xf32, #tpu.memory_space<hbm>> -> memref<128xf32, #tpu.memory_space<hbm>>
      tpu.enqueue_dma source(%dma_start3A_415 : memref<128xf32, #tpu.memory_space<hbm>>) target(%dma_start3A_412 : memref<128xf32, #tpu.memory_space<vmem>>) target_semaphore(%arg12 : memref<!tpu.dma_semaphore, #tpu.memory_space<semaphore_mem>>)
      %slice3A_416 = vector.extract_strided_slice %get3A_50 {offsets = [11], sizes = [1], strides = [1]} : vector<16xi32> to vector<1xi32>
      %squeeze3A_417 = vector.extract %slice3A_416[0] : i32 from vector<1xi32>
      %add3A_418 = arith.constant 11 : i32
      %add3A_419 = arith.addi %mul3A_45, %add3A_418 : i32
      %dma_start3A_420 = arith.constant 0 : i32
      %dma_start3A_421 = tpu.memref_slice %arg11[%add3A_419, %dma_start3A_420] : memref<256x128xf32, #tpu.memory_space<vmem>> -> memref<1x128xf32, #tpu.memory_space<vmem>>
      %dma_start3A_422 = tpu.memref_squeeze %dma_start3A_421 : memref<1x128xf32, #tpu.memory_space<vmem>> -> memref<128xf32, #tpu.memory_space<vmem>>
      %dma_start3A_423 = arith.constant 0 : i32
      %dma_start3A_424 = tpu.memref_slice %arg5[%squeeze3A_417, %dma_start3A_423] : memref<251904x128xf32, #tpu.memory_space<hbm>> -> memref<1x128xf32, #tpu.memory_space<hbm>>
      %dma_start3A_425 = tpu.memref_squeeze %dma_start3A_424 : memref<1x128xf32, #tpu.memory_space<hbm>> -> memref<128xf32, #tpu.memory_space<hbm>>
      %dma_start3A_426 = arith.constant 0 : i32
      %dma_start3A_427 = tpu.memref_slice %arg11[%add3A_419, %dma_start3A_426] : memref<256x128xf32, #tpu.memory_space<vmem>> -> memref<1x128xf32, #tpu.memory_space<vmem>>
      %dma_start3A_428 = tpu.memref_squeeze %dma_start3A_427 : memref<1x128xf32, #tpu.memory_space<vmem>> -> memref<128xf32, #tpu.memory_space<vmem>>
      %dma_start3A_429 = arith.constant 0 : i32
      %dma_start3A_430 = tpu.memref_slice %arg5[%squeeze3A_417, %dma_start3A_429] : memref<251904x128xf32, #tpu.memory_space<hbm>> -> memref<1x128xf32, #tpu.memory_space<hbm>>
      %dma_start3A_431 = tpu.memref_squeeze %dma_start3A_430 : memref<1x128xf32, #tpu.memory_space<hbm>> -> memref<128xf32, #tpu.memory_space<hbm>>
      tpu.enqueue_dma source(%dma_start3A_431 : memref<128xf32, #tpu.memory_space<hbm>>) target(%dma_start3A_428 : memref<128xf32, #tpu.memory_space<vmem>>) target_semaphore(%arg12 : memref<!tpu.dma_semaphore, #tpu.memory_space<semaphore_mem>>)
      %slice3A_432 = vector.extract_strided_slice %get3A_47 {offsets = [12], sizes = [1], strides = [1]} : vector<16xi32> to vector<1xi32>
      %squeeze3A_433 = vector.extract %slice3A_432[0] : i32 from vector<1xi32>
      %add3A_434 = arith.constant 12 : i32
      %add3A_435 = arith.addi %mul3A_45, %add3A_434 : i32
      %dma_start3A_436 = arith.constant 0 : i32
      %dma_start3A_437 = tpu.memref_slice %arg10[%add3A_435, %dma_start3A_436] : memref<256x128xf32, #tpu.memory_space<vmem>> -> memref<1x128xf32, #tpu.memory_space<vmem>>
      %dma_start3A_438 = tpu.memref_squeeze %dma_start3A_437 : memref<1x128xf32, #tpu.memory_space<vmem>> -> memref<128xf32, #tpu.memory_space<vmem>>
      %dma_start3A_439 = arith.constant 0 : i32
      %dma_start3A_440 = tpu.memref_slice %arg4[%squeeze3A_433, %dma_start3A_439] : memref<251904x128xf32, #tpu.memory_space<hbm>> -> memref<1x128xf32, #tpu.memory_space<hbm>>
      %dma_start3A_441 = tpu.memref_squeeze %dma_start3A_440 : memref<1x128xf32, #tpu.memory_space<hbm>> -> memref<128xf32, #tpu.memory_space<hbm>>
      %dma_start3A_442 = arith.constant 0 : i32
      %dma_start3A_443 = tpu.memref_slice %arg10[%add3A_435, %dma_start3A_442] : memref<256x128xf32, #tpu.memory_space<vmem>> -> memref<1x128xf32, #tpu.memory_space<vmem>>
      %dma_start3A_444 = tpu.memref_squeeze %dma_start3A_443 : memref<1x128xf32, #tpu.memory_space<vmem>> -> memref<128xf32, #tpu.memory_space<vmem>>
      %dma_start3A_445 = arith.constant 0 : i32
      %dma_start3A_446 = tpu.memref_slice %arg4[%squeeze3A_433, %dma_start3A_445] : memref<251904x128xf32, #tpu.memory_space<hbm>> -> memref<1x128xf32, #tpu.memory_space<hbm>>
      %dma_start3A_447 = tpu.memref_squeeze %dma_start3A_446 : memref<1x128xf32, #tpu.memory_space<hbm>> -> memref<128xf32, #tpu.memory_space<hbm>>
      tpu.enqueue_dma source(%dma_start3A_447 : memref<128xf32, #tpu.memory_space<hbm>>) target(%dma_start3A_444 : memref<128xf32, #tpu.memory_space<vmem>>) target_semaphore(%arg12 : memref<!tpu.dma_semaphore, #tpu.memory_space<semaphore_mem>>)
      %slice3A_448 = vector.extract_strided_slice %get3A_50 {offsets = [12], sizes = [1], strides = [1]} : vector<16xi32> to vector<1xi32>
      %squeeze3A_449 = vector.extract %slice3A_448[0] : i32 from vector<1xi32>
      %add3A_450 = arith.constant 12 : i32
      %add3A_451 = arith.addi %mul3A_45, %add3A_450 : i32
      %dma_start3A_452 = arith.constant 0 : i32
      %dma_start3A_453 = tpu.memref_slice %arg11[%add3A_451, %dma_start3A_452] : memref<256x128xf32, #tpu.memory_space<vmem>> -> memref<1x128xf32, #tpu.memory_space<vmem>>
      %dma_start3A_454 = tpu.memref_squeeze %dma_start3A_453 : memref<1x128xf32, #tpu.memory_space<vmem>> -> memref<128xf32, #tpu.memory_space<vmem>>
      %dma_start3A_455 = arith.constant 0 : i32
      %dma_start3A_456 = tpu.memref_slice %arg5[%squeeze3A_449, %dma_start3A_455] : memref<251904x128xf32, #tpu.memory_space<hbm>> -> memref<1x128xf32, #tpu.memory_space<hbm>>
      %dma_start3A_457 = tpu.memref_squeeze %dma_start3A_456 : memref<1x128xf32, #tpu.memory_space<hbm>> -> memref<128xf32, #tpu.memory_space<hbm>>
      %dma_start3A_458 = arith.constant 0 : i32
      %dma_start3A_459 = tpu.memref_slice %arg11[%add3A_451, %dma_start3A_458] : memref<256x128xf32, #tpu.memory_space<vmem>> -> memref<1x128xf32, #tpu.memory_space<vmem>>
      %dma_start3A_460 = tpu.memref_squeeze %dma_start3A_459 : memref<1x128xf32, #tpu.memory_space<vmem>> -> memref<128xf32, #tpu.memory_space<vmem>>
      %dma_start3A_461 = arith.constant 0 : i32
      %dma_start3A_462 = tpu.memref_slice %arg5[%squeeze3A_449, %dma_start3A_461] : memref<251904x128xf32, #tpu.memory_space<hbm>> -> memref<1x128xf32, #tpu.memory_space<hbm>>
      %dma_start3A_463 = tpu.memref_squeeze %dma_start3A_462 : memref<1x128xf32, #tpu.memory_space<hbm>> -> memref<128xf32, #tpu.memory_space<hbm>>
      tpu.enqueue_dma source(%dma_start3A_463 : memref<128xf32, #tpu.memory_space<hbm>>) target(%dma_start3A_460 : memref<128xf32, #tpu.memory_space<vmem>>) target_semaphore(%arg12 : memref<!tpu.dma_semaphore, #tpu.memory_space<semaphore_mem>>)
      %slice3A_464 = vector.extract_strided_slice %get3A_47 {offsets = [13], sizes = [1], strides = [1]} : vector<16xi32> to vector<1xi32>
      %squeeze3A_465 = vector.extract %slice3A_464[0] : i32 from vector<1xi32>
      %add3A_466 = arith.constant 13 : i32
      %add3A_467 = arith.addi %mul3A_45, %add3A_466 : i32
      %dma_start3A_468 = arith.constant 0 : i32
      %dma_start3A_469 = tpu.memref_slice %arg10[%add3A_467, %dma_start3A_468] : memref<256x128xf32, #tpu.memory_space<vmem>> -> memref<1x128xf32, #tpu.memory_space<vmem>>
      %dma_start3A_470 = tpu.memref_squeeze %dma_start3A_469 : memref<1x128xf32, #tpu.memory_space<vmem>> -> memref<128xf32, #tpu.memory_space<vmem>>
      %dma_start3A_471 = arith.constant 0 : i32
      %dma_start3A_472 = tpu.memref_slice %arg4[%squeeze3A_465, %dma_start3A_471] : memref<251904x128xf32, #tpu.memory_space<hbm>> -> memref<1x128xf32, #tpu.memory_space<hbm>>
      %dma_start3A_473 = tpu.memref_squeeze %dma_start3A_472 : memref<1x128xf32, #tpu.memory_space<hbm>> -> memref<128xf32, #tpu.memory_space<hbm>>
      %dma_start3A_474 = arith.constant 0 : i32
      %dma_start3A_475 = tpu.memref_slice %arg10[%add3A_467, %dma_start3A_474] : memref<256x128xf32, #tpu.memory_space<vmem>> -> memref<1x128xf32, #tpu.memory_space<vmem>>
      %dma_start3A_476 = tpu.memref_squeeze %dma_start3A_475 : memref<1x128xf32, #tpu.memory_space<vmem>> -> memref<128xf32, #tpu.memory_space<vmem>>
      %dma_start3A_477 = arith.constant 0 : i32
      %dma_start3A_478 = tpu.memref_slice %arg4[%squeeze3A_465, %dma_start3A_477] : memref<251904x128xf32, #tpu.memory_space<hbm>> -> memref<1x128xf32, #tpu.memory_space<hbm>>
      %dma_start3A_479 = tpu.memref_squeeze %dma_start3A_478 : memref<1x128xf32, #tpu.memory_space<hbm>> -> memref<128xf32, #tpu.memory_space<hbm>>
      tpu.enqueue_dma source(%dma_start3A_479 : memref<128xf32, #tpu.memory_space<hbm>>) target(%dma_start3A_476 : memref<128xf32, #tpu.memory_space<vmem>>) target_semaphore(%arg12 : memref<!tpu.dma_semaphore, #tpu.memory_space<semaphore_mem>>)
      %slice3A_480 = vector.extract_strided_slice %get3A_50 {offsets = [13], sizes = [1], strides = [1]} : vector<16xi32> to vector<1xi32>
      %squeeze3A_481 = vector.extract %slice3A_480[0] : i32 from vector<1xi32>
      %add3A_482 = arith.constant 13 : i32
      %add3A_483 = arith.addi %mul3A_45, %add3A_482 : i32
      %dma_start3A_484 = arith.constant 0 : i32
      %dma_start3A_485 = tpu.memref_slice %arg11[%add3A_483, %dma_start3A_484] : memref<256x128xf32, #tpu.memory_space<vmem>> -> memref<1x128xf32, #tpu.memory_space<vmem>>
      %dma_start3A_486 = tpu.memref_squeeze %dma_start3A_485 : memref<1x128xf32, #tpu.memory_space<vmem>> -> memref<128xf32, #tpu.memory_space<vmem>>
      %dma_start3A_487 = arith.constant 0 : i32
      %dma_start3A_488 = tpu.memref_slice %arg5[%squeeze3A_481, %dma_start3A_487] : memref<251904x128xf32, #tpu.memory_space<hbm>> -> memref<1x128xf32, #tpu.memory_space<hbm>>
      %dma_start3A_489 = tpu.memref_squeeze %dma_start3A_488 : memref<1x128xf32, #tpu.memory_space<hbm>> -> memref<128xf32, #tpu.memory_space<hbm>>
      %dma_start3A_490 = arith.constant 0 : i32
      %dma_start3A_491 = tpu.memref_slice %arg11[%add3A_483, %dma_start3A_490] : memref<256x128xf32, #tpu.memory_space<vmem>> -> memref<1x128xf32, #tpu.memory_space<vmem>>
      %dma_start3A_492 = tpu.memref_squeeze %dma_start3A_491 : memref<1x128xf32, #tpu.memory_space<vmem>> -> memref<128xf32, #tpu.memory_space<vmem>>
      %dma_start3A_493 = arith.constant 0 : i32
      %dma_start3A_494 = tpu.memref_slice %arg5[%squeeze3A_481, %dma_start3A_493] : memref<251904x128xf32, #tpu.memory_space<hbm>> -> memref<1x128xf32, #tpu.memory_space<hbm>>
      %dma_start3A_495 = tpu.memref_squeeze %dma_start3A_494 : memref<1x128xf32, #tpu.memory_space<hbm>> -> memref<128xf32, #tpu.memory_space<hbm>>
      tpu.enqueue_dma source(%dma_start3A_495 : memref<128xf32, #tpu.memory_space<hbm>>) target(%dma_start3A_492 : memref<128xf32, #tpu.memory_space<vmem>>) target_semaphore(%arg12 : memref<!tpu.dma_semaphore, #tpu.memory_space<semaphore_mem>>)
      %slice3A_496 = vector.extract_strided_slice %get3A_47 {offsets = [14], sizes = [1], strides = [1]} : vector<16xi32> to vector<1xi32>
      %squeeze3A_497 = vector.extract %slice3A_496[0] : i32 from vector<1xi32>
      %add3A_498 = arith.constant 14 : i32
      %add3A_499 = arith.addi %mul3A_45, %add3A_498 : i32
      %dma_start3A_500 = arith.constant 0 : i32
      %dma_start3A_501 = tpu.memref_slice %arg10[%add3A_499, %dma_start3A_500] : memref<256x128xf32, #tpu.memory_space<vmem>> -> memref<1x128xf32, #tpu.memory_space<vmem>>
      %dma_start3A_502 = tpu.memref_squeeze %dma_start3A_501 : memref<1x128xf32, #tpu.memory_space<vmem>> -> memref<128xf32, #tpu.memory_space<vmem>>
      %dma_start3A_503 = arith.constant 0 : i32
      %dma_start3A_504 = tpu.memref_slice %arg4[%squeeze3A_497, %dma_start3A_503] : memref<251904x128xf32, #tpu.memory_space<hbm>> -> memref<1x128xf32, #tpu.memory_space<hbm>>
      %dma_start3A_505 = tpu.memref_squeeze %dma_start3A_504 : memref<1x128xf32, #tpu.memory_space<hbm>> -> memref<128xf32, #tpu.memory_space<hbm>>
      %dma_start3A_506 = arith.constant 0 : i32
      %dma_start3A_507 = tpu.memref_slice %arg10[%add3A_499, %dma_start3A_506] : memref<256x128xf32, #tpu.memory_space<vmem>> -> memref<1x128xf32, #tpu.memory_space<vmem>>
      %dma_start3A_508 = tpu.memref_squeeze %dma_start3A_507 : memref<1x128xf32, #tpu.memory_space<vmem>> -> memref<128xf32, #tpu.memory_space<vmem>>
      %dma_start3A_509 = arith.constant 0 : i32
      %dma_start3A_510 = tpu.memref_slice %arg4[%squeeze3A_497, %dma_start3A_509] : memref<251904x128xf32, #tpu.memory_space<hbm>> -> memref<1x128xf32, #tpu.memory_space<hbm>>
      %dma_start3A_511 = tpu.memref_squeeze %dma_start3A_510 : memref<1x128xf32, #tpu.memory_space<hbm>> -> memref<128xf32, #tpu.memory_space<hbm>>
      tpu.enqueue_dma source(%dma_start3A_511 : memref<128xf32, #tpu.memory_space<hbm>>) target(%dma_start3A_508 : memref<128xf32, #tpu.memory_space<vmem>>) target_semaphore(%arg12 : memref<!tpu.dma_semaphore, #tpu.memory_space<semaphore_mem>>)
      %slice3A_512 = vector.extract_strided_slice %get3A_50 {offsets = [14], sizes = [1], strides = [1]} : vector<16xi32> to vector<1xi32>
      %squeeze3A_513 = vector.extract %slice3A_512[0] : i32 from vector<1xi32>
      %add3A_514 = arith.constant 14 : i32
      %add3A_515 = arith.addi %mul3A_45, %add3A_514 : i32
      %dma_start3A_516 = arith.constant 0 : i32
      %dma_start3A_517 = tpu.memref_slice %arg11[%add3A_515, %dma_start3A_516] : memref<256x128xf32, #tpu.memory_space<vmem>> -> memref<1x128xf32, #tpu.memory_space<vmem>>
      %dma_start3A_518 = tpu.memref_squeeze %dma_start3A_517 : memref<1x128xf32, #tpu.memory_space<vmem>> -> memref<128xf32, #tpu.memory_space<vmem>>
      %dma_start3A_519 = arith.constant 0 : i32
      %dma_start3A_520 = tpu.memref_slice %arg5[%squeeze3A_513, %dma_start3A_519] : memref<251904x128xf32, #tpu.memory_space<hbm>> -> memref<1x128xf32, #tpu.memory_space<hbm>>
      %dma_start3A_521 = tpu.memref_squeeze %dma_start3A_520 : memref<1x128xf32, #tpu.memory_space<hbm>> -> memref<128xf32, #tpu.memory_space<hbm>>
      %dma_start3A_522 = arith.constant 0 : i32
      %dma_start3A_523 = tpu.memref_slice %arg11[%add3A_515, %dma_start3A_522] : memref<256x128xf32, #tpu.memory_space<vmem>> -> memref<1x128xf32, #tpu.memory_space<vmem>>
      %dma_start3A_524 = tpu.memref_squeeze %dma_start3A_523 : memref<1x128xf32, #tpu.memory_space<vmem>> -> memref<128xf32, #tpu.memory_space<vmem>>
      %dma_start3A_525 = arith.constant 0 : i32
      %dma_start3A_526 = tpu.memref_slice %arg5[%squeeze3A_513, %dma_start3A_525] : memref<251904x128xf32, #tpu.memory_space<hbm>> -> memref<1x128xf32, #tpu.memory_space<hbm>>
      %dma_start3A_527 = tpu.memref_squeeze %dma_start3A_526 : memref<1x128xf32, #tpu.memory_space<hbm>> -> memref<128xf32, #tpu.memory_space<hbm>>
      tpu.enqueue_dma source(%dma_start3A_527 : memref<128xf32, #tpu.memory_space<hbm>>) target(%dma_start3A_524 : memref<128xf32, #tpu.memory_space<vmem>>) target_semaphore(%arg12 : memref<!tpu.dma_semaphore, #tpu.memory_space<semaphore_mem>>)
      %slice3A_528 = vector.extract_strided_slice %get3A_47 {offsets = [15], sizes = [1], strides = [1]} : vector<16xi32> to vector<1xi32>
      %squeeze3A_529 = vector.extract %slice3A_528[0] : i32 from vector<1xi32>
      %add3A_530 = arith.constant 15 : i32
      %add3A_531 = arith.addi %mul3A_45, %add3A_530 : i32
      %dma_start3A_532 = arith.constant 0 : i32
      %dma_start3A_533 = tpu.memref_slice %arg10[%add3A_531, %dma_start3A_532] : memref<256x128xf32, #tpu.memory_space<vmem>> -> memref<1x128xf32, #tpu.memory_space<vmem>>
      %dma_start3A_534 = tpu.memref_squeeze %dma_start3A_533 : memref<1x128xf32, #tpu.memory_space<vmem>> -> memref<128xf32, #tpu.memory_space<vmem>>
      %dma_start3A_535 = arith.constant 0 : i32
      %dma_start3A_536 = tpu.memref_slice %arg4[%squeeze3A_529, %dma_start3A_535] : memref<251904x128xf32, #tpu.memory_space<hbm>> -> memref<1x128xf32, #tpu.memory_space<hbm>>
      %dma_start3A_537 = tpu.memref_squeeze %dma_start3A_536 : memref<1x128xf32, #tpu.memory_space<hbm>> -> memref<128xf32, #tpu.memory_space<hbm>>
      %dma_start3A_538 = arith.constant 0 : i32
      %dma_start3A_539 = tpu.memref_slice %arg10[%add3A_531, %dma_start3A_538] : memref<256x128xf32, #tpu.memory_space<vmem>> -> memref<1x128xf32, #tpu.memory_space<vmem>>
      %dma_start3A_540 = tpu.memref_squeeze %dma_start3A_539 : memref<1x128xf32, #tpu.memory_space<vmem>> -> memref<128xf32, #tpu.memory_space<vmem>>
      %dma_start3A_541 = arith.constant 0 : i32
      %dma_start3A_542 = tpu.memref_slice %arg4[%squeeze3A_529, %dma_start3A_541] : memref<251904x128xf32, #tpu.memory_space<hbm>> -> memref<1x128xf32, #tpu.memory_space<hbm>>
      %dma_start3A_543 = tpu.memref_squeeze %dma_start3A_542 : memref<1x128xf32, #tpu.memory_space<hbm>> -> memref<128xf32, #tpu.memory_space<hbm>>
      tpu.enqueue_dma source(%dma_start3A_543 : memref<128xf32, #tpu.memory_space<hbm>>) target(%dma_start3A_540 : memref<128xf32, #tpu.memory_space<vmem>>) target_semaphore(%arg12 : memref<!tpu.dma_semaphore, #tpu.memory_space<semaphore_mem>>)
      %slice3A_544 = vector.extract_strided_slice %get3A_50 {offsets = [15], sizes = [1], strides = [1]} : vector<16xi32> to vector<1xi32>
      %squeeze3A_545 = vector.extract %slice3A_544[0] : i32 from vector<1xi32>
      %add3A_546 = arith.constant 15 : i32
      %add3A_547 = arith.addi %mul3A_45, %add3A_546 : i32
      %dma_start3A_548 = arith.constant 0 : i32
      %dma_start3A_549 = tpu.memref_slice %arg11[%add3A_547, %dma_start3A_548] : memref<256x128xf32, #tpu.memory_space<vmem>> -> memref<1x128xf32, #tpu.memory_space<vmem>>
      %dma_start3A_550 = tpu.memref_squeeze %dma_start3A_549 : memref<1x128xf32, #tpu.memory_space<vmem>> -> memref<128xf32, #tpu.memory_space<vmem>>
      %dma_start3A_551 = arith.constant 0 : i32
      %dma_start3A_552 = tpu.memref_slice %arg5[%squeeze3A_545, %dma_start3A_551] : memref<251904x128xf32, #tpu.memory_space<hbm>> -> memref<1x128xf32, #tpu.memory_space<hbm>>
      %dma_start3A_553 = tpu.memref_squeeze %dma_start3A_552 : memref<1x128xf32, #tpu.memory_space<hbm>> -> memref<128xf32, #tpu.memory_space<hbm>>
      %dma_start3A_554 = arith.constant 0 : i32
      %dma_start3A_555 = tpu.memref_slice %arg11[%add3A_547, %dma_start3A_554] : memref<256x128xf32, #tpu.memory_space<vmem>> -> memref<1x128xf32, #tpu.memory_space<vmem>>
      %dma_start3A_556 = tpu.memref_squeeze %dma_start3A_555 : memref<1x128xf32, #tpu.memory_space<vmem>> -> memref<128xf32, #tpu.memory_space<vmem>>
      %dma_start3A_557 = arith.constant 0 : i32
      %dma_start3A_558 = tpu.memref_slice %arg5[%squeeze3A_545, %dma_start3A_557] : memref<251904x128xf32, #tpu.memory_space<hbm>> -> memref<1x128xf32, #tpu.memory_space<hbm>>
      %dma_start3A_559 = tpu.memref_squeeze %dma_start3A_558 : memref<1x128xf32, #tpu.memory_space<hbm>> -> memref<128xf32, #tpu.memory_space<hbm>>
      tpu.enqueue_dma source(%dma_start3A_559 : memref<128xf32, #tpu.memory_space<hbm>>) target(%dma_start3A_556 : memref<128xf32, #tpu.memory_space<vmem>>) target_semaphore(%arg12 : memref<!tpu.dma_semaphore, #tpu.memory_space<semaphore_mem>>)
    }
    %scan3A_9 = arith.constant 16 : i32
    %dma_wait3A = arith.constant 0 : i32
    %dma_wait3A_10 = arith.constant 0 : i32
    %dma_wait3A_11 = tpu.memref_slice %arg4[%dma_wait3A, %dma_wait3A_10] : memref<251904x128xf32, #tpu.memory_space<hbm>> -> memref<256x128xf32, #tpu.memory_space<hbm>>
    %dma_wait3A_12 = arith.constant 0 : i32
    %dma_wait3A_13 = arith.constant 0 : i32
    %dma_wait3A_14 = tpu.memref_slice %arg4[%dma_wait3A_12, %dma_wait3A_13] : memref<251904x128xf32, #tpu.memory_space<hbm>> -> memref<256x128xf32, #tpu.memory_space<hbm>>
    tpu.wait_dma2 semaphore(%arg12 : memref<!tpu.dma_semaphore, #tpu.memory_space<semaphore_mem>>) src(%dma_wait3A_14 : memref<256x128xf32, #tpu.memory_space<hbm>>) dst(%arg10 : memref<256x128xf32, #tpu.memory_space<vmem>>)
    %dma_wait3A_15 = arith.constant 0 : i32
    %dma_wait3A_16 = arith.constant 0 : i32
    %dma_wait3A_17 = tpu.memref_slice %arg5[%dma_wait3A_15, %dma_wait3A_16] : memref<251904x128xf32, #tpu.memory_space<hbm>> -> memref<256x128xf32, #tpu.memory_space<hbm>>
    %dma_wait3A_18 = arith.constant 0 : i32
    %dma_wait3A_19 = arith.constant 0 : i32
    %dma_wait3A_20 = tpu.memref_slice %arg5[%dma_wait3A_18, %dma_wait3A_19] : memref<251904x128xf32, #tpu.memory_space<hbm>> -> memref<256x128xf32, #tpu.memory_space<hbm>>
    tpu.wait_dma2 semaphore(%arg12 : memref<!tpu.dma_semaphore, #tpu.memory_space<semaphore_mem>>) src(%dma_wait3A_20 : memref<256x128xf32, #tpu.memory_space<hbm>>) dst(%arg11 : memref<256x128xf32, #tpu.memory_space<vmem>>)
    "tpu.region"() ({
      %run_scoped3A = tpu.sem_alloc : memref<!tpu.dma_semaphore, #tpu.memory_space<semaphore_mem>>
      %dma_start3A = arith.constant 0 : i32
      %dma_start3A_43 = tpu.memref_slice %arg6[%add3A_4, %dma_start3A] : memref<16384x128xf32, #tpu.memory_space<hbm>> -> memref<256x128xf32, #tpu.memory_space<hbm>>
      %dma_start3A_44 = arith.constant 0 : i32
      %dma_start3A_45 = tpu.memref_slice %arg6[%add3A_4, %dma_start3A_44] : memref<16384x128xf32, #tpu.memory_space<hbm>> -> memref<256x128xf32, #tpu.memory_space<hbm>>
      tpu.enqueue_dma source(%arg10 : memref<256x128xf32, #tpu.memory_space<vmem>>) target(%dma_start3A_45 : memref<256x128xf32, #tpu.memory_space<hbm>>) target_semaphore(%run_scoped3A : memref<!tpu.dma_semaphore, #tpu.memory_space<semaphore_mem>>)
      %dma_wait3A_46 = arith.constant 0 : i32
      %dma_wait3A_47 = tpu.memref_slice %arg6[%add3A_4, %dma_wait3A_46] : memref<16384x128xf32, #tpu.memory_space<hbm>> -> memref<256x128xf32, #tpu.memory_space<hbm>>
      %dma_wait3A_48 = arith.constant 0 : i32
      %dma_wait3A_49 = tpu.memref_slice %arg6[%add3A_4, %dma_wait3A_48] : memref<16384x128xf32, #tpu.memory_space<hbm>> -> memref<256x128xf32, #tpu.memory_space<hbm>>
      tpu.wait_dma2 semaphore(%run_scoped3A : memref<!tpu.dma_semaphore, #tpu.memory_space<semaphore_mem>>) src(%arg10 : memref<256x128xf32, #tpu.memory_space<vmem>>) dst(%dma_wait3A_49 : memref<256x128xf32, #tpu.memory_space<hbm>>)
      tpu.yield
    }) : () -> ()
    "tpu.region"() ({
      %run_scoped3A = tpu.sem_alloc : memref<!tpu.dma_semaphore, #tpu.memory_space<semaphore_mem>>
      %dma_start3A = arith.constant 0 : i32
      %dma_start3A_43 = tpu.memref_slice %arg7[%add3A_4, %dma_start3A] : memref<16384x128xf32, #tpu.memory_space<hbm>> -> memref<256x128xf32, #tpu.memory_space<hbm>>
      %dma_start3A_44 = arith.constant 0 : i32
      %dma_start3A_45 = tpu.memref_slice %arg7[%add3A_4, %dma_start3A_44] : memref<16384x128xf32, #tpu.memory_space<hbm>> -> memref<256x128xf32, #tpu.memory_space<hbm>>
      tpu.enqueue_dma source(%arg11 : memref<256x128xf32, #tpu.memory_space<vmem>>) target(%dma_start3A_45 : memref<256x128xf32, #tpu.memory_space<hbm>>) target_semaphore(%run_scoped3A : memref<!tpu.dma_semaphore, #tpu.memory_space<semaphore_mem>>)
      %dma_wait3A_46 = arith.constant 0 : i32
      %dma_wait3A_47 = tpu.memref_slice %arg7[%add3A_4, %dma_wait3A_46] : memref<16384x128xf32, #tpu.memory_space<hbm>> -> memref<256x128xf32, #tpu.memory_space<hbm>>
      %dma_wait3A_48 = arith.constant 0 : i32
      %dma_wait3A_49 = tpu.memref_slice %arg7[%add3A_4, %dma_wait3A_48] : memref<16384x128xf32, #tpu.memory_space<hbm>> -> memref<256x128xf32, #tpu.memory_space<hbm>>
      tpu.wait_dma2 semaphore(%run_scoped3A : memref<!tpu.dma_semaphore, #tpu.memory_space<semaphore_mem>>) src(%arg11 : memref<256x128xf32, #tpu.memory_space<vmem>>) dst(%dma_wait3A_49 : memref<256x128xf32, #tpu.memory_space<hbm>>)
      tpu.yield
    }) : () -> ()
    %mul3A_21 = arith.constant 512 : i32
    %mul3A_22 = arith.muli %add3A, %mul3A_21 : i32
    %add3A_23 = arith.constant 256 : i32
    %add3A_24 = arith.addi %mul3A_22, %add3A_23 : i32
    "tpu.region"() ({
      %run_scoped3A = tpu.sem_alloc : memref<!tpu.dma_semaphore, #tpu.memory_space<semaphore_mem>>
      %dma_start3A = tpu.memref_slice %arg2[%add3A_24] : memref<16384xi32, #tpu.memory_space<hbm>> -> memref<256xi32, #tpu.memory_space<hbm>>
      %dma_start3A_43 = tpu.memref_slice %arg2[%add3A_24] : memref<16384xi32, #tpu.memory_space<hbm>> -> memref<256xi32, #tpu.memory_space<hbm>>
      tpu.enqueue_dma source(%dma_start3A_43 : memref<256xi32, #tpu.memory_space<hbm>>) target(%arg8 : memref<256xi32, #tpu.memory_space<vmem>>) target_semaphore(%run_scoped3A : memref<!tpu.dma_semaphore, #tpu.memory_space<semaphore_mem>>)
      %dma_wait3A_44 = tpu.memref_slice %arg2[%add3A_24] : memref<16384xi32, #tpu.memory_space<hbm>> -> memref<256xi32, #tpu.memory_space<hbm>>
      %dma_wait3A_45 = tpu.memref_slice %arg2[%add3A_24] : memref<16384xi32, #tpu.memory_space<hbm>> -> memref<256xi32, #tpu.memory_space<hbm>>
      tpu.wait_dma2 semaphore(%run_scoped3A : memref<!tpu.dma_semaphore, #tpu.memory_space<semaphore_mem>>) src(%dma_wait3A_45 : memref<256xi32, #tpu.memory_space<hbm>>) dst(%arg8 : memref<256xi32, #tpu.memory_space<vmem>>)
      tpu.yield
    }) : () -> ()
    "tpu.region"() ({
      %run_scoped3A = tpu.sem_alloc : memref<!tpu.dma_semaphore, #tpu.memory_space<semaphore_mem>>
      %dma_start3A = tpu.memref_slice %arg3[%add3A_24] : memref<16384xi32, #tpu.memory_space<hbm>> -> memref<256xi32, #tpu.memory_space<hbm>>
      %dma_start3A_43 = tpu.memref_slice %arg3[%add3A_24] : memref<16384xi32, #tpu.memory_space<hbm>> -> memref<256xi32, #tpu.memory_space<hbm>>
      tpu.enqueue_dma source(%dma_start3A_43 : memref<256xi32, #tpu.memory_space<hbm>>) target(%arg9 : memref<256xi32, #tpu.memory_space<vmem>>) target_semaphore(%run_scoped3A : memref<!tpu.dma_semaphore, #tpu.memory_space<semaphore_mem>>)
      %dma_wait3A_44 = tpu.memref_slice %arg3[%add3A_24] : memref<16384xi32, #tpu.memory_space<hbm>> -> memref<256xi32, #tpu.memory_space<hbm>>
      %dma_wait3A_45 = tpu.memref_slice %arg3[%add3A_24] : memref<16384xi32, #tpu.memory_space<hbm>> -> memref<256xi32, #tpu.memory_space<hbm>>
      tpu.wait_dma2 semaphore(%run_scoped3A : memref<!tpu.dma_semaphore, #tpu.memory_space<semaphore_mem>>) src(%dma_wait3A_45 : memref<256xi32, #tpu.memory_space<hbm>>) dst(%arg9 : memref<256xi32, #tpu.memory_space<vmem>>)
      tpu.yield
    }) : () -> ()
    %scan3A_25 = arith.constant 0 : i32
    %scan3A_26 = arith.constant 0 : i32
    %scan3A_27 = arith.constant 16 : i32
    %scan3A_28 = arith.addi %scan3A_26, %scan3A_27 : i32
    %scan3A_29 = arith.constant 1 : i32
    scf.for %scan3A_43 = %scan3A_26 to %scan3A_28 step %scan3A_29  : i32 {
      %mul3A_44 = arith.constant 16 : i32
      %mul3A_45 = arith.muli %scan3A_43, %mul3A_44 : i32
      %get3A = arith.index_cast %mul3A_45 : i32 to index
      %get3A_46 = tpu.vector_load %arg8[%get3A] {strides = array<i32>} : memref<256xi32, #tpu.memory_space<vmem>>, vector<16xi32>,
      %get3A_47 = vector.shape_cast %get3A_46 : vector<16xi32> to vector<16xi32>
      %get3A_48 = arith.index_cast %mul3A_45 : i32 to index
      %get3A_49 = tpu.vector_load %arg9[%get3A_48] {strides = array<i32>} : memref<256xi32, #tpu.memory_space<vmem>>, vector<16xi32>,
      %get3A_50 = vector.shape_cast %get3A_49 : vector<16xi32> to vector<16xi32>
      %slice3A = vector.extract_strided_slice %get3A_47 {offsets = [0], sizes = [1], strides = [1]} : vector<16xi32> to vector<1xi32>
      %squeeze3A = vector.extract %slice3A[0] : i32 from vector<1xi32>
      %add3A_51 = arith.constant 0 : i32
      %add3A_52 = arith.addi %mul3A_45, %add3A_51 : i32
      %dma_start3A = arith.constant 0 : i32
      %dma_start3A_53 = tpu.memref_slice %arg10[%add3A_52, %dma_start3A] : memref<256x128xf32, #tpu.memory_space<vmem>> -> memref<1x128xf32, #tpu.memory_space<vmem>>
      %dma_start3A_54 = tpu.memref_squeeze %dma_start3A_53 : memref<1x128xf32, #tpu.memory_space<vmem>> -> memref<128xf32, #tpu.memory_space<vmem>>
      %dma_start3A_55 = arith.constant 0 : i32
      %dma_start3A_56 = tpu.memref_slice %arg4[%squeeze3A, %dma_start3A_55] : memref<251904x128xf32, #tpu.memory_space<hbm>> -> memref<1x128xf32, #tpu.memory_space<hbm>>
      %dma_start3A_57 = tpu.memref_squeeze %dma_start3A_56 : memref<1x128xf32, #tpu.memory_space<hbm>> -> memref<128xf32, #tpu.memory_space<hbm>>
      %dma_start3A_58 = arith.constant 0 : i32
      %dma_start3A_59 = tpu.memref_slice %arg10[%add3A_52, %dma_start3A_58] : memref<256x128xf32, #tpu.memory_space<vmem>> -> memref<1x128xf32, #tpu.memory_space<vmem>>
      %dma_start3A_60 = tpu.memref_squeeze %dma_start3A_59 : memref<1x128xf32, #tpu.memory_space<vmem>> -> memref<128xf32, #tpu.memory_space<vmem>>
      %dma_start3A_61 = arith.constant 0 : i32
      %dma_start3A_62 = tpu.memref_slice %arg4[%squeeze3A, %dma_start3A_61] : memref<251904x128xf32, #tpu.memory_space<hbm>> -> memref<1x128xf32, #tpu.memory_space<hbm>>
      %dma_start3A_63 = tpu.memref_squeeze %dma_start3A_62 : memref<1x128xf32, #tpu.memory_space<hbm>> -> memref<128xf32, #tpu.memory_space<hbm>>
      tpu.enqueue_dma source(%dma_start3A_63 : memref<128xf32, #tpu.memory_space<hbm>>) target(%dma_start3A_60 : memref<128xf32, #tpu.memory_space<vmem>>) target_semaphore(%arg12 : memref<!tpu.dma_semaphore, #tpu.memory_space<semaphore_mem>>)
      %slice3A_64 = vector.extract_strided_slice %get3A_50 {offsets = [0], sizes = [1], strides = [1]} : vector<16xi32> to vector<1xi32>
      %squeeze3A_65 = vector.extract %slice3A_64[0] : i32 from vector<1xi32>
      %add3A_66 = arith.constant 0 : i32
      %add3A_67 = arith.addi %mul3A_45, %add3A_66 : i32
      %dma_start3A_68 = arith.constant 0 : i32
      %dma_start3A_69 = tpu.memref_slice %arg11[%add3A_67, %dma_start3A_68] : memref<256x128xf32, #tpu.memory_space<vmem>> -> memref<1x128xf32, #tpu.memory_space<vmem>>
      %dma_start3A_70 = tpu.memref_squeeze %dma_start3A_69 : memref<1x128xf32, #tpu.memory_space<vmem>> -> memref<128xf32, #tpu.memory_space<vmem>>
      %dma_start3A_71 = arith.constant 0 : i32
      %dma_start3A_72 = tpu.memref_slice %arg5[%squeeze3A_65, %dma_start3A_71] : memref<251904x128xf32, #tpu.memory_space<hbm>> -> memref<1x128xf32, #tpu.memory_space<hbm>>
      %dma_start3A_73 = tpu.memref_squeeze %dma_start3A_72 : memref<1x128xf32, #tpu.memory_space<hbm>> -> memref<128xf32, #tpu.memory_space<hbm>>
      %dma_start3A_74 = arith.constant 0 : i32
      %dma_start3A_75 = tpu.memref_slice %arg11[%add3A_67, %dma_start3A_74] : memref<256x128xf32, #tpu.memory_space<vmem>> -> memref<1x128xf32, #tpu.memory_space<vmem>>
      %dma_start3A_76 = tpu.memref_squeeze %dma_start3A_75 : memref<1x128xf32, #tpu.memory_space<vmem>> -> memref<128xf32, #tpu.memory_space<vmem>>
      %dma_start3A_77 = arith.constant 0 : i32
      %dma_start3A_78 = tpu.memref_slice %arg5[%squeeze3A_65, %dma_start3A_77] : memref<251904x128xf32, #tpu.memory_space<hbm>> -> memref<1x128xf32, #tpu.memory_space<hbm>>
      %dma_start3A_79 = tpu.memref_squeeze %dma_start3A_78 : memref<1x128xf32, #tpu.memory_space<hbm>> -> memref<128xf32, #tpu.memory_space<hbm>>
      tpu.enqueue_dma source(%dma_start3A_79 : memref<128xf32, #tpu.memory_space<hbm>>) target(%dma_start3A_76 : memref<128xf32, #tpu.memory_space<vmem>>) target_semaphore(%arg12 : memref<!tpu.dma_semaphore, #tpu.memory_space<semaphore_mem>>)
      %slice3A_80 = vector.extract_strided_slice %get3A_47 {offsets = [1], sizes = [1], strides = [1]} : vector<16xi32> to vector<1xi32>
      %squeeze3A_81 = vector.extract %slice3A_80[0] : i32 from vector<1xi32>
      %add3A_82 = arith.constant 1 : i32
      %add3A_83 = arith.addi %mul3A_45, %add3A_82 : i32
      %dma_start3A_84 = arith.constant 0 : i32
      %dma_start3A_85 = tpu.memref_slice %arg10[%add3A_83, %dma_start3A_84] : memref<256x128xf32, #tpu.memory_space<vmem>> -> memref<1x128xf32, #tpu.memory_space<vmem>>
      %dma_start3A_86 = tpu.memref_squeeze %dma_start3A_85 : memref<1x128xf32, #tpu.memory_space<vmem>> -> memref<128xf32, #tpu.memory_space<vmem>>
      %dma_start3A_87 = arith.constant 0 : i32
      %dma_start3A_88 = tpu.memref_slice %arg4[%squeeze3A_81, %dma_start3A_87] : memref<251904x128xf32, #tpu.memory_space<hbm>> -> memref<1x128xf32, #tpu.memory_space<hbm>>
      %dma_start3A_89 = tpu.memref_squeeze %dma_start3A_88 : memref<1x128xf32, #tpu.memory_space<hbm>> -> memref<128xf32, #tpu.memory_space<hbm>>
      %dma_start3A_90 = arith.constant 0 : i32
      %dma_start3A_91 = tpu.memref_slice %arg10[%add3A_83, %dma_start3A_90] : memref<256x128xf32, #tpu.memory_space<vmem>> -> memref<1x128xf32, #tpu.memory_space<vmem>>
      %dma_start3A_92 = tpu.memref_squeeze %dma_start3A_91 : memref<1x128xf32, #tpu.memory_space<vmem>> -> memref<128xf32, #tpu.memory_space<vmem>>
      %dma_start3A_93 = arith.constant 0 : i32
      %dma_start3A_94 = tpu.memref_slice %arg4[%squeeze3A_81, %dma_start3A_93] : memref<251904x128xf32, #tpu.memory_space<hbm>> -> memref<1x128xf32, #tpu.memory_space<hbm>>
      %dma_start3A_95 = tpu.memref_squeeze %dma_start3A_94 : memref<1x128xf32, #tpu.memory_space<hbm>> -> memref<128xf32, #tpu.memory_space<hbm>>
      tpu.enqueue_dma source(%dma_start3A_95 : memref<128xf32, #tpu.memory_space<hbm>>) target(%dma_start3A_92 : memref<128xf32, #tpu.memory_space<vmem>>) target_semaphore(%arg12 : memref<!tpu.dma_semaphore, #tpu.memory_space<semaphore_mem>>)
      %slice3A_96 = vector.extract_strided_slice %get3A_50 {offsets = [1], sizes = [1], strides = [1]} : vector<16xi32> to vector<1xi32>
      %squeeze3A_97 = vector.extract %slice3A_96[0] : i32 from vector<1xi32>
      %add3A_98 = arith.constant 1 : i32
      %add3A_99 = arith.addi %mul3A_45, %add3A_98 : i32
      %dma_start3A_100 = arith.constant 0 : i32
      %dma_start3A_101 = tpu.memref_slice %arg11[%add3A_99, %dma_start3A_100] : memref<256x128xf32, #tpu.memory_space<vmem>> -> memref<1x128xf32, #tpu.memory_space<vmem>>
      %dma_start3A_102 = tpu.memref_squeeze %dma_start3A_101 : memref<1x128xf32, #tpu.memory_space<vmem>> -> memref<128xf32, #tpu.memory_space<vmem>>
      %dma_start3A_103 = arith.constant 0 : i32
      %dma_start3A_104 = tpu.memref_slice %arg5[%squeeze3A_97, %dma_start3A_103] : memref<251904x128xf32, #tpu.memory_space<hbm>> -> memref<1x128xf32, #tpu.memory_space<hbm>>
      %dma_start3A_105 = tpu.memref_squeeze %dma_start3A_104 : memref<1x128xf32, #tpu.memory_space<hbm>> -> memref<128xf32, #tpu.memory_space<hbm>>
      %dma_start3A_106 = arith.constant 0 : i32
      %dma_start3A_107 = tpu.memref_slice %arg11[%add3A_99, %dma_start3A_106] : memref<256x128xf32, #tpu.memory_space<vmem>> -> memref<1x128xf32, #tpu.memory_space<vmem>>
      %dma_start3A_108 = tpu.memref_squeeze %dma_start3A_107 : memref<1x128xf32, #tpu.memory_space<vmem>> -> memref<128xf32, #tpu.memory_space<vmem>>
      %dma_start3A_109 = arith.constant 0 : i32
      %dma_start3A_110 = tpu.memref_slice %arg5[%squeeze3A_97, %dma_start3A_109] : memref<251904x128xf32, #tpu.memory_space<hbm>> -> memref<1x128xf32, #tpu.memory_space<hbm>>
      %dma_start3A_111 = tpu.memref_squeeze %dma_start3A_110 : memref<1x128xf32, #tpu.memory_space<hbm>> -> memref<128xf32, #tpu.memory_space<hbm>>
      tpu.enqueue_dma source(%dma_start3A_111 : memref<128xf32, #tpu.memory_space<hbm>>) target(%dma_start3A_108 : memref<128xf32, #tpu.memory_space<vmem>>) target_semaphore(%arg12 : memref<!tpu.dma_semaphore, #tpu.memory_space<semaphore_mem>>)
      %slice3A_112 = vector.extract_strided_slice %get3A_47 {offsets = [2], sizes = [1], strides = [1]} : vector<16xi32> to vector<1xi32>
      %squeeze3A_113 = vector.extract %slice3A_112[0] : i32 from vector<1xi32>
      %add3A_114 = arith.constant 2 : i32
      %add3A_115 = arith.addi %mul3A_45, %add3A_114 : i32
      %dma_start3A_116 = arith.constant 0 : i32
      %dma_start3A_117 = tpu.memref_slice %arg10[%add3A_115, %dma_start3A_116] : memref<256x128xf32, #tpu.memory_space<vmem>> -> memref<1x128xf32, #tpu.memory_space<vmem>>
      %dma_start3A_118 = tpu.memref_squeeze %dma_start3A_117 : memref<1x128xf32, #tpu.memory_space<vmem>> -> memref<128xf32, #tpu.memory_space<vmem>>
      %dma_start3A_119 = arith.constant 0 : i32
      %dma_start3A_120 = tpu.memref_slice %arg4[%squeeze3A_113, %dma_start3A_119] : memref<251904x128xf32, #tpu.memory_space<hbm>> -> memref<1x128xf32, #tpu.memory_space<hbm>>
      %dma_start3A_121 = tpu.memref_squeeze %dma_start3A_120 : memref<1x128xf32, #tpu.memory_space<hbm>> -> memref<128xf32, #tpu.memory_space<hbm>>
      %dma_start3A_122 = arith.constant 0 : i32
      %dma_start3A_123 = tpu.memref_slice %arg10[%add3A_115, %dma_start3A_122] : memref<256x128xf32, #tpu.memory_space<vmem>> -> memref<1x128xf32, #tpu.memory_space<vmem>>
      %dma_start3A_124 = tpu.memref_squeeze %dma_start3A_123 : memref<1x128xf32, #tpu.memory_space<vmem>> -> memref<128xf32, #tpu.memory_space<vmem>>
      %dma_start3A_125 = arith.constant 0 : i32
      %dma_start3A_126 = tpu.memref_slice %arg4[%squeeze3A_113, %dma_start3A_125] : memref<251904x128xf32, #tpu.memory_space<hbm>> -> memref<1x128xf32, #tpu.memory_space<hbm>>
      %dma_start3A_127 = tpu.memref_squeeze %dma_start3A_126 : memref<1x128xf32, #tpu.memory_space<hbm>> -> memref<128xf32, #tpu.memory_space<hbm>>
      tpu.enqueue_dma source(%dma_start3A_127 : memref<128xf32, #tpu.memory_space<hbm>>) target(%dma_start3A_124 : memref<128xf32, #tpu.memory_space<vmem>>) target_semaphore(%arg12 : memref<!tpu.dma_semaphore, #tpu.memory_space<semaphore_mem>>)
      %slice3A_128 = vector.extract_strided_slice %get3A_50 {offsets = [2], sizes = [1], strides = [1]} : vector<16xi32> to vector<1xi32>
      %squeeze3A_129 = vector.extract %slice3A_128[0] : i32 from vector<1xi32>
      %add3A_130 = arith.constant 2 : i32
      %add3A_131 = arith.addi %mul3A_45, %add3A_130 : i32
      %dma_start3A_132 = arith.constant 0 : i32
      %dma_start3A_133 = tpu.memref_slice %arg11[%add3A_131, %dma_start3A_132] : memref<256x128xf32, #tpu.memory_space<vmem>> -> memref<1x128xf32, #tpu.memory_space<vmem>>
      %dma_start3A_134 = tpu.memref_squeeze %dma_start3A_133 : memref<1x128xf32, #tpu.memory_space<vmem>> -> memref<128xf32, #tpu.memory_space<vmem>>
      %dma_start3A_135 = arith.constant 0 : i32
      %dma_start3A_136 = tpu.memref_slice %arg5[%squeeze3A_129, %dma_start3A_135] : memref<251904x128xf32, #tpu.memory_space<hbm>> -> memref<1x128xf32, #tpu.memory_space<hbm>>
      %dma_start3A_137 = tpu.memref_squeeze %dma_start3A_136 : memref<1x128xf32, #tpu.memory_space<hbm>> -> memref<128xf32, #tpu.memory_space<hbm>>
      %dma_start3A_138 = arith.constant 0 : i32
      %dma_start3A_139 = tpu.memref_slice %arg11[%add3A_131, %dma_start3A_138] : memref<256x128xf32, #tpu.memory_space<vmem>> -> memref<1x128xf32, #tpu.memory_space<vmem>>
      %dma_start3A_140 = tpu.memref_squeeze %dma_start3A_139 : memref<1x128xf32, #tpu.memory_space<vmem>> -> memref<128xf32, #tpu.memory_space<vmem>>
      %dma_start3A_141 = arith.constant 0 : i32
      %dma_start3A_142 = tpu.memref_slice %arg5[%squeeze3A_129, %dma_start3A_141] : memref<251904x128xf32, #tpu.memory_space<hbm>> -> memref<1x128xf32, #tpu.memory_space<hbm>>
      %dma_start3A_143 = tpu.memref_squeeze %dma_start3A_142 : memref<1x128xf32, #tpu.memory_space<hbm>> -> memref<128xf32, #tpu.memory_space<hbm>>
      tpu.enqueue_dma source(%dma_start3A_143 : memref<128xf32, #tpu.memory_space<hbm>>) target(%dma_start3A_140 : memref<128xf32, #tpu.memory_space<vmem>>) target_semaphore(%arg12 : memref<!tpu.dma_semaphore, #tpu.memory_space<semaphore_mem>>)
      %slice3A_144 = vector.extract_strided_slice %get3A_47 {offsets = [3], sizes = [1], strides = [1]} : vector<16xi32> to vector<1xi32>
      %squeeze3A_145 = vector.extract %slice3A_144[0] : i32 from vector<1xi32>
      %add3A_146 = arith.constant 3 : i32
      %add3A_147 = arith.addi %mul3A_45, %add3A_146 : i32
      %dma_start3A_148 = arith.constant 0 : i32
      %dma_start3A_149 = tpu.memref_slice %arg10[%add3A_147, %dma_start3A_148] : memref<256x128xf32, #tpu.memory_space<vmem>> -> memref<1x128xf32, #tpu.memory_space<vmem>>
      %dma_start3A_150 = tpu.memref_squeeze %dma_start3A_149 : memref<1x128xf32, #tpu.memory_space<vmem>> -> memref<128xf32, #tpu.memory_space<vmem>>
      %dma_start3A_151 = arith.constant 0 : i32
      %dma_start3A_152 = tpu.memref_slice %arg4[%squeeze3A_145, %dma_start3A_151] : memref<251904x128xf32, #tpu.memory_space<hbm>> -> memref<1x128xf32, #tpu.memory_space<hbm>>
      %dma_start3A_153 = tpu.memref_squeeze %dma_start3A_152 : memref<1x128xf32, #tpu.memory_space<hbm>> -> memref<128xf32, #tpu.memory_space<hbm>>
      %dma_start3A_154 = arith.constant 0 : i32
      %dma_start3A_155 = tpu.memref_slice %arg10[%add3A_147, %dma_start3A_154] : memref<256x128xf32, #tpu.memory_space<vmem>> -> memref<1x128xf32, #tpu.memory_space<vmem>>
      %dma_start3A_156 = tpu.memref_squeeze %dma_start3A_155 : memref<1x128xf32, #tpu.memory_space<vmem>> -> memref<128xf32, #tpu.memory_space<vmem>>
      %dma_start3A_157 = arith.constant 0 : i32
      %dma_start3A_158 = tpu.memref_slice %arg4[%squeeze3A_145, %dma_start3A_157] : memref<251904x128xf32, #tpu.memory_space<hbm>> -> memref<1x128xf32, #tpu.memory_space<hbm>>
      %dma_start3A_159 = tpu.memref_squeeze %dma_start3A_158 : memref<1x128xf32, #tpu.memory_space<hbm>> -> memref<128xf32, #tpu.memory_space<hbm>>
      tpu.enqueue_dma source(%dma_start3A_159 : memref<128xf32, #tpu.memory_space<hbm>>) target(%dma_start3A_156 : memref<128xf32, #tpu.memory_space<vmem>>) target_semaphore(%arg12 : memref<!tpu.dma_semaphore, #tpu.memory_space<semaphore_mem>>)
      %slice3A_160 = vector.extract_strided_slice %get3A_50 {offsets = [3], sizes = [1], strides = [1]} : vector<16xi32> to vector<1xi32>
      %squeeze3A_161 = vector.extract %slice3A_160[0] : i32 from vector<1xi32>
      %add3A_162 = arith.constant 3 : i32
      %add3A_163 = arith.addi %mul3A_45, %add3A_162 : i32
      %dma_start3A_164 = arith.constant 0 : i32
      %dma_start3A_165 = tpu.memref_slice %arg11[%add3A_163, %dma_start3A_164] : memref<256x128xf32, #tpu.memory_space<vmem>> -> memref<1x128xf32, #tpu.memory_space<vmem>>
      %dma_start3A_166 = tpu.memref_squeeze %dma_start3A_165 : memref<1x128xf32, #tpu.memory_space<vmem>> -> memref<128xf32, #tpu.memory_space<vmem>>
      %dma_start3A_167 = arith.constant 0 : i32
      %dma_start3A_168 = tpu.memref_slice %arg5[%squeeze3A_161, %dma_start3A_167] : memref<251904x128xf32, #tpu.memory_space<hbm>> -> memref<1x128xf32, #tpu.memory_space<hbm>>
      %dma_start3A_169 = tpu.memref_squeeze %dma_start3A_168 : memref<1x128xf32, #tpu.memory_space<hbm>> -> memref<128xf32, #tpu.memory_space<hbm>>
      %dma_start3A_170 = arith.constant 0 : i32
      %dma_start3A_171 = tpu.memref_slice %arg11[%add3A_163, %dma_start3A_170] : memref<256x128xf32, #tpu.memory_space<vmem>> -> memref<1x128xf32, #tpu.memory_space<vmem>>
      %dma_start3A_172 = tpu.memref_squeeze %dma_start3A_171 : memref<1x128xf32, #tpu.memory_space<vmem>> -> memref<128xf32, #tpu.memory_space<vmem>>
      %dma_start3A_173 = arith.constant 0 : i32
      %dma_start3A_174 = tpu.memref_slice %arg5[%squeeze3A_161, %dma_start3A_173] : memref<251904x128xf32, #tpu.memory_space<hbm>> -> memref<1x128xf32, #tpu.memory_space<hbm>>
      %dma_start3A_175 = tpu.memref_squeeze %dma_start3A_174 : memref<1x128xf32, #tpu.memory_space<hbm>> -> memref<128xf32, #tpu.memory_space<hbm>>
      tpu.enqueue_dma source(%dma_start3A_175 : memref<128xf32, #tpu.memory_space<hbm>>) target(%dma_start3A_172 : memref<128xf32, #tpu.memory_space<vmem>>) target_semaphore(%arg12 : memref<!tpu.dma_semaphore, #tpu.memory_space<semaphore_mem>>)
      %slice3A_176 = vector.extract_strided_slice %get3A_47 {offsets = [4], sizes = [1], strides = [1]} : vector<16xi32> to vector<1xi32>
      %squeeze3A_177 = vector.extract %slice3A_176[0] : i32 from vector<1xi32>
      %add3A_178 = arith.constant 4 : i32
      %add3A_179 = arith.addi %mul3A_45, %add3A_178 : i32
      %dma_start3A_180 = arith.constant 0 : i32
      %dma_start3A_181 = tpu.memref_slice %arg10[%add3A_179, %dma_start3A_180] : memref<256x128xf32, #tpu.memory_space<vmem>> -> memref<1x128xf32, #tpu.memory_space<vmem>>
      %dma_start3A_182 = tpu.memref_squeeze %dma_start3A_181 : memref<1x128xf32, #tpu.memory_space<vmem>> -> memref<128xf32, #tpu.memory_space<vmem>>
      %dma_start3A_183 = arith.constant 0 : i32
      %dma_start3A_184 = tpu.memref_slice %arg4[%squeeze3A_177, %dma_start3A_183] : memref<251904x128xf32, #tpu.memory_space<hbm>> -> memref<1x128xf32, #tpu.memory_space<hbm>>
      %dma_start3A_185 = tpu.memref_squeeze %dma_start3A_184 : memref<1x128xf32, #tpu.memory_space<hbm>> -> memref<128xf32, #tpu.memory_space<hbm>>
      %dma_start3A_186 = arith.constant 0 : i32
      %dma_start3A_187 = tpu.memref_slice %arg10[%add3A_179, %dma_start3A_186] : memref<256x128xf32, #tpu.memory_space<vmem>> -> memref<1x128xf32, #tpu.memory_space<vmem>>
      %dma_start3A_188 = tpu.memref_squeeze %dma_start3A_187 : memref<1x128xf32, #tpu.memory_space<vmem>> -> memref<128xf32, #tpu.memory_space<vmem>>
      %dma_start3A_189 = arith.constant 0 : i32
      %dma_start3A_190 = tpu.memref_slice %arg4[%squeeze3A_177, %dma_start3A_189] : memref<251904x128xf32, #tpu.memory_space<hbm>> -> memref<1x128xf32, #tpu.memory_space<hbm>>
      %dma_start3A_191 = tpu.memref_squeeze %dma_start3A_190 : memref<1x128xf32, #tpu.memory_space<hbm>> -> memref<128xf32, #tpu.memory_space<hbm>>
      tpu.enqueue_dma source(%dma_start3A_191 : memref<128xf32, #tpu.memory_space<hbm>>) target(%dma_start3A_188 : memref<128xf32, #tpu.memory_space<vmem>>) target_semaphore(%arg12 : memref<!tpu.dma_semaphore, #tpu.memory_space<semaphore_mem>>)
      %slice3A_192 = vector.extract_strided_slice %get3A_50 {offsets = [4], sizes = [1], strides = [1]} : vector<16xi32> to vector<1xi32>
      %squeeze3A_193 = vector.extract %slice3A_192[0] : i32 from vector<1xi32>
      %add3A_194 = arith.constant 4 : i32
      %add3A_195 = arith.addi %mul3A_45, %add3A_194 : i32
      %dma_start3A_196 = arith.constant 0 : i32
      %dma_start3A_197 = tpu.memref_slice %arg11[%add3A_195, %dma_start3A_196] : memref<256x128xf32, #tpu.memory_space<vmem>> -> memref<1x128xf32, #tpu.memory_space<vmem>>
      %dma_start3A_198 = tpu.memref_squeeze %dma_start3A_197 : memref<1x128xf32, #tpu.memory_space<vmem>> -> memref<128xf32, #tpu.memory_space<vmem>>
      %dma_start3A_199 = arith.constant 0 : i32
      %dma_start3A_200 = tpu.memref_slice %arg5[%squeeze3A_193, %dma_start3A_199] : memref<251904x128xf32, #tpu.memory_space<hbm>> -> memref<1x128xf32, #tpu.memory_space<hbm>>
      %dma_start3A_201 = tpu.memref_squeeze %dma_start3A_200 : memref<1x128xf32, #tpu.memory_space<hbm>> -> memref<128xf32, #tpu.memory_space<hbm>>
      %dma_start3A_202 = arith.constant 0 : i32
      %dma_start3A_203 = tpu.memref_slice %arg11[%add3A_195, %dma_start3A_202] : memref<256x128xf32, #tpu.memory_space<vmem>> -> memref<1x128xf32, #tpu.memory_space<vmem>>
      %dma_start3A_204 = tpu.memref_squeeze %dma_start3A_203 : memref<1x128xf32, #tpu.memory_space<vmem>> -> memref<128xf32, #tpu.memory_space<vmem>>
      %dma_start3A_205 = arith.constant 0 : i32
      %dma_start3A_206 = tpu.memref_slice %arg5[%squeeze3A_193, %dma_start3A_205] : memref<251904x128xf32, #tpu.memory_space<hbm>> -> memref<1x128xf32, #tpu.memory_space<hbm>>
      %dma_start3A_207 = tpu.memref_squeeze %dma_start3A_206 : memref<1x128xf32, #tpu.memory_space<hbm>> -> memref<128xf32, #tpu.memory_space<hbm>>
      tpu.enqueue_dma source(%dma_start3A_207 : memref<128xf32, #tpu.memory_space<hbm>>) target(%dma_start3A_204 : memref<128xf32, #tpu.memory_space<vmem>>) target_semaphore(%arg12 : memref<!tpu.dma_semaphore, #tpu.memory_space<semaphore_mem>>)
      %slice3A_208 = vector.extract_strided_slice %get3A_47 {offsets = [5], sizes = [1], strides = [1]} : vector<16xi32> to vector<1xi32>
      %squeeze3A_209 = vector.extract %slice3A_208[0] : i32 from vector<1xi32>
      %add3A_210 = arith.constant 5 : i32
      %add3A_211 = arith.addi %mul3A_45, %add3A_210 : i32
      %dma_start3A_212 = arith.constant 0 : i32
      %dma_start3A_213 = tpu.memref_slice %arg10[%add3A_211, %dma_start3A_212] : memref<256x128xf32, #tpu.memory_space<vmem>> -> memref<1x128xf32, #tpu.memory_space<vmem>>
      %dma_start3A_214 = tpu.memref_squeeze %dma_start3A_213 : memref<1x128xf32, #tpu.memory_space<vmem>> -> memref<128xf32, #tpu.memory_space<vmem>>
      %dma_start3A_215 = arith.constant 0 : i32
      %dma_start3A_216 = tpu.memref_slice %arg4[%squeeze3A_209, %dma_start3A_215] : memref<251904x128xf32, #tpu.memory_space<hbm>> -> memref<1x128xf32, #tpu.memory_space<hbm>>
      %dma_start3A_217 = tpu.memref_squeeze %dma_start3A_216 : memref<1x128xf32, #tpu.memory_space<hbm>> -> memref<128xf32, #tpu.memory_space<hbm>>
      %dma_start3A_218 = arith.constant 0 : i32
      %dma_start3A_219 = tpu.memref_slice %arg10[%add3A_211, %dma_start3A_218] : memref<256x128xf32, #tpu.memory_space<vmem>> -> memref<1x128xf32, #tpu.memory_space<vmem>>
      %dma_start3A_220 = tpu.memref_squeeze %dma_start3A_219 : memref<1x128xf32, #tpu.memory_space<vmem>> -> memref<128xf32, #tpu.memory_space<vmem>>
      %dma_start3A_221 = arith.constant 0 : i32
      %dma_start3A_222 = tpu.memref_slice %arg4[%squeeze3A_209, %dma_start3A_221] : memref<251904x128xf32, #tpu.memory_space<hbm>> -> memref<1x128xf32, #tpu.memory_space<hbm>>
      %dma_start3A_223 = tpu.memref_squeeze %dma_start3A_222 : memref<1x128xf32, #tpu.memory_space<hbm>> -> memref<128xf32, #tpu.memory_space<hbm>>
      tpu.enqueue_dma source(%dma_start3A_223 : memref<128xf32, #tpu.memory_space<hbm>>) target(%dma_start3A_220 : memref<128xf32, #tpu.memory_space<vmem>>) target_semaphore(%arg12 : memref<!tpu.dma_semaphore, #tpu.memory_space<semaphore_mem>>)
      %slice3A_224 = vector.extract_strided_slice %get3A_50 {offsets = [5], sizes = [1], strides = [1]} : vector<16xi32> to vector<1xi32>
      %squeeze3A_225 = vector.extract %slice3A_224[0] : i32 from vector<1xi32>
      %add3A_226 = arith.constant 5 : i32
      %add3A_227 = arith.addi %mul3A_45, %add3A_226 : i32
      %dma_start3A_228 = arith.constant 0 : i32
      %dma_start3A_229 = tpu.memref_slice %arg11[%add3A_227, %dma_start3A_228] : memref<256x128xf32, #tpu.memory_space<vmem>> -> memref<1x128xf32, #tpu.memory_space<vmem>>
      %dma_start3A_230 = tpu.memref_squeeze %dma_start3A_229 : memref<1x128xf32, #tpu.memory_space<vmem>> -> memref<128xf32, #tpu.memory_space<vmem>>
      %dma_start3A_231 = arith.constant 0 : i32
      %dma_start3A_232 = tpu.memref_slice %arg5[%squeeze3A_225, %dma_start3A_231] : memref<251904x128xf32, #tpu.memory_space<hbm>> -> memref<1x128xf32, #tpu.memory_space<hbm>>
      %dma_start3A_233 = tpu.memref_squeeze %dma_start3A_232 : memref<1x128xf32, #tpu.memory_space<hbm>> -> memref<128xf32, #tpu.memory_space<hbm>>
      %dma_start3A_234 = arith.constant 0 : i32
      %dma_start3A_235 = tpu.memref_slice %arg11[%add3A_227, %dma_start3A_234] : memref<256x128xf32, #tpu.memory_space<vmem>> -> memref<1x128xf32, #tpu.memory_space<vmem>>
      %dma_start3A_236 = tpu.memref_squeeze %dma_start3A_235 : memref<1x128xf32, #tpu.memory_space<vmem>> -> memref<128xf32, #tpu.memory_space<vmem>>
      %dma_start3A_237 = arith.constant 0 : i32
      %dma_start3A_238 = tpu.memref_slice %arg5[%squeeze3A_225, %dma_start3A_237] : memref<251904x128xf32, #tpu.memory_space<hbm>> -> memref<1x128xf32, #tpu.memory_space<hbm>>
      %dma_start3A_239 = tpu.memref_squeeze %dma_start3A_238 : memref<1x128xf32, #tpu.memory_space<hbm>> -> memref<128xf32, #tpu.memory_space<hbm>>
      tpu.enqueue_dma source(%dma_start3A_239 : memref<128xf32, #tpu.memory_space<hbm>>) target(%dma_start3A_236 : memref<128xf32, #tpu.memory_space<vmem>>) target_semaphore(%arg12 : memref<!tpu.dma_semaphore, #tpu.memory_space<semaphore_mem>>)
      %slice3A_240 = vector.extract_strided_slice %get3A_47 {offsets = [6], sizes = [1], strides = [1]} : vector<16xi32> to vector<1xi32>
      %squeeze3A_241 = vector.extract %slice3A_240[0] : i32 from vector<1xi32>
      %add3A_242 = arith.constant 6 : i32
      %add3A_243 = arith.addi %mul3A_45, %add3A_242 : i32
      %dma_start3A_244 = arith.constant 0 : i32
      %dma_start3A_245 = tpu.memref_slice %arg10[%add3A_243, %dma_start3A_244] : memref<256x128xf32, #tpu.memory_space<vmem>> -> memref<1x128xf32, #tpu.memory_space<vmem>>
      %dma_start3A_246 = tpu.memref_squeeze %dma_start3A_245 : memref<1x128xf32, #tpu.memory_space<vmem>> -> memref<128xf32, #tpu.memory_space<vmem>>
      %dma_start3A_247 = arith.constant 0 : i32
      %dma_start3A_248 = tpu.memref_slice %arg4[%squeeze3A_241, %dma_start3A_247] : memref<251904x128xf32, #tpu.memory_space<hbm>> -> memref<1x128xf32, #tpu.memory_space<hbm>>
      %dma_start3A_249 = tpu.memref_squeeze %dma_start3A_248 : memref<1x128xf32, #tpu.memory_space<hbm>> -> memref<128xf32, #tpu.memory_space<hbm>>
      %dma_start3A_250 = arith.constant 0 : i32
      %dma_start3A_251 = tpu.memref_slice %arg10[%add3A_243, %dma_start3A_250] : memref<256x128xf32, #tpu.memory_space<vmem>> -> memref<1x128xf32, #tpu.memory_space<vmem>>
      %dma_start3A_252 = tpu.memref_squeeze %dma_start3A_251 : memref<1x128xf32, #tpu.memory_space<vmem>> -> memref<128xf32, #tpu.memory_space<vmem>>
      %dma_start3A_253 = arith.constant 0 : i32
      %dma_start3A_254 = tpu.memref_slice %arg4[%squeeze3A_241, %dma_start3A_253] : memref<251904x128xf32, #tpu.memory_space<hbm>> -> memref<1x128xf32, #tpu.memory_space<hbm>>
      %dma_start3A_255 = tpu.memref_squeeze %dma_start3A_254 : memref<1x128xf32, #tpu.memory_space<hbm>> -> memref<128xf32, #tpu.memory_space<hbm>>
      tpu.enqueue_dma source(%dma_start3A_255 : memref<128xf32, #tpu.memory_space<hbm>>) target(%dma_start3A_252 : memref<128xf32, #tpu.memory_space<vmem>>) target_semaphore(%arg12 : memref<!tpu.dma_semaphore, #tpu.memory_space<semaphore_mem>>)
      %slice3A_256 = vector.extract_strided_slice %get3A_50 {offsets = [6], sizes = [1], strides = [1]} : vector<16xi32> to vector<1xi32>
      %squeeze3A_257 = vector.extract %slice3A_256[0] : i32 from vector<1xi32>
      %add3A_258 = arith.constant 6 : i32
      %add3A_259 = arith.addi %mul3A_45, %add3A_258 : i32
      %dma_start3A_260 = arith.constant 0 : i32
      %dma_start3A_261 = tpu.memref_slice %arg11[%add3A_259, %dma_start3A_260] : memref<256x128xf32, #tpu.memory_space<vmem>> -> memref<1x128xf32, #tpu.memory_space<vmem>>
      %dma_start3A_262 = tpu.memref_squeeze %dma_start3A_261 : memref<1x128xf32, #tpu.memory_space<vmem>> -> memref<128xf32, #tpu.memory_space<vmem>>
      %dma_start3A_263 = arith.constant 0 : i32
      %dma_start3A_264 = tpu.memref_slice %arg5[%squeeze3A_257, %dma_start3A_263] : memref<251904x128xf32, #tpu.memory_space<hbm>> -> memref<1x128xf32, #tpu.memory_space<hbm>>
      %dma_start3A_265 = tpu.memref_squeeze %dma_start3A_264 : memref<1x128xf32, #tpu.memory_space<hbm>> -> memref<128xf32, #tpu.memory_space<hbm>>
      %dma_start3A_266 = arith.constant 0 : i32
      %dma_start3A_267 = tpu.memref_slice %arg11[%add3A_259, %dma_start3A_266] : memref<256x128xf32, #tpu.memory_space<vmem>> -> memref<1x128xf32, #tpu.memory_space<vmem>>
      %dma_start3A_268 = tpu.memref_squeeze %dma_start3A_267 : memref<1x128xf32, #tpu.memory_space<vmem>> -> memref<128xf32, #tpu.memory_space<vmem>>
      %dma_start3A_269 = arith.constant 0 : i32
      %dma_start3A_270 = tpu.memref_slice %arg5[%squeeze3A_257, %dma_start3A_269] : memref<251904x128xf32, #tpu.memory_space<hbm>> -> memref<1x128xf32, #tpu.memory_space<hbm>>
      %dma_start3A_271 = tpu.memref_squeeze %dma_start3A_270 : memref<1x128xf32, #tpu.memory_space<hbm>> -> memref<128xf32, #tpu.memory_space<hbm>>
      tpu.enqueue_dma source(%dma_start3A_271 : memref<128xf32, #tpu.memory_space<hbm>>) target(%dma_start3A_268 : memref<128xf32, #tpu.memory_space<vmem>>) target_semaphore(%arg12 : memref<!tpu.dma_semaphore, #tpu.memory_space<semaphore_mem>>)
      %slice3A_272 = vector.extract_strided_slice %get3A_47 {offsets = [7], sizes = [1], strides = [1]} : vector<16xi32> to vector<1xi32>
      %squeeze3A_273 = vector.extract %slice3A_272[0] : i32 from vector<1xi32>
      %add3A_274 = arith.constant 7 : i32
      %add3A_275 = arith.addi %mul3A_45, %add3A_274 : i32
      %dma_start3A_276 = arith.constant 0 : i32
      %dma_start3A_277 = tpu.memref_slice %arg10[%add3A_275, %dma_start3A_276] : memref<256x128xf32, #tpu.memory_space<vmem>> -> memref<1x128xf32, #tpu.memory_space<vmem>>
      %dma_start3A_278 = tpu.memref_squeeze %dma_start3A_277 : memref<1x128xf32, #tpu.memory_space<vmem>> -> memref<128xf32, #tpu.memory_space<vmem>>
      %dma_start3A_279 = arith.constant 0 : i32
      %dma_start3A_280 = tpu.memref_slice %arg4[%squeeze3A_273, %dma_start3A_279] : memref<251904x128xf32, #tpu.memory_space<hbm>> -> memref<1x128xf32, #tpu.memory_space<hbm>>
      %dma_start3A_281 = tpu.memref_squeeze %dma_start3A_280 : memref<1x128xf32, #tpu.memory_space<hbm>> -> memref<128xf32, #tpu.memory_space<hbm>>
      %dma_start3A_282 = arith.constant 0 : i32
      %dma_start3A_283 = tpu.memref_slice %arg10[%add3A_275, %dma_start3A_282] : memref<256x128xf32, #tpu.memory_space<vmem>> -> memref<1x128xf32, #tpu.memory_space<vmem>>
      %dma_start3A_284 = tpu.memref_squeeze %dma_start3A_283 : memref<1x128xf32, #tpu.memory_space<vmem>> -> memref<128xf32, #tpu.memory_space<vmem>>
      %dma_start3A_285 = arith.constant 0 : i32
      %dma_start3A_286 = tpu.memref_slice %arg4[%squeeze3A_273, %dma_start3A_285] : memref<251904x128xf32, #tpu.memory_space<hbm>> -> memref<1x128xf32, #tpu.memory_space<hbm>>
      %dma_start3A_287 = tpu.memref_squeeze %dma_start3A_286 : memref<1x128xf32, #tpu.memory_space<hbm>> -> memref<128xf32, #tpu.memory_space<hbm>>
      tpu.enqueue_dma source(%dma_start3A_287 : memref<128xf32, #tpu.memory_space<hbm>>) target(%dma_start3A_284 : memref<128xf32, #tpu.memory_space<vmem>>) target_semaphore(%arg12 : memref<!tpu.dma_semaphore, #tpu.memory_space<semaphore_mem>>)
      %slice3A_288 = vector.extract_strided_slice %get3A_50 {offsets = [7], sizes = [1], strides = [1]} : vector<16xi32> to vector<1xi32>
      %squeeze3A_289 = vector.extract %slice3A_288[0] : i32 from vector<1xi32>
      %add3A_290 = arith.constant 7 : i32
      %add3A_291 = arith.addi %mul3A_45, %add3A_290 : i32
      %dma_start3A_292 = arith.constant 0 : i32
      %dma_start3A_293 = tpu.memref_slice %arg11[%add3A_291, %dma_start3A_292] : memref<256x128xf32, #tpu.memory_space<vmem>> -> memref<1x128xf32, #tpu.memory_space<vmem>>
      %dma_start3A_294 = tpu.memref_squeeze %dma_start3A_293 : memref<1x128xf32, #tpu.memory_space<vmem>> -> memref<128xf32, #tpu.memory_space<vmem>>
      %dma_start3A_295 = arith.constant 0 : i32
      %dma_start3A_296 = tpu.memref_slice %arg5[%squeeze3A_289, %dma_start3A_295] : memref<251904x128xf32, #tpu.memory_space<hbm>> -> memref<1x128xf32, #tpu.memory_space<hbm>>
      %dma_start3A_297 = tpu.memref_squeeze %dma_start3A_296 : memref<1x128xf32, #tpu.memory_space<hbm>> -> memref<128xf32, #tpu.memory_space<hbm>>
      %dma_start3A_298 = arith.constant 0 : i32
      %dma_start3A_299 = tpu.memref_slice %arg11[%add3A_291, %dma_start3A_298] : memref<256x128xf32, #tpu.memory_space<vmem>> -> memref<1x128xf32, #tpu.memory_space<vmem>>
      %dma_start3A_300 = tpu.memref_squeeze %dma_start3A_299 : memref<1x128xf32, #tpu.memory_space<vmem>> -> memref<128xf32, #tpu.memory_space<vmem>>
      %dma_start3A_301 = arith.constant 0 : i32
      %dma_start3A_302 = tpu.memref_slice %arg5[%squeeze3A_289, %dma_start3A_301] : memref<251904x128xf32, #tpu.memory_space<hbm>> -> memref<1x128xf32, #tpu.memory_space<hbm>>
      %dma_start3A_303 = tpu.memref_squeeze %dma_start3A_302 : memref<1x128xf32, #tpu.memory_space<hbm>> -> memref<128xf32, #tpu.memory_space<hbm>>
      tpu.enqueue_dma source(%dma_start3A_303 : memref<128xf32, #tpu.memory_space<hbm>>) target(%dma_start3A_300 : memref<128xf32, #tpu.memory_space<vmem>>) target_semaphore(%arg12 : memref<!tpu.dma_semaphore, #tpu.memory_space<semaphore_mem>>)
      %slice3A_304 = vector.extract_strided_slice %get3A_47 {offsets = [8], sizes = [1], strides = [1]} : vector<16xi32> to vector<1xi32>
      %squeeze3A_305 = vector.extract %slice3A_304[0] : i32 from vector<1xi32>
      %add3A_306 = arith.constant 8 : i32
      %add3A_307 = arith.addi %mul3A_45, %add3A_306 : i32
      %dma_start3A_308 = arith.constant 0 : i32
      %dma_start3A_309 = tpu.memref_slice %arg10[%add3A_307, %dma_start3A_308] : memref<256x128xf32, #tpu.memory_space<vmem>> -> memref<1x128xf32, #tpu.memory_space<vmem>>
      %dma_start3A_310 = tpu.memref_squeeze %dma_start3A_309 : memref<1x128xf32, #tpu.memory_space<vmem>> -> memref<128xf32, #tpu.memory_space<vmem>>
      %dma_start3A_311 = arith.constant 0 : i32
      %dma_start3A_312 = tpu.memref_slice %arg4[%squeeze3A_305, %dma_start3A_311] : memref<251904x128xf32, #tpu.memory_space<hbm>> -> memref<1x128xf32, #tpu.memory_space<hbm>>
      %dma_start3A_313 = tpu.memref_squeeze %dma_start3A_312 : memref<1x128xf32, #tpu.memory_space<hbm>> -> memref<128xf32, #tpu.memory_space<hbm>>
      %dma_start3A_314 = arith.constant 0 : i32
      %dma_start3A_315 = tpu.memref_slice %arg10[%add3A_307, %dma_start3A_314] : memref<256x128xf32, #tpu.memory_space<vmem>> -> memref<1x128xf32, #tpu.memory_space<vmem>>
      %dma_start3A_316 = tpu.memref_squeeze %dma_start3A_315 : memref<1x128xf32, #tpu.memory_space<vmem>> -> memref<128xf32, #tpu.memory_space<vmem>>
      %dma_start3A_317 = arith.constant 0 : i32
      %dma_start3A_318 = tpu.memref_slice %arg4[%squeeze3A_305, %dma_start3A_317] : memref<251904x128xf32, #tpu.memory_space<hbm>> -> memref<1x128xf32, #tpu.memory_space<hbm>>
      %dma_start3A_319 = tpu.memref_squeeze %dma_start3A_318 : memref<1x128xf32, #tpu.memory_space<hbm>> -> memref<128xf32, #tpu.memory_space<hbm>>
      tpu.enqueue_dma source(%dma_start3A_319 : memref<128xf32, #tpu.memory_space<hbm>>) target(%dma_start3A_316 : memref<128xf32, #tpu.memory_space<vmem>>) target_semaphore(%arg12 : memref<!tpu.dma_semaphore, #tpu.memory_space<semaphore_mem>>)
      %slice3A_320 = vector.extract_strided_slice %get3A_50 {offsets = [8], sizes = [1], strides = [1]} : vector<16xi32> to vector<1xi32>
      %squeeze3A_321 = vector.extract %slice3A_320[0] : i32 from vector<1xi32>
      %add3A_322 = arith.constant 8 : i32
      %add3A_323 = arith.addi %mul3A_45, %add3A_322 : i32
      %dma_start3A_324 = arith.constant 0 : i32
      %dma_start3A_325 = tpu.memref_slice %arg11[%add3A_323, %dma_start3A_324] : memref<256x128xf32, #tpu.memory_space<vmem>> -> memref<1x128xf32, #tpu.memory_space<vmem>>
      %dma_start3A_326 = tpu.memref_squeeze %dma_start3A_325 : memref<1x128xf32, #tpu.memory_space<vmem>> -> memref<128xf32, #tpu.memory_space<vmem>>
      %dma_start3A_327 = arith.constant 0 : i32
      %dma_start3A_328 = tpu.memref_slice %arg5[%squeeze3A_321, %dma_start3A_327] : memref<251904x128xf32, #tpu.memory_space<hbm>> -> memref<1x128xf32, #tpu.memory_space<hbm>>
      %dma_start3A_329 = tpu.memref_squeeze %dma_start3A_328 : memref<1x128xf32, #tpu.memory_space<hbm>> -> memref<128xf32, #tpu.memory_space<hbm>>
      %dma_start3A_330 = arith.constant 0 : i32
      %dma_start3A_331 = tpu.memref_slice %arg11[%add3A_323, %dma_start3A_330] : memref<256x128xf32, #tpu.memory_space<vmem>> -> memref<1x128xf32, #tpu.memory_space<vmem>>
      %dma_start3A_332 = tpu.memref_squeeze %dma_start3A_331 : memref<1x128xf32, #tpu.memory_space<vmem>> -> memref<128xf32, #tpu.memory_space<vmem>>
      %dma_start3A_333 = arith.constant 0 : i32
      %dma_start3A_334 = tpu.memref_slice %arg5[%squeeze3A_321, %dma_start3A_333] : memref<251904x128xf32, #tpu.memory_space<hbm>> -> memref<1x128xf32, #tpu.memory_space<hbm>>
      %dma_start3A_335 = tpu.memref_squeeze %dma_start3A_334 : memref<1x128xf32, #tpu.memory_space<hbm>> -> memref<128xf32, #tpu.memory_space<hbm>>
      tpu.enqueue_dma source(%dma_start3A_335 : memref<128xf32, #tpu.memory_space<hbm>>) target(%dma_start3A_332 : memref<128xf32, #tpu.memory_space<vmem>>) target_semaphore(%arg12 : memref<!tpu.dma_semaphore, #tpu.memory_space<semaphore_mem>>)
      %slice3A_336 = vector.extract_strided_slice %get3A_47 {offsets = [9], sizes = [1], strides = [1]} : vector<16xi32> to vector<1xi32>
      %squeeze3A_337 = vector.extract %slice3A_336[0] : i32 from vector<1xi32>
      %add3A_338 = arith.constant 9 : i32
      %add3A_339 = arith.addi %mul3A_45, %add3A_338 : i32
      %dma_start3A_340 = arith.constant 0 : i32
      %dma_start3A_341 = tpu.memref_slice %arg10[%add3A_339, %dma_start3A_340] : memref<256x128xf32, #tpu.memory_space<vmem>> -> memref<1x128xf32, #tpu.memory_space<vmem>>
      %dma_start3A_342 = tpu.memref_squeeze %dma_start3A_341 : memref<1x128xf32, #tpu.memory_space<vmem>> -> memref<128xf32, #tpu.memory_space<vmem>>
      %dma_start3A_343 = arith.constant 0 : i32
      %dma_start3A_344 = tpu.memref_slice %arg4[%squeeze3A_337, %dma_start3A_343] : memref<251904x128xf32, #tpu.memory_space<hbm>> -> memref<1x128xf32, #tpu.memory_space<hbm>>
      %dma_start3A_345 = tpu.memref_squeeze %dma_start3A_344 : memref<1x128xf32, #tpu.memory_space<hbm>> -> memref<128xf32, #tpu.memory_space<hbm>>
      %dma_start3A_346 = arith.constant 0 : i32
      %dma_start3A_347 = tpu.memref_slice %arg10[%add3A_339, %dma_start3A_346] : memref<256x128xf32, #tpu.memory_space<vmem>> -> memref<1x128xf32, #tpu.memory_space<vmem>>
      %dma_start3A_348 = tpu.memref_squeeze %dma_start3A_347 : memref<1x128xf32, #tpu.memory_space<vmem>> -> memref<128xf32, #tpu.memory_space<vmem>>
      %dma_start3A_349 = arith.constant 0 : i32
      %dma_start3A_350 = tpu.memref_slice %arg4[%squeeze3A_337, %dma_start3A_349] : memref<251904x128xf32, #tpu.memory_space<hbm>> -> memref<1x128xf32, #tpu.memory_space<hbm>>
      %dma_start3A_351 = tpu.memref_squeeze %dma_start3A_350 : memref<1x128xf32, #tpu.memory_space<hbm>> -> memref<128xf32, #tpu.memory_space<hbm>>
      tpu.enqueue_dma source(%dma_start3A_351 : memref<128xf32, #tpu.memory_space<hbm>>) target(%dma_start3A_348 : memref<128xf32, #tpu.memory_space<vmem>>) target_semaphore(%arg12 : memref<!tpu.dma_semaphore, #tpu.memory_space<semaphore_mem>>)
      %slice3A_352 = vector.extract_strided_slice %get3A_50 {offsets = [9], sizes = [1], strides = [1]} : vector<16xi32> to vector<1xi32>
      %squeeze3A_353 = vector.extract %slice3A_352[0] : i32 from vector<1xi32>
      %add3A_354 = arith.constant 9 : i32
      %add3A_355 = arith.addi %mul3A_45, %add3A_354 : i32
      %dma_start3A_356 = arith.constant 0 : i32
      %dma_start3A_357 = tpu.memref_slice %arg11[%add3A_355, %dma_start3A_356] : memref<256x128xf32, #tpu.memory_space<vmem>> -> memref<1x128xf32, #tpu.memory_space<vmem>>
      %dma_start3A_358 = tpu.memref_squeeze %dma_start3A_357 : memref<1x128xf32, #tpu.memory_space<vmem>> -> memref<128xf32, #tpu.memory_space<vmem>>
      %dma_start3A_359 = arith.constant 0 : i32
      %dma_start3A_360 = tpu.memref_slice %arg5[%squeeze3A_353, %dma_start3A_359] : memref<251904x128xf32, #tpu.memory_space<hbm>> -> memref<1x128xf32, #tpu.memory_space<hbm>>
      %dma_start3A_361 = tpu.memref_squeeze %dma_start3A_360 : memref<1x128xf32, #tpu.memory_space<hbm>> -> memref<128xf32, #tpu.memory_space<hbm>>
      %dma_start3A_362 = arith.constant 0 : i32
      %dma_start3A_363 = tpu.memref_slice %arg11[%add3A_355, %dma_start3A_362] : memref<256x128xf32, #tpu.memory_space<vmem>> -> memref<1x128xf32, #tpu.memory_space<vmem>>
      %dma_start3A_364 = tpu.memref_squeeze %dma_start3A_363 : memref<1x128xf32, #tpu.memory_space<vmem>> -> memref<128xf32, #tpu.memory_space<vmem>>
      %dma_start3A_365 = arith.constant 0 : i32
      %dma_start3A_366 = tpu.memref_slice %arg5[%squeeze3A_353, %dma_start3A_365] : memref<251904x128xf32, #tpu.memory_space<hbm>> -> memref<1x128xf32, #tpu.memory_space<hbm>>
      %dma_start3A_367 = tpu.memref_squeeze %dma_start3A_366 : memref<1x128xf32, #tpu.memory_space<hbm>> -> memref<128xf32, #tpu.memory_space<hbm>>
      tpu.enqueue_dma source(%dma_start3A_367 : memref<128xf32, #tpu.memory_space<hbm>>) target(%dma_start3A_364 : memref<128xf32, #tpu.memory_space<vmem>>) target_semaphore(%arg12 : memref<!tpu.dma_semaphore, #tpu.memory_space<semaphore_mem>>)
      %slice3A_368 = vector.extract_strided_slice %get3A_47 {offsets = [10], sizes = [1], strides = [1]} : vector<16xi32> to vector<1xi32>
      %squeeze3A_369 = vector.extract %slice3A_368[0] : i32 from vector<1xi32>
      %add3A_370 = arith.constant 10 : i32
      %add3A_371 = arith.addi %mul3A_45, %add3A_370 : i32
      %dma_start3A_372 = arith.constant 0 : i32
      %dma_start3A_373 = tpu.memref_slice %arg10[%add3A_371, %dma_start3A_372] : memref<256x128xf32, #tpu.memory_space<vmem>> -> memref<1x128xf32, #tpu.memory_space<vmem>>
      %dma_start3A_374 = tpu.memref_squeeze %dma_start3A_373 : memref<1x128xf32, #tpu.memory_space<vmem>> -> memref<128xf32, #tpu.memory_space<vmem>>
      %dma_start3A_375 = arith.constant 0 : i32
      %dma_start3A_376 = tpu.memref_slice %arg4[%squeeze3A_369, %dma_start3A_375] : memref<251904x128xf32, #tpu.memory_space<hbm>> -> memref<1x128xf32, #tpu.memory_space<hbm>>
      %dma_start3A_377 = tpu.memref_squeeze %dma_start3A_376 : memref<1x128xf32, #tpu.memory_space<hbm>> -> memref<128xf32, #tpu.memory_space<hbm>>
      %dma_start3A_378 = arith.constant 0 : i32
      %dma_start3A_379 = tpu.memref_slice %arg10[%add3A_371, %dma_start3A_378] : memref<256x128xf32, #tpu.memory_space<vmem>> -> memref<1x128xf32, #tpu.memory_space<vmem>>
      %dma_start3A_380 = tpu.memref_squeeze %dma_start3A_379 : memref<1x128xf32, #tpu.memory_space<vmem>> -> memref<128xf32, #tpu.memory_space<vmem>>
      %dma_start3A_381 = arith.constant 0 : i32
      %dma_start3A_382 = tpu.memref_slice %arg4[%squeeze3A_369, %dma_start3A_381] : memref<251904x128xf32, #tpu.memory_space<hbm>> -> memref<1x128xf32, #tpu.memory_space<hbm>>
      %dma_start3A_383 = tpu.memref_squeeze %dma_start3A_382 : memref<1x128xf32, #tpu.memory_space<hbm>> -> memref<128xf32, #tpu.memory_space<hbm>>
      tpu.enqueue_dma source(%dma_start3A_383 : memref<128xf32, #tpu.memory_space<hbm>>) target(%dma_start3A_380 : memref<128xf32, #tpu.memory_space<vmem>>) target_semaphore(%arg12 : memref<!tpu.dma_semaphore, #tpu.memory_space<semaphore_mem>>)
      %slice3A_384 = vector.extract_strided_slice %get3A_50 {offsets = [10], sizes = [1], strides = [1]} : vector<16xi32> to vector<1xi32>
      %squeeze3A_385 = vector.extract %slice3A_384[0] : i32 from vector<1xi32>
      %add3A_386 = arith.constant 10 : i32
      %add3A_387 = arith.addi %mul3A_45, %add3A_386 : i32
      %dma_start3A_388 = arith.constant 0 : i32
      %dma_start3A_389 = tpu.memref_slice %arg11[%add3A_387, %dma_start3A_388] : memref<256x128xf32, #tpu.memory_space<vmem>> -> memref<1x128xf32, #tpu.memory_space<vmem>>
      %dma_start3A_390 = tpu.memref_squeeze %dma_start3A_389 : memref<1x128xf32, #tpu.memory_space<vmem>> -> memref<128xf32, #tpu.memory_space<vmem>>
      %dma_start3A_391 = arith.constant 0 : i32
      %dma_start3A_392 = tpu.memref_slice %arg5[%squeeze3A_385, %dma_start3A_391] : memref<251904x128xf32, #tpu.memory_space<hbm>> -> memref<1x128xf32, #tpu.memory_space<hbm>>
      %dma_start3A_393 = tpu.memref_squeeze %dma_start3A_392 : memref<1x128xf32, #tpu.memory_space<hbm>> -> memref<128xf32, #tpu.memory_space<hbm>>
      %dma_start3A_394 = arith.constant 0 : i32
      %dma_start3A_395 = tpu.memref_slice %arg11[%add3A_387, %dma_start3A_394] : memref<256x128xf32, #tpu.memory_space<vmem>> -> memref<1x128xf32, #tpu.memory_space<vmem>>
      %dma_start3A_396 = tpu.memref_squeeze %dma_start3A_395 : memref<1x128xf32, #tpu.memory_space<vmem>> -> memref<128xf32, #tpu.memory_space<vmem>>
      %dma_start3A_397 = arith.constant 0 : i32
      %dma_start3A_398 = tpu.memref_slice %arg5[%squeeze3A_385, %dma_start3A_397] : memref<251904x128xf32, #tpu.memory_space<hbm>> -> memref<1x128xf32, #tpu.memory_space<hbm>>
      %dma_start3A_399 = tpu.memref_squeeze %dma_start3A_398 : memref<1x128xf32, #tpu.memory_space<hbm>> -> memref<128xf32, #tpu.memory_space<hbm>>
      tpu.enqueue_dma source(%dma_start3A_399 : memref<128xf32, #tpu.memory_space<hbm>>) target(%dma_start3A_396 : memref<128xf32, #tpu.memory_space<vmem>>) target_semaphore(%arg12 : memref<!tpu.dma_semaphore, #tpu.memory_space<semaphore_mem>>)
      %slice3A_400 = vector.extract_strided_slice %get3A_47 {offsets = [11], sizes = [1], strides = [1]} : vector<16xi32> to vector<1xi32>
      %squeeze3A_401 = vector.extract %slice3A_400[0] : i32 from vector<1xi32>
      %add3A_402 = arith.constant 11 : i32
      %add3A_403 = arith.addi %mul3A_45, %add3A_402 : i32
      %dma_start3A_404 = arith.constant 0 : i32
      %dma_start3A_405 = tpu.memref_slice %arg10[%add3A_403, %dma_start3A_404] : memref<256x128xf32, #tpu.memory_space<vmem>> -> memref<1x128xf32, #tpu.memory_space<vmem>>
      %dma_start3A_406 = tpu.memref_squeeze %dma_start3A_405 : memref<1x128xf32, #tpu.memory_space<vmem>> -> memref<128xf32, #tpu.memory_space<vmem>>
      %dma_start3A_407 = arith.constant 0 : i32
      %dma_start3A_408 = tpu.memref_slice %arg4[%squeeze3A_401, %dma_start3A_407] : memref<251904x128xf32, #tpu.memory_space<hbm>> -> memref<1x128xf32, #tpu.memory_space<hbm>>
      %dma_start3A_409 = tpu.memref_squeeze %dma_start3A_408 : memref<1x128xf32, #tpu.memory_space<hbm>> -> memref<128xf32, #tpu.memory_space<hbm>>
      %dma_start3A_410 = arith.constant 0 : i32
      %dma_start3A_411 = tpu.memref_slice %arg10[%add3A_403, %dma_start3A_410] : memref<256x128xf32, #tpu.memory_space<vmem>> -> memref<1x128xf32, #tpu.memory_space<vmem>>
      %dma_start3A_412 = tpu.memref_squeeze %dma_start3A_411 : memref<1x128xf32, #tpu.memory_space<vmem>> -> memref<128xf32, #tpu.memory_space<vmem>>
      %dma_start3A_413 = arith.constant 0 : i32
      %dma_start3A_414 = tpu.memref_slice %arg4[%squeeze3A_401, %dma_start3A_413] : memref<251904x128xf32, #tpu.memory_space<hbm>> -> memref<1x128xf32, #tpu.memory_space<hbm>>
      %dma_start3A_415 = tpu.memref_squeeze %dma_start3A_414 : memref<1x128xf32, #tpu.memory_space<hbm>> -> memref<128xf32, #tpu.memory_space<hbm>>
      tpu.enqueue_dma source(%dma_start3A_415 : memref<128xf32, #tpu.memory_space<hbm>>) target(%dma_start3A_412 : memref<128xf32, #tpu.memory_space<vmem>>) target_semaphore(%arg12 : memref<!tpu.dma_semaphore, #tpu.memory_space<semaphore_mem>>)
      %slice3A_416 = vector.extract_strided_slice %get3A_50 {offsets = [11], sizes = [1], strides = [1]} : vector<16xi32> to vector<1xi32>
      %squeeze3A_417 = vector.extract %slice3A_416[0] : i32 from vector<1xi32>
      %add3A_418 = arith.constant 11 : i32
      %add3A_419 = arith.addi %mul3A_45, %add3A_418 : i32
      %dma_start3A_420 = arith.constant 0 : i32
      %dma_start3A_421 = tpu.memref_slice %arg11[%add3A_419, %dma_start3A_420] : memref<256x128xf32, #tpu.memory_space<vmem>> -> memref<1x128xf32, #tpu.memory_space<vmem>>
      %dma_start3A_422 = tpu.memref_squeeze %dma_start3A_421 : memref<1x128xf32, #tpu.memory_space<vmem>> -> memref<128xf32, #tpu.memory_space<vmem>>
      %dma_start3A_423 = arith.constant 0 : i32
      %dma_start3A_424 = tpu.memref_slice %arg5[%squeeze3A_417, %dma_start3A_423] : memref<251904x128xf32, #tpu.memory_space<hbm>> -> memref<1x128xf32, #tpu.memory_space<hbm>>
      %dma_start3A_425 = tpu.memref_squeeze %dma_start3A_424 : memref<1x128xf32, #tpu.memory_space<hbm>> -> memref<128xf32, #tpu.memory_space<hbm>>
      %dma_start3A_426 = arith.constant 0 : i32
      %dma_start3A_427 = tpu.memref_slice %arg11[%add3A_419, %dma_start3A_426] : memref<256x128xf32, #tpu.memory_space<vmem>> -> memref<1x128xf32, #tpu.memory_space<vmem>>
      %dma_start3A_428 = tpu.memref_squeeze %dma_start3A_427 : memref<1x128xf32, #tpu.memory_space<vmem>> -> memref<128xf32, #tpu.memory_space<vmem>>
      %dma_start3A_429 = arith.constant 0 : i32
      %dma_start3A_430 = tpu.memref_slice %arg5[%squeeze3A_417, %dma_start3A_429] : memref<251904x128xf32, #tpu.memory_space<hbm>> -> memref<1x128xf32, #tpu.memory_space<hbm>>
      %dma_start3A_431 = tpu.memref_squeeze %dma_start3A_430 : memref<1x128xf32, #tpu.memory_space<hbm>> -> memref<128xf32, #tpu.memory_space<hbm>>
      tpu.enqueue_dma source(%dma_start3A_431 : memref<128xf32, #tpu.memory_space<hbm>>) target(%dma_start3A_428 : memref<128xf32, #tpu.memory_space<vmem>>) target_semaphore(%arg12 : memref<!tpu.dma_semaphore, #tpu.memory_space<semaphore_mem>>)
      %slice3A_432 = vector.extract_strided_slice %get3A_47 {offsets = [12], sizes = [1], strides = [1]} : vector<16xi32> to vector<1xi32>
      %squeeze3A_433 = vector.extract %slice3A_432[0] : i32 from vector<1xi32>
      %add3A_434 = arith.constant 12 : i32
      %add3A_435 = arith.addi %mul3A_45, %add3A_434 : i32
      %dma_start3A_436 = arith.constant 0 : i32
      %dma_start3A_437 = tpu.memref_slice %arg10[%add3A_435, %dma_start3A_436] : memref<256x128xf32, #tpu.memory_space<vmem>> -> memref<1x128xf32, #tpu.memory_space<vmem>>
      %dma_start3A_438 = tpu.memref_squeeze %dma_start3A_437 : memref<1x128xf32, #tpu.memory_space<vmem>> -> memref<128xf32, #tpu.memory_space<vmem>>
      %dma_start3A_439 = arith.constant 0 : i32
      %dma_start3A_440 = tpu.memref_slice %arg4[%squeeze3A_433, %dma_start3A_439] : memref<251904x128xf32, #tpu.memory_space<hbm>> -> memref<1x128xf32, #tpu.memory_space<hbm>>
      %dma_start3A_441 = tpu.memref_squeeze %dma_start3A_440 : memref<1x128xf32, #tpu.memory_space<hbm>> -> memref<128xf32, #tpu.memory_space<hbm>>
      %dma_start3A_442 = arith.constant 0 : i32
      %dma_start3A_443 = tpu.memref_slice %arg10[%add3A_435, %dma_start3A_442] : memref<256x128xf32, #tpu.memory_space<vmem>> -> memref<1x128xf32, #tpu.memory_space<vmem>>
      %dma_start3A_444 = tpu.memref_squeeze %dma_start3A_443 : memref<1x128xf32, #tpu.memory_space<vmem>> -> memref<128xf32, #tpu.memory_space<vmem>>
      %dma_start3A_445 = arith.constant 0 : i32
      %dma_start3A_446 = tpu.memref_slice %arg4[%squeeze3A_433, %dma_start3A_445] : memref<251904x128xf32, #tpu.memory_space<hbm>> -> memref<1x128xf32, #tpu.memory_space<hbm>>
      %dma_start3A_447 = tpu.memref_squeeze %dma_start3A_446 : memref<1x128xf32, #tpu.memory_space<hbm>> -> memref<128xf32, #tpu.memory_space<hbm>>
      tpu.enqueue_dma source(%dma_start3A_447 : memref<128xf32, #tpu.memory_space<hbm>>) target(%dma_start3A_444 : memref<128xf32, #tpu.memory_space<vmem>>) target_semaphore(%arg12 : memref<!tpu.dma_semaphore, #tpu.memory_space<semaphore_mem>>)
      %slice3A_448 = vector.extract_strided_slice %get3A_50 {offsets = [12], sizes = [1], strides = [1]} : vector<16xi32> to vector<1xi32>
      %squeeze3A_449 = vector.extract %slice3A_448[0] : i32 from vector<1xi32>
      %add3A_450 = arith.constant 12 : i32
      %add3A_451 = arith.addi %mul3A_45, %add3A_450 : i32
      %dma_start3A_452 = arith.constant 0 : i32
      %dma_start3A_453 = tpu.memref_slice %arg11[%add3A_451, %dma_start3A_452] : memref<256x128xf32, #tpu.memory_space<vmem>> -> memref<1x128xf32, #tpu.memory_space<vmem>>
      %dma_start3A_454 = tpu.memref_squeeze %dma_start3A_453 : memref<1x128xf32, #tpu.memory_space<vmem>> -> memref<128xf32, #tpu.memory_space<vmem>>
      %dma_start3A_455 = arith.constant 0 : i32
      %dma_start3A_456 = tpu.memref_slice %arg5[%squeeze3A_449, %dma_start3A_455] : memref<251904x128xf32, #tpu.memory_space<hbm>> -> memref<1x128xf32, #tpu.memory_space<hbm>>
      %dma_start3A_457 = tpu.memref_squeeze %dma_start3A_456 : memref<1x128xf32, #tpu.memory_space<hbm>> -> memref<128xf32, #tpu.memory_space<hbm>>
      %dma_start3A_458 = arith.constant 0 : i32
      %dma_start3A_459 = tpu.memref_slice %arg11[%add3A_451, %dma_start3A_458] : memref<256x128xf32, #tpu.memory_space<vmem>> -> memref<1x128xf32, #tpu.memory_space<vmem>>
      %dma_start3A_460 = tpu.memref_squeeze %dma_start3A_459 : memref<1x128xf32, #tpu.memory_space<vmem>> -> memref<128xf32, #tpu.memory_space<vmem>>
      %dma_start3A_461 = arith.constant 0 : i32
      %dma_start3A_462 = tpu.memref_slice %arg5[%squeeze3A_449, %dma_start3A_461] : memref<251904x128xf32, #tpu.memory_space<hbm>> -> memref<1x128xf32, #tpu.memory_space<hbm>>
      %dma_start3A_463 = tpu.memref_squeeze %dma_start3A_462 : memref<1x128xf32, #tpu.memory_space<hbm>> -> memref<128xf32, #tpu.memory_space<hbm>>
      tpu.enqueue_dma source(%dma_start3A_463 : memref<128xf32, #tpu.memory_space<hbm>>) target(%dma_start3A_460 : memref<128xf32, #tpu.memory_space<vmem>>) target_semaphore(%arg12 : memref<!tpu.dma_semaphore, #tpu.memory_space<semaphore_mem>>)
      %slice3A_464 = vector.extract_strided_slice %get3A_47 {offsets = [13], sizes = [1], strides = [1]} : vector<16xi32> to vector<1xi32>
      %squeeze3A_465 = vector.extract %slice3A_464[0] : i32 from vector<1xi32>
      %add3A_466 = arith.constant 13 : i32
      %add3A_467 = arith.addi %mul3A_45, %add3A_466 : i32
      %dma_start3A_468 = arith.constant 0 : i32
      %dma_start3A_469 = tpu.memref_slice %arg10[%add3A_467, %dma_start3A_468] : memref<256x128xf32, #tpu.memory_space<vmem>> -> memref<1x128xf32, #tpu.memory_space<vmem>>
      %dma_start3A_470 = tpu.memref_squeeze %dma_start3A_469 : memref<1x128xf32, #tpu.memory_space<vmem>> -> memref<128xf32, #tpu.memory_space<vmem>>
      %dma_start3A_471 = arith.constant 0 : i32
      %dma_start3A_472 = tpu.memref_slice %arg4[%squeeze3A_465, %dma_start3A_471] : memref<251904x128xf32, #tpu.memory_space<hbm>> -> memref<1x128xf32, #tpu.memory_space<hbm>>
      %dma_start3A_473 = tpu.memref_squeeze %dma_start3A_472 : memref<1x128xf32, #tpu.memory_space<hbm>> -> memref<128xf32, #tpu.memory_space<hbm>>
      %dma_start3A_474 = arith.constant 0 : i32
      %dma_start3A_475 = tpu.memref_slice %arg10[%add3A_467, %dma_start3A_474] : memref<256x128xf32, #tpu.memory_space<vmem>> -> memref<1x128xf32, #tpu.memory_space<vmem>>
      %dma_start3A_476 = tpu.memref_squeeze %dma_start3A_475 : memref<1x128xf32, #tpu.memory_space<vmem>> -> memref<128xf32, #tpu.memory_space<vmem>>
      %dma_start3A_477 = arith.constant 0 : i32
      %dma_start3A_478 = tpu.memref_slice %arg4[%squeeze3A_465, %dma_start3A_477] : memref<251904x128xf32, #tpu.memory_space<hbm>> -> memref<1x128xf32, #tpu.memory_space<hbm>>
      %dma_start3A_479 = tpu.memref_squeeze %dma_start3A_478 : memref<1x128xf32, #tpu.memory_space<hbm>> -> memref<128xf32, #tpu.memory_space<hbm>>
      tpu.enqueue_dma source(%dma_start3A_479 : memref<128xf32, #tpu.memory_space<hbm>>) target(%dma_start3A_476 : memref<128xf32, #tpu.memory_space<vmem>>) target_semaphore(%arg12 : memref<!tpu.dma_semaphore, #tpu.memory_space<semaphore_mem>>)
      %slice3A_480 = vector.extract_strided_slice %get3A_50 {offsets = [13], sizes = [1], strides = [1]} : vector<16xi32> to vector<1xi32>
      %squeeze3A_481 = vector.extract %slice3A_480[0] : i32 from vector<1xi32>
      %add3A_482 = arith.constant 13 : i32
      %add3A_483 = arith.addi %mul3A_45, %add3A_482 : i32
      %dma_start3A_484 = arith.constant 0 : i32
      %dma_start3A_485 = tpu.memref_slice %arg11[%add3A_483, %dma_start3A_484] : memref<256x128xf32, #tpu.memory_space<vmem>> -> memref<1x128xf32, #tpu.memory_space<vmem>>
      %dma_start3A_486 = tpu.memref_squeeze %dma_start3A_485 : memref<1x128xf32, #tpu.memory_space<vmem>> -> memref<128xf32, #tpu.memory_space<vmem>>
      %dma_start3A_487 = arith.constant 0 : i32
      %dma_start3A_488 = tpu.memref_slice %arg5[%squeeze3A_481, %dma_start3A_487] : memref<251904x128xf32, #tpu.memory_space<hbm>> -> memref<1x128xf32, #tpu.memory_space<hbm>>
      %dma_start3A_489 = tpu.memref_squeeze %dma_start3A_488 : memref<1x128xf32, #tpu.memory_space<hbm>> -> memref<128xf32, #tpu.memory_space<hbm>>
      %dma_start3A_490 = arith.constant 0 : i32
      %dma_start3A_491 = tpu.memref_slice %arg11[%add3A_483, %dma_start3A_490] : memref<256x128xf32, #tpu.memory_space<vmem>> -> memref<1x128xf32, #tpu.memory_space<vmem>>
      %dma_start3A_492 = tpu.memref_squeeze %dma_start3A_491 : memref<1x128xf32, #tpu.memory_space<vmem>> -> memref<128xf32, #tpu.memory_space<vmem>>
      %dma_start3A_493 = arith.constant 0 : i32
      %dma_start3A_494 = tpu.memref_slice %arg5[%squeeze3A_481, %dma_start3A_493] : memref<251904x128xf32, #tpu.memory_space<hbm>> -> memref<1x128xf32, #tpu.memory_space<hbm>>
      %dma_start3A_495 = tpu.memref_squeeze %dma_start3A_494 : memref<1x128xf32, #tpu.memory_space<hbm>> -> memref<128xf32, #tpu.memory_space<hbm>>
      tpu.enqueue_dma source(%dma_start3A_495 : memref<128xf32, #tpu.memory_space<hbm>>) target(%dma_start3A_492 : memref<128xf32, #tpu.memory_space<vmem>>) target_semaphore(%arg12 : memref<!tpu.dma_semaphore, #tpu.memory_space<semaphore_mem>>)
      %slice3A_496 = vector.extract_strided_slice %get3A_47 {offsets = [14], sizes = [1], strides = [1]} : vector<16xi32> to vector<1xi32>
      %squeeze3A_497 = vector.extract %slice3A_496[0] : i32 from vector<1xi32>
      %add3A_498 = arith.constant 14 : i32
      %add3A_499 = arith.addi %mul3A_45, %add3A_498 : i32
      %dma_start3A_500 = arith.constant 0 : i32
      %dma_start3A_501 = tpu.memref_slice %arg10[%add3A_499, %dma_start3A_500] : memref<256x128xf32, #tpu.memory_space<vmem>> -> memref<1x128xf32, #tpu.memory_space<vmem>>
      %dma_start3A_502 = tpu.memref_squeeze %dma_start3A_501 : memref<1x128xf32, #tpu.memory_space<vmem>> -> memref<128xf32, #tpu.memory_space<vmem>>
      %dma_start3A_503 = arith.constant 0 : i32
      %dma_start3A_504 = tpu.memref_slice %arg4[%squeeze3A_497, %dma_start3A_503] : memref<251904x128xf32, #tpu.memory_space<hbm>> -> memref<1x128xf32, #tpu.memory_space<hbm>>
      %dma_start3A_505 = tpu.memref_squeeze %dma_start3A_504 : memref<1x128xf32, #tpu.memory_space<hbm>> -> memref<128xf32, #tpu.memory_space<hbm>>
      %dma_start3A_506 = arith.constant 0 : i32
      %dma_start3A_507 = tpu.memref_slice %arg10[%add3A_499, %dma_start3A_506] : memref<256x128xf32, #tpu.memory_space<vmem>> -> memref<1x128xf32, #tpu.memory_space<vmem>>
      %dma_start3A_508 = tpu.memref_squeeze %dma_start3A_507 : memref<1x128xf32, #tpu.memory_space<vmem>> -> memref<128xf32, #tpu.memory_space<vmem>>
      %dma_start3A_509 = arith.constant 0 : i32
      %dma_start3A_510 = tpu.memref_slice %arg4[%squeeze3A_497, %dma_start3A_509] : memref<251904x128xf32, #tpu.memory_space<hbm>> -> memref<1x128xf32, #tpu.memory_space<hbm>>
      %dma_start3A_511 = tpu.memref_squeeze %dma_start3A_510 : memref<1x128xf32, #tpu.memory_space<hbm>> -> memref<128xf32, #tpu.memory_space<hbm>>
      tpu.enqueue_dma source(%dma_start3A_511 : memref<128xf32, #tpu.memory_space<hbm>>) target(%dma_start3A_508 : memref<128xf32, #tpu.memory_space<vmem>>) target_semaphore(%arg12 : memref<!tpu.dma_semaphore, #tpu.memory_space<semaphore_mem>>)
      %slice3A_512 = vector.extract_strided_slice %get3A_50 {offsets = [14], sizes = [1], strides = [1]} : vector<16xi32> to vector<1xi32>
      %squeeze3A_513 = vector.extract %slice3A_512[0] : i32 from vector<1xi32>
      %add3A_514 = arith.constant 14 : i32
      %add3A_515 = arith.addi %mul3A_45, %add3A_514 : i32
      %dma_start3A_516 = arith.constant 0 : i32
      %dma_start3A_517 = tpu.memref_slice %arg11[%add3A_515, %dma_start3A_516] : memref<256x128xf32, #tpu.memory_space<vmem>> -> memref<1x128xf32, #tpu.memory_space<vmem>>
      %dma_start3A_518 = tpu.memref_squeeze %dma_start3A_517 : memref<1x128xf32, #tpu.memory_space<vmem>> -> memref<128xf32, #tpu.memory_space<vmem>>
      %dma_start3A_519 = arith.constant 0 : i32
      %dma_start3A_520 = tpu.memref_slice %arg5[%squeeze3A_513, %dma_start3A_519] : memref<251904x128xf32, #tpu.memory_space<hbm>> -> memref<1x128xf32, #tpu.memory_space<hbm>>
      %dma_start3A_521 = tpu.memref_squeeze %dma_start3A_520 : memref<1x128xf32, #tpu.memory_space<hbm>> -> memref<128xf32, #tpu.memory_space<hbm>>
      %dma_start3A_522 = arith.constant 0 : i32
      %dma_start3A_523 = tpu.memref_slice %arg11[%add3A_515, %dma_start3A_522] : memref<256x128xf32, #tpu.memory_space<vmem>> -> memref<1x128xf32, #tpu.memory_space<vmem>>
      %dma_start3A_524 = tpu.memref_squeeze %dma_start3A_523 : memref<1x128xf32, #tpu.memory_space<vmem>> -> memref<128xf32, #tpu.memory_space<vmem>>
      %dma_start3A_525 = arith.constant 0 : i32
      %dma_start3A_526 = tpu.memref_slice %arg5[%squeeze3A_513, %dma_start3A_525] : memref<251904x128xf32, #tpu.memory_space<hbm>> -> memref<1x128xf32, #tpu.memory_space<hbm>>
      %dma_start3A_527 = tpu.memref_squeeze %dma_start3A_526 : memref<1x128xf32, #tpu.memory_space<hbm>> -> memref<128xf32, #tpu.memory_space<hbm>>
      tpu.enqueue_dma source(%dma_start3A_527 : memref<128xf32, #tpu.memory_space<hbm>>) target(%dma_start3A_524 : memref<128xf32, #tpu.memory_space<vmem>>) target_semaphore(%arg12 : memref<!tpu.dma_semaphore, #tpu.memory_space<semaphore_mem>>)
      %slice3A_528 = vector.extract_strided_slice %get3A_47 {offsets = [15], sizes = [1], strides = [1]} : vector<16xi32> to vector<1xi32>
      %squeeze3A_529 = vector.extract %slice3A_528[0] : i32 from vector<1xi32>
      %add3A_530 = arith.constant 15 : i32
      %add3A_531 = arith.addi %mul3A_45, %add3A_530 : i32
      %dma_start3A_532 = arith.constant 0 : i32
      %dma_start3A_533 = tpu.memref_slice %arg10[%add3A_531, %dma_start3A_532] : memref<256x128xf32, #tpu.memory_space<vmem>> -> memref<1x128xf32, #tpu.memory_space<vmem>>
      %dma_start3A_534 = tpu.memref_squeeze %dma_start3A_533 : memref<1x128xf32, #tpu.memory_space<vmem>> -> memref<128xf32, #tpu.memory_space<vmem>>
      %dma_start3A_535 = arith.constant 0 : i32
      %dma_start3A_536 = tpu.memref_slice %arg4[%squeeze3A_529, %dma_start3A_535] : memref<251904x128xf32, #tpu.memory_space<hbm>> -> memref<1x128xf32, #tpu.memory_space<hbm>>
      %dma_start3A_537 = tpu.memref_squeeze %dma_start3A_536 : memref<1x128xf32, #tpu.memory_space<hbm>> -> memref<128xf32, #tpu.memory_space<hbm>>
      %dma_start3A_538 = arith.constant 0 : i32
      %dma_start3A_539 = tpu.memref_slice %arg10[%add3A_531, %dma_start3A_538] : memref<256x128xf32, #tpu.memory_space<vmem>> -> memref<1x128xf32, #tpu.memory_space<vmem>>
      %dma_start3A_540 = tpu.memref_squeeze %dma_start3A_539 : memref<1x128xf32, #tpu.memory_space<vmem>> -> memref<128xf32, #tpu.memory_space<vmem>>
      %dma_start3A_541 = arith.constant 0 : i32
      %dma_start3A_542 = tpu.memref_slice %arg4[%squeeze3A_529, %dma_start3A_541] : memref<251904x128xf32, #tpu.memory_space<hbm>> -> memref<1x128xf32, #tpu.memory_space<hbm>>
      %dma_start3A_543 = tpu.memref_squeeze %dma_start3A_542 : memref<1x128xf32, #tpu.memory_space<hbm>> -> memref<128xf32, #tpu.memory_space<hbm>>
      tpu.enqueue_dma source(%dma_start3A_543 : memref<128xf32, #tpu.memory_space<hbm>>) target(%dma_start3A_540 : memref<128xf32, #tpu.memory_space<vmem>>) target_semaphore(%arg12 : memref<!tpu.dma_semaphore, #tpu.memory_space<semaphore_mem>>)
      %slice3A_544 = vector.extract_strided_slice %get3A_50 {offsets = [15], sizes = [1], strides = [1]} : vector<16xi32> to vector<1xi32>
      %squeeze3A_545 = vector.extract %slice3A_544[0] : i32 from vector<1xi32>
      %add3A_546 = arith.constant 15 : i32
      %add3A_547 = arith.addi %mul3A_45, %add3A_546 : i32
      %dma_start3A_548 = arith.constant 0 : i32
      %dma_start3A_549 = tpu.memref_slice %arg11[%add3A_547, %dma_start3A_548] : memref<256x128xf32, #tpu.memory_space<vmem>> -> memref<1x128xf32, #tpu.memory_space<vmem>>
      %dma_start3A_550 = tpu.memref_squeeze %dma_start3A_549 : memref<1x128xf32, #tpu.memory_space<vmem>> -> memref<128xf32, #tpu.memory_space<vmem>>
      %dma_start3A_551 = arith.constant 0 : i32
      %dma_start3A_552 = tpu.memref_slice %arg5[%squeeze3A_545, %dma_start3A_551] : memref<251904x128xf32, #tpu.memory_space<hbm>> -> memref<1x128xf32, #tpu.memory_space<hbm>>
      %dma_start3A_553 = tpu.memref_squeeze %dma_start3A_552 : memref<1x128xf32, #tpu.memory_space<hbm>> -> memref<128xf32, #tpu.memory_space<hbm>>
      %dma_start3A_554 = arith.constant 0 : i32
      %dma_start3A_555 = tpu.memref_slice %arg11[%add3A_547, %dma_start3A_554] : memref<256x128xf32, #tpu.memory_space<vmem>> -> memref<1x128xf32, #tpu.memory_space<vmem>>
      %dma_start3A_556 = tpu.memref_squeeze %dma_start3A_555 : memref<1x128xf32, #tpu.memory_space<vmem>> -> memref<128xf32, #tpu.memory_space<vmem>>
      %dma_start3A_557 = arith.constant 0 : i32
      %dma_start3A_558 = tpu.memref_slice %arg5[%squeeze3A_545, %dma_start3A_557] : memref<251904x128xf32, #tpu.memory_space<hbm>> -> memref<1x128xf32, #tpu.memory_space<hbm>>
      %dma_start3A_559 = tpu.memref_squeeze %dma_start3A_558 : memref<1x128xf32, #tpu.memory_space<hbm>> -> memref<128xf32, #tpu.memory_space<hbm>>
      tpu.enqueue_dma source(%dma_start3A_559 : memref<128xf32, #tpu.memory_space<hbm>>) target(%dma_start3A_556 : memref<128xf32, #tpu.memory_space<vmem>>) target_semaphore(%arg12 : memref<!tpu.dma_semaphore, #tpu.memory_space<semaphore_mem>>)
    }
    %scan3A_30 = arith.constant 16 : i32
    %dma_wait3A_31 = arith.constant 0 : i32
    %dma_wait3A_32 = arith.constant 0 : i32
    %dma_wait3A_33 = tpu.memref_slice %arg4[%dma_wait3A_31, %dma_wait3A_32] : memref<251904x128xf32, #tpu.memory_space<hbm>> -> memref<256x128xf32, #tpu.memory_space<hbm>>
    %dma_wait3A_34 = arith.constant 0 : i32
    %dma_wait3A_35 = arith.constant 0 : i32
    %dma_wait3A_36 = tpu.memref_slice %arg4[%dma_wait3A_34, %dma_wait3A_35] : memref<251904x128xf32, #tpu.memory_space<hbm>> -> memref<256x128xf32, #tpu.memory_space<hbm>>
    tpu.wait_dma2 semaphore(%arg12 : memref<!tpu.dma_semaphore, #tpu.memory_space<semaphore_mem>>) src(%dma_wait3A_36 : memref<256x128xf32, #tpu.memory_space<hbm>>) dst(%arg10 : memref<256x128xf32, #tpu.memory_space<vmem>>)
    %dma_wait3A_37 = arith.constant 0 : i32
    %dma_wait3A_38 = arith.constant 0 : i32
    %dma_wait3A_39 = tpu.memref_slice %arg5[%dma_wait3A_37, %dma_wait3A_38] : memref<251904x128xf32, #tpu.memory_space<hbm>> -> memref<256x128xf32, #tpu.memory_space<hbm>>
    %dma_wait3A_40 = arith.constant 0 : i32
    %dma_wait3A_41 = arith.constant 0 : i32
    %dma_wait3A_42 = tpu.memref_slice %arg5[%dma_wait3A_40, %dma_wait3A_41] : memref<251904x128xf32, #tpu.memory_space<hbm>> -> memref<256x128xf32, #tpu.memory_space<hbm>>
    tpu.wait_dma2 semaphore(%arg12 : memref<!tpu.dma_semaphore, #tpu.memory_space<semaphore_mem>>) src(%dma_wait3A_42 : memref<256x128xf32, #tpu.memory_space<hbm>>) dst(%arg11 : memref<256x128xf32, #tpu.memory_space<vmem>>)
    "tpu.region"() ({
      %run_scoped3A = tpu.sem_alloc : memref<!tpu.dma_semaphore, #tpu.memory_space<semaphore_mem>>
      %dma_start3A = arith.constant 0 : i32
      %dma_start3A_43 = tpu.memref_slice %arg6[%add3A_24, %dma_start3A] : memref<16384x128xf32, #tpu.memory_space<hbm>> -> memref<256x128xf32, #tpu.memory_space<hbm>>
      %dma_start3A_44 = arith.constant 0 : i32
      %dma_start3A_45 = tpu.memref_slice %arg6[%add3A_24, %dma_start3A_44] : memref<16384x128xf32, #tpu.memory_space<hbm>> -> memref<256x128xf32, #tpu.memory_space<hbm>>
      tpu.enqueue_dma source(%arg10 : memref<256x128xf32, #tpu.memory_space<vmem>>) target(%dma_start3A_45 : memref<256x128xf32, #tpu.memory_space<hbm>>) target_semaphore(%run_scoped3A : memref<!tpu.dma_semaphore, #tpu.memory_space<semaphore_mem>>)
      %dma_wait3A_46 = arith.constant 0 : i32
      %dma_wait3A_47 = tpu.memref_slice %arg6[%add3A_24, %dma_wait3A_46] : memref<16384x128xf32, #tpu.memory_space<hbm>> -> memref<256x128xf32, #tpu.memory_space<hbm>>
      %dma_wait3A_48 = arith.constant 0 : i32
      %dma_wait3A_49 = tpu.memref_slice %arg6[%add3A_24, %dma_wait3A_48] : memref<16384x128xf32, #tpu.memory_space<hbm>> -> memref<256x128xf32, #tpu.memory_space<hbm>>
      tpu.wait_dma2 semaphore(%run_scoped3A : memref<!tpu.dma_semaphore, #tpu.memory_space<semaphore_mem>>) src(%arg10 : memref<256x128xf32, #tpu.memory_space<vmem>>) dst(%dma_wait3A_49 : memref<256x128xf32, #tpu.memory_space<hbm>>)
      tpu.yield
    }) : () -> ()
    "tpu.region"() ({
      %run_scoped3A = tpu.sem_alloc : memref<!tpu.dma_semaphore, #tpu.memory_space<semaphore_mem>>
      %dma_start3A = arith.constant 0 : i32
      %dma_start3A_43 = tpu.memref_slice %arg7[%add3A_24, %dma_start3A] : memref<16384x128xf32, #tpu.memory_space<hbm>> -> memref<256x128xf32, #tpu.memory_space<hbm>>
      %dma_start3A_44 = arith.constant 0 : i32
      %dma_start3A_45 = tpu.memref_slice %arg7[%add3A_24, %dma_start3A_44] : memref<16384x128xf32, #tpu.memory_space<hbm>> -> memref<256x128xf32, #tpu.memory_space<hbm>>
      tpu.enqueue_dma source(%arg11 : memref<256x128xf32, #tpu.memory_space<vmem>>) target(%dma_start3A_45 : memref<256x128xf32, #tpu.memory_space<hbm>>) target_semaphore(%run_scoped3A : memref<!tpu.dma_semaphore, #tpu.memory_space<semaphore_mem>>)
      %dma_wait3A_46 = arith.constant 0 : i32
      %dma_wait3A_47 = tpu.memref_slice %arg7[%add3A_24, %dma_wait3A_46] : memref<16384x128xf32, #tpu.memory_space<hbm>> -> memref<256x128xf32, #tpu.memory_space<hbm>>
      %dma_wait3A_48 = arith.constant 0 : i32
      %dma_wait3A_49 = tpu.memref_slice %arg7[%add3A_24, %dma_wait3A_48] : memref<16384x128xf32, #tpu.memory_space<hbm>> -> memref<256x128xf32, #tpu.memory_space<hbm>>
      tpu.wait_dma2 semaphore(%run_scoped3A : memref<!tpu.dma_semaphore, #tpu.memory_space<semaphore_mem>>) src(%arg11 : memref<256x128xf32, #tpu.memory_space<vmem>>) dst(%dma_wait3A_49 : memref<256x128xf32, #tpu.memory_space<hbm>>)
      tpu.yield
    }) : () -> ()
    return
  }
}

module attributes {stable_mosaic.version = 14 : i64} {
  func.func @_mlp_body(%arg0: i32, %arg1: memref<2048x128xf32, #tpu.memory_space<vmem>>, %arg2: memref<2048x128xf32, #tpu.memory_space<vmem>>, %arg3: memref<2048x1xi32, #tpu.memory_space<vmem>>, %arg4: memref<2048x1xi32, #tpu.memory_space<vmem>>, %arg5: memref<64x64xf32, #tpu.memory_space<vmem>>, %arg6: memref<1x64xf32, #tpu.memory_space<vmem>>, %arg7: memref<1x64xf32, #tpu.memory_space<vmem>>, %arg8: memref<1x64xf32, #tpu.memory_space<vmem>>, %arg9: memref<64x64xf32, #tpu.memory_space<vmem>>, %arg10: memref<1x64xf32, #tpu.memory_space<vmem>>, %arg11: memref<1x64xf32, #tpu.memory_space<vmem>>, %arg12: memref<1x64xf32, #tpu.memory_space<vmem>>, %arg13: memref<1x64xf32, #tpu.memory_space<vmem>>, %arg14: memref<1x1xf32, #tpu.memory_space<vmem>>, %arg15: memref<2048x1xf32, #tpu.memory_space<vmem>>) attributes {dimension_semantics = [#tpu.dimension_semantics<arbitrary>], iteration_bounds = array<i64: 8>, scalar_prefetch = 0 : i64, scratch_operands = 0 : i64, tpu.core_type = #tpu.core_type<tc>, window_params = [{transform_indices = @transform_0, window_bounds = array<i64: 2048, 128>}, {transform_indices = @transform_1, window_bounds = array<i64: 2048, 128>}, {transform_indices = @transform_2, window_bounds = array<i64: 2048, 1>}, {transform_indices = @transform_3, window_bounds = array<i64: 2048, 1>}, {pipeline_mode = #tpu.pipeline_mode<synchronous>, transform_indices = @transform_4, window_bounds = array<i64: 64, 64>}, {pipeline_mode = #tpu.pipeline_mode<synchronous>, transform_indices = @transform_5, window_bounds = array<i64: 1, 64>}, {pipeline_mode = #tpu.pipeline_mode<synchronous>, transform_indices = @transform_6, window_bounds = array<i64: 1, 64>}, {pipeline_mode = #tpu.pipeline_mode<synchronous>, transform_indices = @transform_7, window_bounds = array<i64: 1, 64>}, {pipeline_mode = #tpu.pipeline_mode<synchronous>, transform_indices = @transform_8, window_bounds = array<i64: 64, 64>}, {pipeline_mode = #tpu.pipeline_mode<synchronous>, transform_indices = @transform_9, window_bounds = array<i64: 1, 64>}, {pipeline_mode = #tpu.pipeline_mode<synchronous>, transform_indices = @transform_10, window_bounds = array<i64: 1, 64>}, {pipeline_mode = #tpu.pipeline_mode<synchronous>, transform_indices = @transform_11, window_bounds = array<i64: 1, 64>}, {pipeline_mode = #tpu.pipeline_mode<synchronous>, transform_indices = @transform_12, window_bounds = array<i64: 1, 64>}, {pipeline_mode = #tpu.pipeline_mode<synchronous>, transform_indices = @transform_13, window_bounds = array<i64: 1, 1>}, {transform_indices = @transform_14, window_bounds = array<i64: 2048, 1>}]} {
    %iota3A = tpu.iota {dimensions = array<i32: 1>} : vector<1x128xi32>
    %jit3A = arith.constant 32 : i32
    %div3A = vector.broadcast %jit3A : i32 to vector<1x128xi32>
    %div3A_0 = arith.divsi %iota3A, %div3A : vector<1x128xi32>
    %sign3A = arith.constant 0 : i32
    %sign3A_1 = vector.broadcast %sign3A : i32 to vector<1x128xi32>
    %sign3A_2 = arith.cmpi sgt, %iota3A, %sign3A_1 : vector<1x128xi32>
    %sign3A_3 = arith.extui %sign3A_2 : vector<1x128xi1> to vector<1x128xi32>
    %sign3A_4 = arith.constant 0 : i32
    %sign3A_5 = vector.broadcast %sign3A_4 : i32 to vector<1x128xi32>
    %sign3A_6 = arith.cmpi slt, %iota3A, %sign3A_5 : vector<1x128xi32>
    %sign3A_7 = arith.extui %sign3A_6 : vector<1x128xi1> to vector<1x128xi32>
    %sign3A_8 = arith.subi %sign3A_3, %sign3A_7 : vector<1x128xi32>
    %sign3A_9 = arith.constant 0 : i32
    %sign3A_10 = arith.cmpi sgt, %jit3A, %sign3A_9 : i32
    %sign3A_11 = arith.extui %sign3A_10 : i1 to i32
    %sign3A_12 = arith.constant 0 : i32
    %sign3A_13 = arith.cmpi slt, %jit3A, %sign3A_12 : i32
    %sign3A_14 = arith.extui %sign3A_13 : i1 to i32
    %sign3A_15 = arith.subi %sign3A_11, %sign3A_14 : i32
    %ne3A = vector.broadcast %sign3A_15 : i32 to vector<1x128xi32>
    %ne3A_16 = arith.cmpi ne, %sign3A_8, %ne3A : vector<1x128xi32>
    %rem3A = vector.broadcast %jit3A : i32 to vector<1x128xi32>
    %rem3A_17 = arith.remsi %iota3A, %rem3A : vector<1x128xi32>
    %ne3A_18 = arith.constant 0 : i32
    %ne3A_19 = vector.broadcast %ne3A_18 : i32 to vector<1x128xi32>
    %ne3A_20 = arith.cmpi ne, %rem3A_17, %ne3A_19 : vector<1x128xi32>
    %and3A = arith.andi %ne3A_16, %ne3A_20 : vector<1x128xi1>
    %sub3A = arith.constant 1 : i32
    %sub3A_21 = vector.broadcast %sub3A : i32 to vector<1x128xi32>
    %sub3A_22 = arith.subi %div3A_0, %sub3A_21 : vector<1x128xi32>
    %select_n3A = arith.select %and3A, %sub3A_22, %div3A_0 : vector<1x128xi1>, vector<1x128xi32>
    %get3A = arith.constant 0 : index
    %get3A_23 = arith.constant 0 : index
    %get3A_24 = vector.load %arg3[%get3A, %get3A_23] : memref<2048x1xi32, #tpu.memory_space<vmem>>, vector<2048x1xi32>
    %eq3A = vector.broadcast %get3A_24 : vector<2048x1xi32> to vector<2048x128xi32>
    %eq3A_25 = vector.broadcast %select_n3A : vector<1x128xi32> to vector<2048x128xi32>
    %eq3A_26 = arith.cmpi eq, %eq3A, %eq3A_25 : vector<2048x128xi32>
    %get3A_27 = arith.constant 0 : index
    %get3A_28 = arith.constant 0 : index
    %get3A_29 = vector.load %arg1[%get3A_27, %get3A_28] : memref<2048x128xf32, #tpu.memory_space<vmem>>, vector<2048x128xf32>
    %jit3A_30 = arith.constant 0.000000e+00 : f32
    %broadcast_in_dim3A = vector.broadcast %jit3A_30 : f32 to vector<2048x128xf32>
    %select_n3A_31 = arith.select %eq3A_26, %get3A_29, %broadcast_in_dim3A : vector<2048x128xi1>, vector<2048x128xf32>
    %get3A_32 = arith.constant 0 : index
    %get3A_33 = arith.constant 0 : index
    %get3A_34 = vector.load %arg4[%get3A_32, %get3A_33] : memref<2048x1xi32, #tpu.memory_space<vmem>>, vector<2048x1xi32>
    %eq3A_35 = vector.broadcast %get3A_34 : vector<2048x1xi32> to vector<2048x128xi32>
    %eq3A_36 = vector.broadcast %select_n3A : vector<1x128xi32> to vector<2048x128xi32>
    %eq3A_37 = arith.cmpi eq, %eq3A_35, %eq3A_36 : vector<2048x128xi32>
    %get3A_38 = arith.constant 0 : index
    %get3A_39 = arith.constant 0 : index
    %get3A_40 = vector.load %arg2[%get3A_38, %get3A_39] : memref<2048x128xf32, #tpu.memory_space<vmem>>, vector<2048x128xf32>
    %jit3A_41 = arith.constant 0.000000e+00 : f32
    %broadcast_in_dim3A_42 = vector.broadcast %jit3A_41 : f32 to vector<2048x128xf32>
    %select_n3A_43 = arith.select %eq3A_37, %get3A_40, %broadcast_in_dim3A_42 : vector<2048x128xi1>, vector<2048x128xf32>
    %get3A_44 = arith.constant 0 : index
    %get3A_45 = arith.constant 0 : index
    %get3A_46 = vector.load %arg5[%get3A_44, %get3A_45] : memref<64x64xf32, #tpu.memory_space<vmem>>, vector<64x64xf32>
    %slice3A = vector.extract_strided_slice %get3A_46 {offsets = [0, 0], sizes = [64, 32], strides = [1, 1]} : vector<64x64xf32> to vector<64x32xf32>
    %concatenate3A = tpu.concatenate %slice3A, %slice3A, %slice3A, %slice3A in 1 : vector<64x32xf32>, vector<64x32xf32>, vector<64x32xf32>, vector<64x32xf32> -> vector<64x128xf32>
    %slice3A_47 = vector.extract_strided_slice %get3A_46 {offsets = [0, 32], sizes = [64, 32], strides = [1, 1]} : vector<64x64xf32> to vector<64x32xf32>
    %concatenate3A_48 = tpu.concatenate %slice3A_47, %slice3A_47, %slice3A_47, %slice3A_47 in 1 : vector<64x32xf32>, vector<64x32xf32>, vector<64x32xf32>, vector<64x32xf32> -> vector<64x128xf32>
    %dot_general3A = arith.constant dense<0.000000e+00> : vector<2048x64xf32>
    %dot_general3A_49 = tpu.matmul %select_n3A_31, %concatenate3A, %dot_general3A {dimension_numbers = #tpu.dot_dimension_numbers<[1], [1], [0], [0], [0, 0, 1, 0], [], []>, transpose_lhs_hint = false} : vector<2048x128xf32>, vector<64x128xf32>, vector<2048x64xf32> -> vector<2048x64xf32>
    %dot_general3A_50 = arith.constant dense<0.000000e+00> : vector<2048x64xf32>
    %dot_general3A_51 = tpu.matmul %select_n3A_43, %concatenate3A_48, %dot_general3A_50 {dimension_numbers = #tpu.dot_dimension_numbers<[1], [1], [0], [0], [0, 0, 1, 0], [], []>, transpose_lhs_hint = false} : vector<2048x128xf32>, vector<64x128xf32>, vector<2048x64xf32> -> vector<2048x64xf32>
    %add3A = arith.addf %dot_general3A_49, %dot_general3A_51 : vector<2048x64xf32>
    %get3A_52 = arith.constant 0 : index
    %get3A_53 = arith.constant 0 : index
    %get3A_54 = vector.load %arg6[%get3A_52, %get3A_53] : memref<1x64xf32, #tpu.memory_space<vmem>>, vector<1x64xf32>
    %add3A_55 = vector.broadcast %get3A_54 : vector<1x64xf32> to vector<2048x64xf32>
    %add3A_56 = arith.addf %add3A, %add3A_55 : vector<2048x64xf32>
    %max3A = arith.constant 0.000000e+00 : f32
    %max3A_57 = vector.broadcast %max3A : f32 to vector<2048x64xf32>
    %max3A_58 = arith.maximumf %add3A_56, %max3A_57 : vector<2048x64xf32>
    %get3A_59 = arith.constant 0 : index
    %get3A_60 = arith.constant 0 : index
    %get3A_61 = vector.load %arg7[%get3A_59, %get3A_60] : memref<1x64xf32, #tpu.memory_space<vmem>>, vector<1x64xf32>
    %mul3A = arith.constant 0.999994993 : f32
    %mul3A_62 = vector.broadcast %mul3A : f32 to vector<1x64xf32>
    %mul3A_63 = arith.mulf %get3A_61, %mul3A_62 : vector<1x64xf32>
    %get3A_64 = arith.constant 0 : index
    %get3A_65 = arith.constant 0 : index
    %get3A_66 = vector.load %arg9[%get3A_64, %get3A_65] : memref<64x64xf32, #tpu.memory_space<vmem>>, vector<64x64xf32>
    %mul3A_67 = vector.broadcast %mul3A_63 : vector<1x64xf32> to vector<64x64xf32>
    %mul3A_68 = arith.mulf %get3A_66, %mul3A_67 : vector<64x64xf32>
    %dot_general3A_69 = arith.constant dense<0.000000e+00> : vector<2048x64xf32>
    %dot_general3A_70 = tpu.matmul %max3A_58, %mul3A_68, %dot_general3A_69 {dimension_numbers = #tpu.dot_dimension_numbers<[1], [1], [0], [0], [0, 0, 1, 0], [], []>, transpose_lhs_hint = false} : vector<2048x64xf32>, vector<64x64xf32>, vector<2048x64xf32> -> vector<2048x64xf32>
    %get3A_71 = arith.constant 0 : index
    %get3A_72 = arith.constant 0 : index
    %get3A_73 = vector.load %arg10[%get3A_71, %get3A_72] : memref<1x64xf32, #tpu.memory_space<vmem>>, vector<1x64xf32>
    %add3A_74 = vector.broadcast %get3A_73 : vector<1x64xf32> to vector<2048x64xf32>
    %add3A_75 = arith.addf %dot_general3A_70, %add3A_74 : vector<2048x64xf32>
    %get3A_76 = arith.constant 0 : index
    %get3A_77 = arith.constant 0 : index
    %get3A_78 = vector.load %arg8[%get3A_76, %get3A_77] : memref<1x64xf32, #tpu.memory_space<vmem>>, vector<1x64xf32>
    %get3A_79 = arith.constant 0 : index
    %get3A_80 = arith.constant 0 : index
    %get3A_81 = vector.load %arg9[%get3A_79, %get3A_80] : memref<64x64xf32, #tpu.memory_space<vmem>>, vector<64x64xf32>
    %dot_general3A_82 = arith.constant dense<0.000000e+00> : vector<1x64xf32>
    %dot_general3A_83 = tpu.matmul %get3A_78, %get3A_81, %dot_general3A_82 {dimension_numbers = #tpu.dot_dimension_numbers<[1], [1], [0], [0], [0, 0, 1, 0], [], []>, transpose_lhs_hint = false} : vector<1x64xf32>, vector<64x64xf32>, vector<1x64xf32> -> vector<1x64xf32>
    %add3A_84 = vector.broadcast %dot_general3A_83 : vector<1x64xf32> to vector<2048x64xf32>
    %add3A_85 = arith.addf %add3A_75, %add3A_84 : vector<2048x64xf32>
    %max3A_86 = arith.constant 0.000000e+00 : f32
    %max3A_87 = vector.broadcast %max3A_86 : f32 to vector<2048x64xf32>
    %max3A_88 = arith.maximumf %add3A_85, %max3A_87 : vector<2048x64xf32>
    %get3A_89 = arith.constant 0 : index
    %get3A_90 = arith.constant 0 : index
    %get3A_91 = vector.load %arg11[%get3A_89, %get3A_90] : memref<1x64xf32, #tpu.memory_space<vmem>>, vector<1x64xf32>
    %mul3A_92 = arith.constant 0.999994993 : f32
    %mul3A_93 = vector.broadcast %mul3A_92 : f32 to vector<1x64xf32>
    %mul3A_94 = arith.mulf %get3A_91, %mul3A_93 : vector<1x64xf32>
    %get3A_95 = arith.constant 0 : index
    %get3A_96 = arith.constant 0 : index
    %get3A_97 = vector.load %arg13[%get3A_95, %get3A_96] : memref<1x64xf32, #tpu.memory_space<vmem>>, vector<1x64xf32>
    %mul3A_98 = arith.mulf %get3A_97, %mul3A_94 : vector<1x64xf32>
    %mul3A_99 = vector.broadcast %mul3A_98 : vector<1x64xf32> to vector<2048x64xf32>
    %mul3A_100 = arith.mulf %max3A_88, %mul3A_99 : vector<2048x64xf32>
    %reduce_sum3A = arith.constant dense<0.000000e+00> : vector<2048xf32>
    %reduce_sum3A_101 = vector.multi_reduction <add>, %mul3A_100, %reduce_sum3A [1] : vector<2048x64xf32> to vector<2048xf32>
    %broadcast_in_dim3A_102 = vector.shape_cast %reduce_sum3A_101 : vector<2048xf32> to vector<2048x1xf32>
    %get3A_103 = arith.constant 0 : index
    %get3A_104 = arith.constant 0 : index
    %get3A_105 = vector.load %arg12[%get3A_103, %get3A_104] : memref<1x64xf32, #tpu.memory_space<vmem>>, vector<1x64xf32>
    %mul3A_106 = arith.mulf %get3A_105, %mul3A_98 : vector<1x64xf32>
    %reduce_sum3A_107 = arith.constant dense<0.000000e+00> : vector<1xf32>
    %reduce_sum3A_108 = vector.multi_reduction <add>, %mul3A_106, %reduce_sum3A_107 [1] : vector<1x64xf32> to vector<1xf32>
    %broadcast_in_dim3A_109 = vector.shape_cast %reduce_sum3A_108 : vector<1xf32> to vector<1x1xf32>
    %get3A_110 = arith.constant 0 : index
    %get3A_111 = arith.constant 0 : index
    %get3A_112 = vector.load %arg14[%get3A_110, %get3A_111] : memref<1x1xf32, #tpu.memory_space<vmem>>, vector<1x1xf32>
    %add3A_113 = arith.addf %broadcast_in_dim3A_109, %get3A_112 : vector<1x1xf32>
    %add3A_114 = vector.broadcast %add3A_113 : vector<1x1xf32> to vector<2048x1xf32>
    %add3A_115 = arith.addf %broadcast_in_dim3A_102, %add3A_114 : vector<2048x1xf32>
    %swap3A = arith.constant 0 : index
    %swap3A_116 = arith.constant 0 : index
    %swap3A_117 = vector.load %arg15[%swap3A, %swap3A_116] : memref<2048x1xf32, #tpu.memory_space<vmem>>, vector<2048x1xf32>
    tpu.vector_store %arg15[%swap3A, %swap3A_116], %add3A_115 {strides = array<i32>} : memref<2048x1xf32, #tpu.memory_space<vmem>>, vector<2048x1xf32>,
    return
  }
  func.func @transform_0(%arg0: i32) -> (i32, i32) {
    %c0_i32 = arith.constant 0 : i32
    %c0_i32_0 = arith.constant 0 : i32
    return %arg0, %c0_i32 : i32, i32
  }
  func.func @transform_1(%arg0: i32) -> (i32, i32) {
    %c0_i32 = arith.constant 0 : i32
    %c0_i32_0 = arith.constant 0 : i32
    return %arg0, %c0_i32 : i32, i32
  }
  func.func @transform_2(%arg0: i32) -> (i32, i32) {
    %c0_i32 = arith.constant 0 : i32
    %c0_i32_0 = arith.constant 0 : i32
    return %arg0, %c0_i32 : i32, i32
  }
  func.func @transform_3(%arg0: i32) -> (i32, i32) {
    %c0_i32 = arith.constant 0 : i32
    %c0_i32_0 = arith.constant 0 : i32
    return %arg0, %c0_i32 : i32, i32
  }
  func.func @transform_4(%arg0: i32) -> (i32, i32) {
    %c0_i32 = arith.constant 0 : i32
    %c0_i32_0 = arith.constant 0 : i32
    %c0_i32_1 = arith.constant 0 : i32
    return %c0_i32, %c0_i32_0 : i32, i32
  }
  func.func @transform_5(%arg0: i32) -> (i32, i32) {
    %c0_i32 = arith.constant 0 : i32
    %c0_i32_0 = arith.constant 0 : i32
    %c0_i32_1 = arith.constant 0 : i32
    return %c0_i32, %c0_i32_0 : i32, i32
  }
  func.func @transform_6(%arg0: i32) -> (i32, i32) {
    %c0_i32 = arith.constant 0 : i32
    %c0_i32_0 = arith.constant 0 : i32
    %c0_i32_1 = arith.constant 0 : i32
    return %c0_i32, %c0_i32_0 : i32, i32
  }
  func.func @transform_7(%arg0: i32) -> (i32, i32) {
    %c0_i32 = arith.constant 0 : i32
    %c0_i32_0 = arith.constant 0 : i32
    %c0_i32_1 = arith.constant 0 : i32
    return %c0_i32, %c0_i32_0 : i32, i32
  }
  func.func @transform_8(%arg0: i32) -> (i32, i32) {
    %c0_i32 = arith.constant 0 : i32
    %c0_i32_0 = arith.constant 0 : i32
    %c0_i32_1 = arith.constant 0 : i32
    return %c0_i32, %c0_i32_0 : i32, i32
  }
  func.func @transform_9(%arg0: i32) -> (i32, i32) {
    %c0_i32 = arith.constant 0 : i32
    %c0_i32_0 = arith.constant 0 : i32
    %c0_i32_1 = arith.constant 0 : i32
    return %c0_i32, %c0_i32_0 : i32, i32
  }
  func.func @transform_10(%arg0: i32) -> (i32, i32) {
    %c0_i32 = arith.constant 0 : i32
    %c0_i32_0 = arith.constant 0 : i32
    %c0_i32_1 = arith.constant 0 : i32
    return %c0_i32, %c0_i32_0 : i32, i32
  }
  func.func @transform_11(%arg0: i32) -> (i32, i32) {
    %c0_i32 = arith.constant 0 : i32
    %c0_i32_0 = arith.constant 0 : i32
    %c0_i32_1 = arith.constant 0 : i32
    return %c0_i32, %c0_i32_0 : i32, i32
  }
  func.func @transform_12(%arg0: i32) -> (i32, i32) {
    %c0_i32 = arith.constant 0 : i32
    %c0_i32_0 = arith.constant 0 : i32
    %c0_i32_1 = arith.constant 0 : i32
    return %c0_i32, %c0_i32_0 : i32, i32
  }
  func.func @transform_13(%arg0: i32) -> (i32, i32) {
    %c0_i32 = arith.constant 0 : i32
    %c0_i32_0 = arith.constant 0 : i32
    %c0_i32_1 = arith.constant 0 : i32
    return %c0_i32, %c0_i32_0 : i32, i32
  }
  func.func @transform_14(%arg0: i32) -> (i32, i32) {
    %c0_i32 = arith.constant 0 : i32
    %c0_i32_0 = arith.constant 0 : i32
    return %arg0, %c0_i32 : i32, i32
  }
}

module attributes {stable_mosaic.version = 14 : i64} {
  func.func @_tp_body(%arg0: i32, %arg1: memref<32x8192xf32, #tpu.memory_space<vmem>>, %arg2: memref<32x8192xf32, #tpu.memory_space<vmem>>, %arg3: memref<2048x128xf32, #tpu.memory_space<vmem>>, %arg4: memref<2048x128xf32, #tpu.memory_space<vmem>>) attributes {dimension_semantics = [#tpu.dimension_semantics<arbitrary>], iteration_bounds = array<i64: 123>, scalar_prefetch = 0 : i64, scratch_operands = 0 : i64, tpu.core_type = #tpu.core_type<tc>, window_params = [{transform_indices = @transform_0, window_bounds = array<i64: 32, 8192>}, {transform_indices = @transform_1, window_bounds = array<i64: 32, 8192>}, {transform_indices = @transform_2, window_bounds = array<i64: 2048, 128>}, {transform_indices = @transform_3, window_bounds = array<i64: 2048, 128>}]} {
    %iota3A = tpu.iota {dimensions = array<i32: 1>} : vector<32x128xi32>
    %iota3A_0 = tpu.iota {dimensions = array<i32: 0>} : vector<32x128xi32>
    %add3A = arith.constant 0 : i32
    %add3A_1 = vector.broadcast %add3A : i32 to vector<32x128xi32>
    %add3A_2 = arith.addi %iota3A_0, %add3A_1 : vector<32x128xi32>
    %eq3A = arith.cmpi eq, %iota3A, %add3A_2 : vector<32x128xi32>
    %convert_element_type3A = arith.extui %eq3A : vector<32x128xi1> to vector<32x128xi32>
    %convert_element_type3A_3 = arith.sitofp %convert_element_type3A : vector<32x128xi32> to vector<32x128xf32>
    %get3A = arith.constant 0 : index
    %get3A_4 = arith.constant 0 : index
    %get3A_5 = vector.load %arg1[%get3A, %get3A_4] : memref<32x8192xf32, #tpu.memory_space<vmem>>, vector<32x2048xf32>
    %dot_general3A = arith.constant dense<0.000000e+00> : vector<2048x128xf32>
    %dot_general3A_6 = tpu.matmul %get3A_5, %convert_element_type3A_3, %dot_general3A {dimension_numbers = #tpu.dot_dimension_numbers<[0], [0], [1], [1], [0, 1, 1, 1], [], []>, transpose_lhs_hint = true} : vector<32x2048xf32>, vector<32x128xf32>, vector<2048x128xf32> -> vector<2048x128xf32>
    %add3A_7 = arith.constant 32 : i32
    %add3A_8 = vector.broadcast %add3A_7 : i32 to vector<32x128xi32>
    %add3A_9 = arith.addi %iota3A_0, %add3A_8 : vector<32x128xi32>
    %eq3A_10 = arith.cmpi eq, %iota3A, %add3A_9 : vector<32x128xi32>
    %convert_element_type3A_11 = arith.extui %eq3A_10 : vector<32x128xi1> to vector<32x128xi32>
    %convert_element_type3A_12 = arith.sitofp %convert_element_type3A_11 : vector<32x128xi32> to vector<32x128xf32>
    %get3A_13 = arith.constant 0 : index
    %get3A_14 = arith.constant 2048 : index
    %get3A_15 = vector.load %arg1[%get3A_13, %get3A_14] : memref<32x8192xf32, #tpu.memory_space<vmem>>, vector<32x2048xf32>
    %dot_general3A_16 = arith.constant dense<0.000000e+00> : vector<2048x128xf32>
    %dot_general3A_17 = tpu.matmul %get3A_15, %convert_element_type3A_12, %dot_general3A_16 {dimension_numbers = #tpu.dot_dimension_numbers<[0], [0], [1], [1], [0, 1, 1, 1], [], []>, transpose_lhs_hint = true} : vector<32x2048xf32>, vector<32x128xf32>, vector<2048x128xf32> -> vector<2048x128xf32>
    %add3A_18 = arith.addf %dot_general3A_6, %dot_general3A_17 : vector<2048x128xf32>
    %add3A_19 = arith.constant 64 : i32
    %add3A_20 = vector.broadcast %add3A_19 : i32 to vector<32x128xi32>
    %add3A_21 = arith.addi %iota3A_0, %add3A_20 : vector<32x128xi32>
    %eq3A_22 = arith.cmpi eq, %iota3A, %add3A_21 : vector<32x128xi32>
    %convert_element_type3A_23 = arith.extui %eq3A_22 : vector<32x128xi1> to vector<32x128xi32>
    %convert_element_type3A_24 = arith.sitofp %convert_element_type3A_23 : vector<32x128xi32> to vector<32x128xf32>
    %get3A_25 = arith.constant 0 : index
    %get3A_26 = arith.constant 4096 : index
    %get3A_27 = vector.load %arg1[%get3A_25, %get3A_26] : memref<32x8192xf32, #tpu.memory_space<vmem>>, vector<32x2048xf32>
    %dot_general3A_28 = arith.constant dense<0.000000e+00> : vector<2048x128xf32>
    %dot_general3A_29 = tpu.matmul %get3A_27, %convert_element_type3A_24, %dot_general3A_28 {dimension_numbers = #tpu.dot_dimension_numbers<[0], [0], [1], [1], [0, 1, 1, 1], [], []>, transpose_lhs_hint = true} : vector<32x2048xf32>, vector<32x128xf32>, vector<2048x128xf32> -> vector<2048x128xf32>
    %add3A_30 = arith.addf %add3A_18, %dot_general3A_29 : vector<2048x128xf32>
    %add3A_31 = arith.constant 96 : i32
    %add3A_32 = vector.broadcast %add3A_31 : i32 to vector<32x128xi32>
    %add3A_33 = arith.addi %iota3A_0, %add3A_32 : vector<32x128xi32>
    %eq3A_34 = arith.cmpi eq, %iota3A, %add3A_33 : vector<32x128xi32>
    %convert_element_type3A_35 = arith.extui %eq3A_34 : vector<32x128xi1> to vector<32x128xi32>
    %convert_element_type3A_36 = arith.sitofp %convert_element_type3A_35 : vector<32x128xi32> to vector<32x128xf32>
    %get3A_37 = arith.constant 0 : index
    %get3A_38 = arith.constant 6144 : index
    %get3A_39 = vector.load %arg1[%get3A_37, %get3A_38] : memref<32x8192xf32, #tpu.memory_space<vmem>>, vector<32x2048xf32>
    %dot_general3A_40 = arith.constant dense<0.000000e+00> : vector<2048x128xf32>
    %dot_general3A_41 = tpu.matmul %get3A_39, %convert_element_type3A_36, %dot_general3A_40 {dimension_numbers = #tpu.dot_dimension_numbers<[0], [0], [1], [1], [0, 1, 1, 1], [], []>, transpose_lhs_hint = true} : vector<32x2048xf32>, vector<32x128xf32>, vector<2048x128xf32> -> vector<2048x128xf32>
    %add3A_42 = arith.addf %add3A_30, %dot_general3A_41 : vector<2048x128xf32>
    %swap3A = arith.constant 0 : index
    %swap3A_43 = arith.constant 0 : index
    %swap3A_44 = vector.load %arg3[%swap3A, %swap3A_43] : memref<2048x128xf32, #tpu.memory_space<vmem>>, vector<2048x128xf32>
    tpu.vector_store %arg3[%swap3A, %swap3A_43], %add3A_42 {strides = array<i32>} : memref<2048x128xf32, #tpu.memory_space<vmem>>, vector<2048x128xf32>,
    %add3A_45 = arith.constant 0 : i32
    %add3A_46 = vector.broadcast %add3A_45 : i32 to vector<32x128xi32>
    %add3A_47 = arith.addi %iota3A_0, %add3A_46 : vector<32x128xi32>
    %eq3A_48 = arith.cmpi eq, %iota3A, %add3A_47 : vector<32x128xi32>
    %convert_element_type3A_49 = arith.extui %eq3A_48 : vector<32x128xi1> to vector<32x128xi32>
    %convert_element_type3A_50 = arith.sitofp %convert_element_type3A_49 : vector<32x128xi32> to vector<32x128xf32>
    %get3A_51 = arith.constant 0 : index
    %get3A_52 = arith.constant 0 : index
    %get3A_53 = vector.load %arg2[%get3A_51, %get3A_52] : memref<32x8192xf32, #tpu.memory_space<vmem>>, vector<32x2048xf32>
    %dot_general3A_54 = arith.constant dense<0.000000e+00> : vector<2048x128xf32>
    %dot_general3A_55 = tpu.matmul %get3A_53, %convert_element_type3A_50, %dot_general3A_54 {dimension_numbers = #tpu.dot_dimension_numbers<[0], [0], [1], [1], [0, 1, 1, 1], [], []>, transpose_lhs_hint = true} : vector<32x2048xf32>, vector<32x128xf32>, vector<2048x128xf32> -> vector<2048x128xf32>
    %add3A_56 = arith.constant 32 : i32
    %add3A_57 = vector.broadcast %add3A_56 : i32 to vector<32x128xi32>
    %add3A_58 = arith.addi %iota3A_0, %add3A_57 : vector<32x128xi32>
    %eq3A_59 = arith.cmpi eq, %iota3A, %add3A_58 : vector<32x128xi32>
    %convert_element_type3A_60 = arith.extui %eq3A_59 : vector<32x128xi1> to vector<32x128xi32>
    %convert_element_type3A_61 = arith.sitofp %convert_element_type3A_60 : vector<32x128xi32> to vector<32x128xf32>
    %get3A_62 = arith.constant 0 : index
    %get3A_63 = arith.constant 2048 : index
    %get3A_64 = vector.load %arg2[%get3A_62, %get3A_63] : memref<32x8192xf32, #tpu.memory_space<vmem>>, vector<32x2048xf32>
    %dot_general3A_65 = arith.constant dense<0.000000e+00> : vector<2048x128xf32>
    %dot_general3A_66 = tpu.matmul %get3A_64, %convert_element_type3A_61, %dot_general3A_65 {dimension_numbers = #tpu.dot_dimension_numbers<[0], [0], [1], [1], [0, 1, 1, 1], [], []>, transpose_lhs_hint = true} : vector<32x2048xf32>, vector<32x128xf32>, vector<2048x128xf32> -> vector<2048x128xf32>
    %add3A_67 = arith.addf %dot_general3A_55, %dot_general3A_66 : vector<2048x128xf32>
    %add3A_68 = arith.constant 64 : i32
    %add3A_69 = vector.broadcast %add3A_68 : i32 to vector<32x128xi32>
    %add3A_70 = arith.addi %iota3A_0, %add3A_69 : vector<32x128xi32>
    %eq3A_71 = arith.cmpi eq, %iota3A, %add3A_70 : vector<32x128xi32>
    %convert_element_type3A_72 = arith.extui %eq3A_71 : vector<32x128xi1> to vector<32x128xi32>
    %convert_element_type3A_73 = arith.sitofp %convert_element_type3A_72 : vector<32x128xi32> to vector<32x128xf32>
    %get3A_74 = arith.constant 0 : index
    %get3A_75 = arith.constant 4096 : index
    %get3A_76 = vector.load %arg2[%get3A_74, %get3A_75] : memref<32x8192xf32, #tpu.memory_space<vmem>>, vector<32x2048xf32>
    %dot_general3A_77 = arith.constant dense<0.000000e+00> : vector<2048x128xf32>
    %dot_general3A_78 = tpu.matmul %get3A_76, %convert_element_type3A_73, %dot_general3A_77 {dimension_numbers = #tpu.dot_dimension_numbers<[0], [0], [1], [1], [0, 1, 1, 1], [], []>, transpose_lhs_hint = true} : vector<32x2048xf32>, vector<32x128xf32>, vector<2048x128xf32> -> vector<2048x128xf32>
    %add3A_79 = arith.addf %add3A_67, %dot_general3A_78 : vector<2048x128xf32>
    %add3A_80 = arith.constant 96 : i32
    %add3A_81 = vector.broadcast %add3A_80 : i32 to vector<32x128xi32>
    %add3A_82 = arith.addi %iota3A_0, %add3A_81 : vector<32x128xi32>
    %eq3A_83 = arith.cmpi eq, %iota3A, %add3A_82 : vector<32x128xi32>
    %convert_element_type3A_84 = arith.extui %eq3A_83 : vector<32x128xi1> to vector<32x128xi32>
    %convert_element_type3A_85 = arith.sitofp %convert_element_type3A_84 : vector<32x128xi32> to vector<32x128xf32>
    %get3A_86 = arith.constant 0 : index
    %get3A_87 = arith.constant 6144 : index
    %get3A_88 = vector.load %arg2[%get3A_86, %get3A_87] : memref<32x8192xf32, #tpu.memory_space<vmem>>, vector<32x2048xf32>
    %dot_general3A_89 = arith.constant dense<0.000000e+00> : vector<2048x128xf32>
    %dot_general3A_90 = tpu.matmul %get3A_88, %convert_element_type3A_85, %dot_general3A_89 {dimension_numbers = #tpu.dot_dimension_numbers<[0], [0], [1], [1], [0, 1, 1, 1], [], []>, transpose_lhs_hint = true} : vector<32x2048xf32>, vector<32x128xf32>, vector<2048x128xf32> -> vector<2048x128xf32>
    %add3A_91 = arith.addf %add3A_79, %dot_general3A_90 : vector<2048x128xf32>
    %swap3A_92 = arith.constant 0 : index
    %swap3A_93 = arith.constant 0 : index
    %swap3A_94 = vector.load %arg4[%swap3A_92, %swap3A_93] : memref<2048x128xf32, #tpu.memory_space<vmem>>, vector<2048x128xf32>
    tpu.vector_store %arg4[%swap3A_92, %swap3A_93], %add3A_91 {strides = array<i32>} : memref<2048x128xf32, #tpu.memory_space<vmem>>, vector<2048x128xf32>,
    return
  }
  func.func @transform_0(%arg0: i32) -> (i32, i32) {
    %c0_i32 = arith.constant 0 : i32
    %c0_i32_0 = arith.constant 0 : i32
    return %c0_i32, %arg0 : i32, i32
  }
  func.func @transform_1(%arg0: i32) -> (i32, i32) {
    %c0_i32 = arith.constant 0 : i32
    %c0_i32_0 = arith.constant 0 : i32
    return %c0_i32, %arg0 : i32, i32
  }
  func.func @transform_2(%arg0: i32) -> (i32, i32) {
    %c0_i32 = arith.constant 0 : i32
    %c0_i32_0 = arith.constant 0 : i32
    return %arg0, %c0_i32 : i32, i32
  }
  func.func @transform_3(%arg0: i32) -> (i32, i32) {
    %c0_i32 = arith.constant 0 : i32
    %c0_i32_0 = arith.constant 0 : i32
    return %arg0, %c0_i32 : i32, i32
  }
}

</mosaic_0001>

<sc_bundles>
// kernel: kernel.5.cloned.1.call-start
scs
__scs_entry_jumppad:
0x0: {  	(pc) =	sbr.rel $0x88, $3  }
0x1: {  	(tag) =	ssettag $0x0;
	lr =	simm.s32 $0x1  }
0x2: {  	[smem:$0x3F93] =	sst lr;
	_ =	strace $0xD0000000  }
0x3: {  	_ = 	snop  }
0x4: {  	_ = 	snop  }
0x5: {  	_ = 	snop  }
0x6: {  	_ = 	snop  }
0x7: {  	_ = 	snop  }
__scs_overlays_trampoline_lowered:
0x8: {  	[smem:$0x3FA2] =	sst s0  }
0x9: {  	[smem:$0x3FA3] =	sst s1  }
0xa: {  	[smem:$0x3FA4] =	sst s2  }
0xb: {  	[smem:$0x3FA5] =	sst s3  }
0xc: {  	[smem:$0x3FA6] =	sst s4  }
0xd: {  	[smem:$0x3FA7] =	sst s5  }
0xe: {  	[smem:$0x3FA8] =	sst s6  }
0xf: {  	[smem:$0x3FA9] =	sst s7  }
0x10: {  	[smem:$0x3FAA] =	sst s8  }
0x11: {  	[smem:$0x3FAB] =	sst s9;
	s0 =	simm.s32 @!p0 $0x0  }
0x12: {  	s1 =	sld [smem:$0x3F91];
	s0 =	simm.s32 @p0 $0x1  }
0x13: {  	[smem:$0x3FAC] =	sst s0;
	s0 =	simm.s32 @!p1 $0x0  }
0x14: {  	s2 =	sld [smem:$0x3F90];
	s0 =	simm.s32 @p1 $0x1  }
0x15: {  	[smem:$0x3FAD] =	sst s0;
	s0 =	simm.s32 @!p2 $0x0  }
0x16: {  	s3 =	sld [smem:$0x3FDB];
	s0 =	simm.s32 @p2 $0x1  }
0x17: {  	s4 =	simm.s32 $0x1BF5;
	[smem:$0x3FAF] =	sst s0  }
0x18: {  	s0 =	sld [smem:$0x3F92];
	_ =	swait.ge [sflag:s4], $0x0  }
0x19: {  	s7 =	sld [smem:$0x3F93]  }
0x1a: {  	s8 =	sadd.s32 $0xFFFFE003, lr  }
0x1b: {  	s9 =	sadd.s32 $0xFFFFFEF7, lr;
	s5 =	simm.s32 $0xFFFFFFFF;
	p2 =	slt.u32 s8, $0xFFFFF086  }
0x1c: {  	p1 =	slt.u32 s9, $0xF7A;
	s5 =	simm.s32 @!p2 $0x0  }
0x1d: {  	s5 =	simm.s32 @p1 $0x1;
	p0 =	seq.s32 s7, s2  }
0x1e: {  	s7 =	smul.u32 @!p0 $0xF7A, s2;
	p2 =	seq.s32 @!p0 s5, $0x0  }
0x1f: {  	s9 =	smul.u32 $0xF7A, s1;
	s8 =	simm.s32 @!p0 $0x1BF5;
	p2 =	por !p2, p0  }
0x20: {  	[sflag:s8] =	ssyncset.s32 @!p0 $0xFFFFF086;
	s6 =	sadd.s32 @!p0 s3, s7;
	s7 =	simm.s32 @!p0 $0x108  }
0x21: {  	s3 =	sadd.s32 s3, s9;
	s6 =	sadd.s32 @!p0 $0x88, s6;
	s7 =	simm.s32 @p2 $0x1082  }
0x22: {  	[simem:s7], [sflag:s8] =	dma.local @!p0 [hbm:s6], $0xF7A  }
0x23: {  	s9 =	sor.u32 $0xD0000000, s2;
	s6 =	simm.s32 $0x108;
	_ =	swait.ge @!p0 [sflag:s8], $0x0  }
0x24: {  	s3 =	sadd.s32 $0x88, s3;
	s6 =	simm.s32 @!p1 $0x1082;
	[sflag:s4] =	ssyncset.s32 $0xFFFFF086  }
0x25: {  	[simem:s6], [sflag:s4] =	dma.local [hbm:s3], $0xF7A  }
0x26: {  	[smem:$0x3F93] =	sst s1;
	(tag) =	ssettag s2;
	_ =	strace s9  }
0x27: {  	s1 =	sld [smem:$0x3FA3]  }
0x28: {  	s2 =	sld [smem:$0x3FA4]  }
0x29: {  	s4 =	sld [smem:$0x3FA6]  }
0x2a: {  	p0 =	seq.s32 s5, $0x0;
	s5 =	sld [smem:$0x3FA7]  }
0x2b: {  	s6 =	sld [smem:$0x3FA8]  }
0x2c: {  	s7 =	sld [smem:$0x3FA9]  }
0x2d: {  	s3 =	simm.s32 $0x108;
	s8 =	sld [smem:$0x3FAA]  }
0x2e: {  	s3 =	simm.s32 @!p0 $0x1082;
	s9 =	sld [smem:$0x3FAB]  }
0x2f: {  	lr =	sadd.s32 s0, s3;
	s0 =	sld [smem:$0x3FA2]  }
0x30: {  	s3 =	sld [smem:$0x3FA5]  }
0x31: {  	[smem:$0x3FAE] =	sst s10  }
0x32: {  	s10 =	sld [smem:$0x3FAC];
	_ =	sdelay $0x3  }
0x33: {  	p0 =	seq.s32 s10, $0x1;
	s10 =	sld [smem:$0x3FAE];
	_ =	sdelay $0x3  }
0x34: {  	[smem:$0x3FAE] =	sst s10  }
0x35: {  	s10 =	sld [smem:$0x3FAD];
	_ =	sdelay $0x3  }
0x36: {  	p1 =	seq.s32 s10, $0x1;
	s10 =	sld [smem:$0x3FAE];
	_ =	sdelay $0x3  }
0x37: {  	[smem:$0x3FAE] =	sst s10  }
0x38: {  	s10 =	sld [smem:$0x3FAF]  }
0x39: {  	_ = 	snop;
	(pc) =	sbr.ind lr, $3  }
0x3a: {  	_ = 	snop  }
0x3b: {  	_ = 	snop  }
0x3c: {  	p2 =	seq.s32 s10, $0x1;
	s10 =	sld [smem:$0x3FAE]  }
0x3d: {  	_ =	shalt  }
0x3e: {  	_ =	shalt  }
0x3f: {  	_ =	shalt  }
0x40: {  	_ =	shalt  }
0x41: {  	_ =	shalt  }
0x42: {  	_ =	shalt  }
0x43: {  	_ =	shalt  }
0x44: {  	_ =	shalt  }
0x45: {  	_ =	shalt  }
0x46: {  	_ =	shalt  }
0x47: {  	_ =	shalt  }
0x48: {  	_ =	shalt  }
0x49: {  	_ =	shalt  }
0x4a: {  	_ =	shalt  }
0x4b: {  	_ =	shalt  }
0x4c: {  	_ =	shalt  }
0x4d: {  	_ =	shalt  }
0x4e: {  	_ =	shalt  }
0x4f: {  	_ =	shalt  }
0x50: {  	_ =	shalt  }
0x51: {  	_ =	shalt  }
0x52: {  	_ =	shalt  }
0x53: {  	_ =	shalt  }
0x54: {  	_ =	shalt  }
0x55: {  	_ =	shalt  }
0x56: {  	_ =	shalt  }
0x57: {  	_ =	shalt  }
0x58: {  	_ =	shalt  }
0x59: {  	_ =	shalt  }
0x5a: {  	_ =	shalt  }
0x5b: {  	_ =	shalt  }
0x5c: {  	_ =	shalt  }
0x5d: {  	_ =	shalt  }
0x5e: {  	_ =	shalt  }
0x5f: {  	_ =	shalt  }
0x60: {  	_ =	shalt  }
0x61: {  	_ =	shalt  }
0x62: {  	_ =	shalt  }
0x63: {  	_ =	shalt  }
0x64: {  	_ =	shalt  }
0x65: {  	_ =	shalt  }
0x66: {  	_ =	shalt  }
0x67: {  	_ =	shalt  }
0x68: {  	_ =	shalt  }
0x69: {  	_ =	shalt  }
0x6a: {  	_ =	shalt  }
0x6b: {  	_ =	shalt  }
0x6c: {  	_ =	shalt  }
0x6d: {  	_ =	shalt  }
0x6e: {  	_ =	shalt  }
0x6f: {  	_ =	shalt  }
0x70: {  	_ =	shalt  }
0x71: {  	_ =	shalt  }
0x72: {  	_ =	shalt  }
0x73: {  	_ =	shalt  }
0x74: {  	_ =	shalt  }
0x75: {  	_ =	shalt  }
0x76: {  	_ =	shalt  }
0x77: {  	_ =	shalt  }
0x78: {  	_ =	shalt  }
0x79: {  	_ =	shalt  }
0x7a: {  	_ =	shalt  }
0x7b: {  	_ =	shalt  }
0x7c: {  	_ =	shalt  }
0x7d: {  	_ =	shalt  }
0x7e: {  	_ =	shalt  }
0x7f: {  	_ =	shalt  }
0x80: {  	_ =	shalt  }
0x81: {  	_ =	shalt  }
0x82: {  	_ =	shalt  }
0x83: {  	_ =	shalt  }
0x84: {  	_ =	shalt  }
0x85: {  	_ =	shalt  }
0x86: {  	_ =	shalt  }
0x87: {  	_ =	shalt  }
.Lfunc_end0:
.L_simem_size_0:
called_computation_lowered:
.L_overlay_start_0:
0x88: {  	s2 =	sld [smem:$0x3FD9]  }
0x89: {  	s3 =	sld [smem:$0x3FFE];
	_ =	sdelay $0x1  }
0x8a: {  	s1 =	srdreg.scid  }
0x8b: {  	s0 =	sand.u32 $0x1, s1  }
0x8c: {  	s16 =	sshll.u32 s0, $0xA;
	s2 =	sadd.s32 s3, s2  }
0x8d: {  	s2 =	sadd.s32 s2, s16  }
0x8e: {  	[smem:$0x3FBA] =	sst s2  }
0x8f: {  	_ = 	snop  }
0x90: {  	(tm) =	ssettm $0x1  }
0x91: {  	s17 =	sld [smem:$0x3FFB];
	_ =	sdelay $0x3  }
0x92: {  	_ =	strace s17  }
0x93: {  	s2 =	sld [smem:$0x3FFC];
	_ =	sdelay $0x3  }
0x94: {  	_ =	strace s2  }
0x95: {  	s2 =	sld [smem:$0x3FFD];
	_ =	sdelay $0x3  }
0x96: {  	_ =	strace s2  }
0x97: {  	_ =	strace $0x8FFFFFFF  }
0x98: {  	s18 =	sld [smem:$0x3FDB];
	_ =	sdelay $0x1  }
0x99: {  	s19 =	simm.s32 $_scs_section_size  }
0x9a: {  	s4 =	simm.s32 $_size__tile_overlayer_lowered;
	s5 =	simm.s32 $_tile_overlayer_lowered  }
0x9b: {  	s22 =	simm.s32 $0x1BFF;
	s21 =	sshll.u32 s5, $0x1;
	s2 =	sadd.s32 s19, s18  }
0x9c: {  	s6 =	simm.s32 $0x0;
	s20 =	sshll.u32 s4, $0x1;
	s4 =	sadd.s32 s21, s2  }
0x9d: {  	[timem:s6], [sflag:s22] =	dma.local [hbm:s4], s20  }
0x9e: {  	_ =	swait.ge [sflag:s22], s20  }
0x9f: {  	s3 =	ssub.s32 $0x0, s20;
	[sflag:s22] =	ssyncset.done $0x0  }
0xa0: {  	[sflag:s22] =	ssyncadd.s32 s3;
	_ =	sdelay $0x1  }
0xa1: {  	s23 =	simm.s32 $0x1B8B  }
0xa2: {  	_ =	swait.ge [sflag:s23], $0x1  }
0xa3: {  	[sflag:s23] =	ssyncset.done $0x0  }
0xa4: {  	s25 =	simm.s32 $0x1B8E;
	s24 =	sld [smem:$0x3FFE];
	[sflag:s23] =	ssyncadd.s32 $0xFFFFFFFF  }
0xa5: {  	s26 =	simm.s32 $execute0_lowered;
	[smem:$0x3FD2] =	sst s25  }
0xa6: {  	s4 =	sshll.u32 s26, $0x1;
	_ =	strace $0x80000046;
	[dreg:$0x1] =	wrdreg $0xFFFFFFFF  }
0xa7: {  	s28 =	simm.s32 $_size_execute0_lowered;
	s2 =	sadd.s32 s2, s4;
	[dreg:$0x0] =	wrdreg $0x0  }
0xa8: {  	s4 =	sshll.u32 s28, $0x1;
	[dreg:$0x2] =	wrdreg s2  }
0xa9: {  	[dreg:$0x3] =	wrdreg s4  }
0xaa: {  	[dreg:$0x4] =	wrdreg $0xC0  }
0xab: {  	_ =	task [dreg:s6], $0x5FFFF  }
0xac: {  	[dreg:$0x1] =	wrdreg $0xFFFFFFFF  }
0xad: {  	[dreg:$0x0] =	wrdreg $0x60  }
0xae: {  	[dreg:$0x2] =	wrdreg s24  }
0xaf: {  	[dreg:$0x3] =	wrdreg $0x9  }
0xb0: {  	_ =	task.clear_ibuf [dreg:s6], $0x4FFFF;
	_ =	strace $0x90000046  }
0xb1: {  	s29 =	simm.s32 $0x9;
	_ =	strace $0x80000048  }
0xb2: {  	_ =	swait.ge [sflag:s29], $0x1  }
0xb3: {  	[sflag:s29] =	ssyncadd.s32 $0xFFFFFFFF  }
0xb4: {  	_ =	strace $0x90000048  }
0xb5: {  	_ =	sfence  }
0xb6: {  	s30 =	sld [smem:$0x0];
	_ =	sdelay $0x2  }
0xb7: {  	s31 =	sshll.u32 s1, $0xD;
	s1 =	sshrl.u32 s1, $0x2  }
0xb8: {  	s3 =	sand.u32 $0x4000, s31;
	s1 =	sadd.s32 s1, s30  }
0xb9: {  	s0 =	sor.u32 s3, s0;
	s1 =	sshll.u32 s1, $0x11  }
0xba: {  	s0 =	sor.u32 s1, s0  }
0xbb: {  	s0 =	sadd.s32 $0x8F2B, s0  }
0xbc: {  	[sflag:s0] =	ssyncadd.remote.s32 $0x1  }
0xbd: {  	_ =	sfence.sel $0xFFFF  }
0xbe: {  	[dreg:$0x0] =	wrdreg $0xFFFFFFFF;
	(pc) =	sbr.abs _section_cstart, $3  }
0xbf: {  	[dreg:$0x1] =	wrdreg $0xFFFFFFFF  }
0xc0: {  	_ =	task.clear_ibuf [dreg:s6], $0x2FFFF;
	_ =	strace $0x9FFFFFFF  }
0xc1: {  	(tm) =	ssettm $0x7FFFFFFF  }
tec
execute0_lowered:
.L_overlay_start_1:
0x0: {  	(tag) =	ssettag $0x1  }
0x1: {  	s0 =	rddreg [dreg:$0x0];
	s1 =	simm.s32 $0x0;
	s6 =	srdreg.scid  }
0x2: {  	s8 =	stileid.u32;
	[smem:$0x7FF] =	sst s1  }
0x3: {  	s2 =	sadd.s32 $0x3400, s0;
	s5 =	sadd.s32 $0x2C00, s0;
	s6 =	sand.u32 $0x1, s6  }
0x4: {  	s8 =	sshll.u32 s8, $0xA;
	s7 =	ssub.s32 $0x2, s6;
	s6 =	sshll.u32 s6, $0x9  }
0x5: {  	s3 =	sadd.s32 $0x3C00, s0;
	s4 =	sadd.s32 $0x3DBC00, s0;
	s6 =	sor.u32 s6, s8  }
0x6: {  	s9 =	sadd.s32 $0x7B3C00, s0;
	s0 =	sadd.s32 $0x7F3C00, s0;
	s8 =	sshrl.u32 s6, $0x3  }
0x7: {  	_ =	strace $0x80000047;
	s10 =	sshrl.u32 s7, $0x1;
	s24 =	sadd.s32 s2, s8  }
0x8: {  	s25 =	sshll.u32 s6, $0x4;
	s8 =	sadd.s32 s5, s8;
	[dreg:$0x14] =	wrdreg s24  }
0x9: {  	s7 =	ssub.s32 s7, s10;
	s26 =	sadd.s32 s9, s25;
	[dreg:$0x15] =	wrdreg s8  }
0xa: {  	s6 =	sor.u32 $0x100, s6;
	s10 =	sadd.s32 s0, s25;
	[dreg:$0x16] =	wrdreg s26  }
0xb: {  	s28 =	sshrl.u32 s6, $0x3;
	s31 =	smax.u32 s7, $0x1;
	[dreg:$0x17] =	wrdreg s10  }
0xc: {  	s2 =	sadd.s32 s2, s28;
	[dreg:$0x1c] =	wrdreg s31  }
0xd: {  	s29 =	sshll.u32 s6, $0x4;
	s5 =	sadd.s32 s5, s28;
	[dreg:$0x18] =	wrdreg s2  }
0xe: {  	s30 =	sadd.s32 s9, s29;
	[dreg:$0x19] =	wrdreg s5  }
0xf: {  	s0 =	sadd.s32 s0, s29;
	[dreg:$0x1a] =	wrdreg s30  }
0x10: {  	[dreg:$0x1b] =	wrdreg s0;
	s5 =	simm.s32 $0x2;
	s2 =	simm.s32 $0x0  }
.LBB2_1:
0x11: {  	[dreg:$0x1d] =	wrdreg s2  }
0x12: {  	s0 =	rddreg [dreg:$0x14]  }
0x13: {  	[tilespmem:s1], [sflag:$0x2] =	stream.linear.gather [hbm4b:s0+s1], $0x100, $0x38;
	[tilespmem:$0x10200] =	vst v63  }
0x14: {  	_ =	swait.ge [sflag:s5], $0x100  }
0x15: {  	[sflag:s5] =	ssyncset.done $0x0  }
0x16: {  	s26 =	simm.s32 $0x100;
	s30 =	rddreg [dreg:$0x15];
	[sflag:s5] =	ssyncadd.s32 $0xFFFFFF00  }
0x17: {  	[tilespmem:s26], [sflag:$0x2] =	stream.linear.gather [hbm4b:s30+s1], $0x100, $0x38;
	[tilespmem:$0x10200] =	vst v63  }
0x18: {  	_ =	swait.ge [sflag:s5], $0x100  }
0x19: {  	[sflag:s5] =	ssyncset.done $0x0  }
0x1a: {  	[sflag:s5] =	ssyncadd.s32 $0xFFFFFF00  }
0x1b: {  	v0 =	vld [tilespmem:s1+$0x0]  }
0x1c: {  	v2 =	vld [tilespmem:s26+$0x0];
	_ =	sdelay $0x3  }
0x1d: {  	v1 =	vshll.u32 v0, $0x4  }
0x1e: {  	v63 =	vshll.u32 v2, $0x4;
	(v2sf) =	vpush v1, $0x0  }
0x1f: {  	(v2sf) =	vpush v63, $0x0  }
0x20: {  	(v2sf) =	vpush v1, $0x1;
	_ =	sdelay $0x1  }
0x21: {  	(v2sf) =	vpush v63, $0x1  }
0x22: {  	(v2sf) =	vpush v1, $0x2;
	_ =	sdelay $0x1  }
0x23: {  	(v2sf) =	vpush v63, $0x2;
	_ =	sdelay $0x1  }
0x24: {  	(v2sf) =	vpush v1, $0x3  }
0x25: {  	s20 =	simm.s32 $0x2000  }
0x26: {  	s19 =	simm.s32 $0x0;
	s31 =	simm.s32 $0x8200;
	s6 =	simm.s32 $0x680  }
0x27: {  	s7 =	simm.s32 $0x200;
	s9 =	simm.s32 $0x400;
	s10 =	simm.s32 $0x380  }
0x28: {  	s13 =	simm.s32 $0x280;
	s16 =	simm.s32 $0x8280;
	s18 =	simm.s32 $0x300  }
0x29: {  	s23 =	simm.s32 $0x8300;
	s29 =	simm.s32 $0x800;
	s28 =	simm.s32 $0x900  }
0x2a: {  	s0 =	simm.s32 $0x8700;
	s30 =	simm.s32 $0x8400;
	s8 =	spop (v2sf);
	(v2sf) =	vpush v63, $0x3  }
0x2b: {  	s5 =	simm.s32 $0x480;
	s8 =	sand.u32 $0x1FFFFFF0, s8;
	s11 =	spop (v2sf)  }
0x2c: {  	(v2sf) =	vpush v1, $0x4;
	s8 =	sadd.s32 s3, s8;
	s11 =	sand.u32 $0x1FFFFFF0, s11;
	s12 =	spop (v2sf)  }
0x2d: {  	(v2sf) =	vpush v63, $0x4;
	[tilespmem:s7], [sflag:$0x1] =	stream.linear.gather [hbm4b:s8+s1], $0x80, $0x38;
	[tilespmem:$0x10200] =	vst v63  }
0x2e: {  	s8 =	sadd.s32 s4, s11;
	s11 =	sand.u32 $0x1FFFFFF0, s12;
	s12 =	spop (v2sf)  }
0x2f: {  	s7 =	simm.s32 $0x8380;
	(v2sf) =	vpush v1, $0x5;
	s14 =	sadd.s32 s3, s11;
	s17 =	spop (v2sf)  }
0x30: {  	[tilespmem:s31], [sflag:$0x1] =	stream.linear.gather [hbm4b:s8+s1], $0x80, $0x38;
	[tilespmem:$0x10200] =	vst v63  }
0x31: {  	s15 =	sand.u32 $0x1FFFFFF0, s12;
	(v2sf) =	vpush v63, $0x5;
	s12 =	simm.s32 $0x580;
	s21 =	spop (v2sf)  }
0x32: {  	[tilespmem:s13], [sflag:$0x1] =	stream.linear.gather [hbm4b:s14+s1], $0x80, $0x38;
	[tilespmem:$0x10200] =	vst v63  }
0x33: {  	s11 =	sadd.s32 s4, s15;
	(v2sf) =	vpush v1, $0x6;
	s8 =	sand.u32 $0x1FFFFFF0, s17;
	s22 =	spop (v2sf)  }
0x34: {  	[tilespmem:s16], [sflag:$0x1] =	stream.linear.gather [hbm4b:s11+s1], $0x80, $0x38;
	[tilespmem:$0x10200] =	vst v63  }
0x35: {  	s8 =	sadd.s32 s3, s8;
	(v2sf) =	vpush v63, $0x6;
	s25 =	sand.u32 $0x1FFFFFF0, s22;
	s11 =	sand.u32 $0x1FFFFFF0, s21  }
0x36: {  	[tilespmem:s18], [sflag:$0x1] =	stream.linear.gather [hbm4b:s8+s1], $0x80, $0x38;
	[tilespmem:$0x10200] =	vst v63  }
0x37: {  	s13 =	simm.s32 $0x8800;
	s14 =	simm.s32 $0x880;
	s24 =	sadd.s32 s4, s11  }
0x38: {  	[tilespmem:s23], [sflag:$0x1] =	stream.linear.gather [hbm4b:s24+s1], $0x80, $0x38;
	[tilespmem:$0x10200] =	vst v63  }
0x39: {  	s16 =	simm.s32 $0x8480;
	s11 =	sadd.s32 s3, s25;
	s26 =	spop (v2sf);
	(v2sf) =	vpush v1, $0x7  }
0x3a: {  	[tilespmem:s10], [sflag:$0x1] =	stream.linear.gather [hbm4b:s11+s1], $0x80, $0x38;
	[tilespmem:$0x10200] =	vst v63  }
0x3b: {  	s18 =	simm.s32 $0x500;
	s8 =	sand.u32 $0x1FFFFFF0, s26;
	s31 =	spop (v2sf)  }
0x3c: {  	(v2sf) =	vpush v63, $0x7;
	s8 =	sadd.s32 s4, s8;
	s11 =	sand.u32 $0x1FFFFFF0, s31;
	s2 =	spop (v2sf)  }
0x3d: {  	(v2sf) =	vpush v1, $0x8;
	[tilespmem:s7], [sflag:$0x1] =	stream.linear.gather [hbm4b:s8+s1], $0x80, $0x38;
	[tilespmem:$0x10200] =	vst v63  }
0x3e: {  	s11 =	sadd.s32 s3, s11;
	s15 =	sand.u32 $0x1FFFFFF0, s2;
	s17 =	spop (v2sf)  }
0x3f: {  	(v2sf) =	vpush v63, $0x8;
	[tilespmem:s9], [sflag:$0x1] =	stream.linear.gather [hbm4b:s11+s1], $0x80, $0x38;
	[tilespmem:$0x10200] =	vst v63  }
0x40: {  	s8 =	sadd.s32 s4, s15;
	s21 =	spop (v2sf);
	s9 =	sand.u32 $0x1FFFFFF0, s17  }
0x41: {  	(v2sf) =	vpush v1, $0x9;
	[tilespmem:s30], [sflag:$0x1] =	stream.linear.gather [hbm4b:s8+s1], $0x80, $0x38;
	[tilespmem:$0x10200] =	vst v63  }
0x42: {  	s10 =	sand.u32 $0x1FFFFFF0, s21;
	s22 =	spop (v2sf);
	s9 =	sadd.s32 s3, s9  }
0x43: {  	(v2sf) =	vpush v63, $0x9;
	[tilespmem:s5], [sflag:$0x1] =	stream.linear.gather [hbm4b:s9+s1], $0x80, $0x38;
	[tilespmem:$0x10200] =	vst v63  }
0x44: {  	s23 =	sadd.s32 s4, s10;
	s24 =	sand.u32 $0x1FFFFFF0, s22;
	s25 =	spop (v2sf)  }
0x45: {  	(v2sf) =	vpush v1, $0xA;
	[tilespmem:s16], [sflag:$0x1] =	stream.linear.gather [hbm4b:s23+s1], $0x80, $0x38;
	[tilespmem:$0x10200] =	vst v63  }
0x46: {  	s17 =	simm.s32 $0x8580;
	s26 =	sadd.s32 s3, s24;
	s7 =	sand.u32 $0x1FFFFFF0, s25  }
0x47: {  	(v2sf) =	vpush v63, $0xA;
	[tilespmem:s18], [sflag:$0x1] =	stream.linear.gather [hbm4b:s26+s1], $0x80, $0x38;
	[tilespmem:$0x10200] =	vst v63  }
0x48: {  	s30 =	simm.s32 $0x8500;
	s7 =	sadd.s32 s4, s7;
	s31 =	spop (v2sf)  }
0x49: {  	(v2sf) =	vpush v1, $0xB;
	[tilespmem:s30], [sflag:$0x1] =	stream.linear.gather [hbm4b:s7+s1], $0x80, $0x38;
	[tilespmem:$0x10200] =	vst v63  }
0x4a: {  	s21 =	simm.s32 $0x600;
	s24 =	simm.s32 $0x8600;
	s9 =	sand.u32 $0x1FFFFFF0, s31  }
0x4b: {  	s30 =	simm.s32 $0x8680;
	s2 =	spop (v2sf);
	(v2sf) =	vpush v63, $0xB;
	s15 =	sadd.s32 s3, s9  }
0x4c: {  	s16 =	sand.u32 $0x1FFFFFF0, s2;
	s18 =	spop (v2sf);
	s2 =	simm.s32 $0x700  }
0x4d: {  	[tilespmem:s12], [sflag:$0x1] =	stream.linear.gather [hbm4b:s15+s1], $0x80, $0x38;
	[tilespmem:$0x10200] =	vst v63  }
0x4e: {  	s9 =	sadd.s32 s4, s16;
	s8 =	sand.u32 $0x1FFFFFF0, s18;
	s22 =	spop (v2sf)  }
0x4f: {  	[tilespmem:s17], [sflag:$0x1] =	stream.linear.gather [hbm4b:s9+s1], $0x80, $0x38;
	[tilespmem:$0x10200] =	vst v63  }
0x50: {  	(v2sf) =	vpush v1, $0xC;
	s8 =	sadd.s32 s3, s8;
	s23 =	spop (v2sf);
	s9 =	sand.u32 $0x1FFFFFF0, s22  }
0x51: {  	[tilespmem:s21], [sflag:$0x1] =	stream.linear.gather [hbm4b:s8+s1], $0x80, $0x38;
	[tilespmem:$0x10200] =	vst v63  }
0x52: {  	(v2sf) =	vpush v63, $0xC;
	s26 =	sand.u32 $0x1FFFFFF0, s23;
	s31 =	spop (v2sf);
	s25 =	sadd.s32 s4, s9  }
0x53: {  	[tilespmem:s24], [sflag:$0x1] =	stream.linear.gather [hbm4b:s25+s1], $0x80, $0x38;
	[tilespmem:$0x10200] =	vst v63  }
0x54: {  	s9 =	sadd.s32 s3, s26;
	s12 =	spop (v2sf);
	s8 =	sand.u32 $0x1FFFFFF0, s31  }
0x55: {  	[tilespmem:s6], [sflag:$0x1] =	stream.linear.gather [hbm4b:s9+s1], $0x80, $0x38;
	[tilespmem:$0x10200] =	vst v63  }
0x56: {  	s15 =	spop (v2sf);
	s8 =	sadd.s32 s4, s8;
	s9 =	sand.u32 $0x1FFFFFF0, s12  }
0x57: {  	[tilespmem:s30], [sflag:$0x1] =	stream.linear.gather [hbm4b:s8+s1], $0x80, $0x38;
	[tilespmem:$0x10200] =	vst v63  }
0x58: {  	s17 =	sand.u32 $0x1FFFFFF0, s15;
	s16 =	sadd.s32 s3, s9;
	s18 =	spop (v2sf)  }
0x59: {  	[tilespmem:s2], [sflag:$0x1] =	stream.linear.gather [hbm4b:s16+s1], $0x80, $0x38;
	[tilespmem:$0x10200] =	vst v63  }
0x5a: {  	s11 =	simm.s32 $0x8880;
	s21 =	sadd.s32 s4, s17;
	s23 =	spop (v2sf)  }
0x5b: {  	[tilespmem:s0], [sflag:$0x1] =	stream.linear.gather [hbm4b:s21+s1], $0x80, $0x38;
	[tilespmem:$0x10200] =	vst v63  }
0x5c: {  	s5 =	simm.s32 $0x8780;
	(v2sf) =	vpush v1, $0xD;
	s22 =	sand.u32 $0x1FFFFFF0, s18;
	s26 =	sand.u32 $0x1FFFFFF0, s23  }
0x5d: {  	s24 =	simm.s32 $0x780;
	(v2sf) =	vpush v63, $0xD;
	s25 =	sadd.s32 s3, s22;
	s30 =	sadd.s32 s4, s26  }
0x5e: {  	(v2sf) =	vpush v1, $0xE;
	[tilespmem:s24], [sflag:$0x1] =	stream.linear.gather [hbm4b:s25+s1], $0x80, $0x38;
	[tilespmem:$0x10200] =	vst v63  }
0x5f: {  	(v2sf) =	vpush v63, $0xE;
	s31 =	spop (v2sf);
	s26 =	simm.s32 $0x8900;
	s24 =	simm.s32 $0x10  }
0x60: {  	(v2sf) =	vpush v1, $0xF;
	[tilespmem:s5], [sflag:$0x1] =	stream.linear.gather [hbm4b:s30+s1], $0x80, $0x38;
	[tilespmem:$0x10200] =	vst v63  }
0x61: {  	s25 =	simm.s32 $0x110;
	s0 =	sand.u32 $0x1FFFFFF0, s31;
	(v2sf) =	vpush v63, $0xF;
	s5 =	spop (v2sf)  }
.LBB2_2:
0x62: {  	_ =	sdelay $0x4  }
0x63: {  	s0 =	sadd.s32 s3, s0;
	s5 =	sand.u32 $0x1FFFFFF0, s5  }
0x64: {  	[tilespmem:s29], [sflag:$0x1] =	stream.linear.gather [hbm4b:s0+s1], $0x80, $0x38;
	[tilespmem:$0x10200] =	vst v63  }
0x65: {  	s8 =	sadd.s32 s4, s5  }
0x66: {  	[tilespmem:s13], [sflag:$0x1] =	stream.linear.gather [hbm4b:s8+s1], $0x80, $0x38;
	[tilespmem:$0x10200] =	vst v63  }
0x67: {  	s6 =	spop (v2sf)  }
0x68: {  	s9 =	sand.u32 $0x1FFFFFF0, s6;
	s10 =	spop (v2sf)  }
0x69: {  	s12 =	sadd.s32 s3, s9;
	s2 =	sand.u32 $0x1FFFFFF0, s10;
	s13 =	spop (v2sf)  }
0x6a: {  	[tilespmem:s14], [sflag:$0x1] =	stream.linear.gather [hbm4b:s12+s1], $0x80, $0x38;
	[tilespmem:$0x10200] =	vst v63  }
0x6b: {  	s14 =	sadd.s32 s4, s2;
	s15 =	sand.u32 $0x1FFFFFF0, s13;
	s16 =	spop (v2sf)  }
0x6c: {  	[tilespmem:s11], [sflag:$0x1] =	stream.linear.gather [hbm4b:s14+s1], $0x80, $0x38;
	[tilespmem:$0x10200] =	vst v63  }
0x6d: {  	s17 =	sadd.s32 s3, s15;
	s18 =	sand.u32 $0x1FFFFFF0, s16;
	s21 =	spop (v2sf)  }
0x6e: {  	[tilespmem:s28], [sflag:$0x1] =	stream.linear.gather [hbm4b:s17+s1], $0x80, $0x38;
	[tilespmem:$0x10200] =	vst v63  }
0x6f: {  	s22 =	sadd.s32 s4, s18;
	s23 =	sand.u32 $0x1FFFFFF0, s21;
	s30 =	spop (v2sf)  }
0x70: {  	[tilespmem:s26], [sflag:$0x1] =	stream.linear.gather [hbm4b:s22+s1], $0x80, $0x38;
	[tilespmem:$0x10200] =	vst v63  }
0x71: {  	s31 =	sadd.s32 $0x980, s19;
	s2 =	sadd.s32 s3, s23;
	s5 =	sand.u32 $0x1FFFFFF0, s30  }
0x72: {  	[tilespmem:s31], [sflag:$0x1] =	stream.linear.gather [hbm4b:s2+s1], $0x80, $0x38;
	[tilespmem:$0x10200] =	vst v63  }
0x73: {  	s5 =	sadd.s32 s4, s5;
	s2 =	sadd.s32 $0x8980, s19  }
0x74: {  	[tilespmem:s2], [sflag:$0x1] =	stream.linear.gather [hbm4b:s5+s1], $0x80, $0x38;
	[tilespmem:$0x10200] =	vst v63  }
0x75: {  	v0 =	vld [tilespmem:s24+$0x0];
	_ =	sdelay $0x1  }
0x76: {  	v2 =	vld [tilespmem:s25+$0x0];
	_ =	sdelay $0x2  }
0x77: {  	v1 =	vshll.u32 v0, $0x4  }
0x78: {  	(v2sf) =	vpush v1, $0x0  }
0x79: {  	v63 =	vshll.u32 v2, $0x4  }
0x7a: {  	s6 =	smov.u32 s20;
	(v2sf) =	vpush v63, $0x0  }
0x7b: {  	p0 =	sne.s32 s20, $0x1E000;
	s19 =	sshra.s32 s6, $0x2;
	(v2sf) =	vpush v1, $0x1  }
0x7c: {  	s20 =	sadd.s32 $0x2000, s20;
	s31 =	sadd.s32 $0x8200, s19;
	s0 =	sadd.s32 $0x480, s19  }
0x7d: {  	s7 =	sadd.s32 $0x680, s19;
	s13 =	sadd.s32 $0x400, s19;
	s8 =	sadd.s32 $0x8700, s19;
	(v2sf) =	vpush v63, $0x1  }
0x7e: {  	s14 =	sadd.s32 $0x380, s19;
	s18 =	sadd.s32 $0x8380, s19;
	s21 =	sadd.s32 $0x300, s19  }
0x7f: {  	s15 =	sadd.s32 $0x8400, s19;
	s30 =	sadd.s32 $0x8280, s19;
	s12 =	sadd.s32 $0x8480, s19;
	(v2sf) =	vpush v1, $0x2  }
0x80: {  	s6 =	sadd.s32 $0x500, s19;
	s11 =	sadd.s32 $0x8880, s19;
	s10 =	sadd.s32 $0x8500, s19;
	(v2sf) =	vpush v63, $0x2  }
0x81: {  	s9 =	sadd.s32 $0x8680, s19;
	s16 =	sadd.s32 $0x700, s19;
	[dreg:$0x12] =	wrdreg s0  }
0x82: {  	s17 =	sadd.s32 $0x8600, s19;
	s29 =	sadd.s32 $0x800, s19;
	[dreg:$0x6] =	wrdreg s7;
	(v2sf) =	vpush v1, $0x3  }
0x83: {  	s28 =	sadd.s32 $0x900, s19;
	s26 =	sadd.s32 $0x8900, s19;
	[dreg:$0x2] =	wrdreg s8  }
0x84: {  	s2 =	sadd.s32 $0x200, s19;
	s7 =	sadd.s32 $0x8800, s19;
	[dreg:$0xa] =	wrdreg s9  }
0x85: {  	s5 =	sadd.s32 $0x880, s19;
	s0 =	sadd.s32 $0x8300, s19;
	[dreg:$0x8] =	wrdreg s16  }
0x86: {  	s8 =	sadd.s32 $0x8780, s19;
	s9 =	sadd.s32 $0x580, s19;
	[dreg:$0xe] =	wrdreg s17;
	(v2sf) =	vpush v63, $0x3  }
0x87: {  	s17 =	sadd.s32 $0x600, s19;
	[dreg:$0x4] =	wrdreg s8;
	s22 =	spop (v2sf)  }
0x88: {  	[dreg:$0x10] =	wrdreg s17;
	(v2sf) =	vpush v1, $0x4;
	s17 =	sand.u32 $0x1FFFFFF0, s22;
	s22 =	sadd.s32 $0x780, s19  }
0x89: {  	s16 =	sadd.s32 $0x280, s19;
	s23 =	spop (v2sf);
	[dreg:$0xc] =	wrdreg s22  }
0x8a: {  	(v2sf) =	vpush v63, $0x4;
	s17 =	sadd.s32 s3, s17;
	s22 =	sand.u32 $0x1FFFFFF0, s23;
	s23 =	spop (v2sf)  }
0x8b: {  	[tilespmem:s2], [sflag:$0x1] =	stream.linear.gather [hbm4b:s17+s1], $0x80, $0x38;
	[tilespmem:$0x10200] =	vst v63  }
0x8c: {  	(v2sf) =	vpush v1, $0x5;
	s17 =	sadd.s32 s4, s22;
	s22 =	sand.u32 $0x1FFFFFF0, s23;
	s23 =	spop (v2sf)  }
0x8d: {  	(v2sf) =	vpush v63, $0x5;
	[tilespmem:s31], [sflag:$0x1] =	stream.linear.gather [hbm4b:s17+s1], $0x80, $0x38;
	[tilespmem:$0x10200] =	vst v63  }
0x8e: {  	s8 =	sadd.s32 $0x8580, s19;
	s24 =	sadd.s32 $0x10, s24;
	s31 =	spop (v2sf)  }
0x8f: {  	s23 =	sand.u32 $0x1FFFFFF0, s23;
	s17 =	sadd.s32 s3, s22;
	(v2sf) =	vpush v1, $0x6;
	s22 =	spop (v2sf)  }
0x90: {  	[tilespmem:s16], [sflag:$0x1] =	stream.linear.gather [hbm4b:s17+s1], $0x80, $0x38;
	[tilespmem:$0x10200] =	vst v63  }
0x91: {  	(v2sf) =	vpush v63, $0x6;
	s16 =	sadd.s32 s4, s23;
	s17 =	sand.u32 $0x1FFFFFF0, s31;
	s31 =	spop (v2sf)  }
0x92: {  	(v2sf) =	vpush v1, $0x7;
	[tilespmem:s30], [sflag:$0x1] =	stream.linear.gather [hbm4b:s16+s1], $0x80, $0x38;
	[tilespmem:$0x10200] =	vst v63  }
0x93: {  	s25 =	sadd.s32 $0x10, s25;
	s23 =	sadd.s32 s3, s17;
	s30 =	sand.u32 $0x1FFFFFF0, s22  }
0x94: {  	[tilespmem:s21], [sflag:$0x1] =	stream.linear.gather [hbm4b:s23+s1], $0x80, $0x38;
	[tilespmem:$0x10200] =	vst v63  }
0x95: {  	s22 =	spop (v2sf);
	s16 =	sadd.s32 s4, s30;
	s21 =	sand.u32 $0x1FFFFFF0, s31  }
0x96: {  	(v2sf) =	vpush v63, $0x7;
	[tilespmem:s0], [sflag:$0x1] =	stream.linear.gather [hbm4b:s16+s1], $0x80, $0x38;
	[tilespmem:$0x10200] =	vst v63  }
0x97: {  	s30 =	sand.u32 $0x1FFFFFF0, s22;
	s31 =	spop (v2sf);
	s23 =	sadd.s32 s3, s21  }
0x98: {  	(v2sf) =	vpush v1, $0x8;
	[tilespmem:s14], [sflag:$0x1] =	stream.linear.gather [hbm4b:s23+s1], $0x80, $0x38;
	[tilespmem:$0x10200] =	vst v63  }
0x99: {  	s17 =	sadd.s32 s4, s30;
	s21 =	sand.u32 $0x1FFFFFF0, s31;
	s22 =	spop (v2sf)  }
0x9a: {  	[tilespmem:s18], [sflag:$0x1] =	stream.linear.gather [hbm4b:s17+s1], $0x80, $0x38;
	[tilespmem:$0x10200] =	vst v63  }
0x9b: {  	s23 =	sadd.s32 s3, s21;
	s14 =	smov.u32 s5;
	s31 =	spop (v2sf)  }
0x9c: {  	(v2sf) =	vpush v63, $0x8;
	s30 =	sand.u32 $0x1FFFFFF0, s22;
	s22 =	rddreg [dreg:$0x12];
	s16 =	spop (v2sf)  }
0x9d: {  	[tilespmem:s13], [sflag:$0x1] =	stream.linear.gather [hbm4b:s23+s1], $0x80, $0x38;
	[tilespmem:$0x10200] =	vst v63  }
0x9e: {  	(v2sf) =	vpush v1, $0x9;
	s2 =	sadd.s32 s4, s30;
	s13 =	sand.u32 $0x1FFFFFF0, s31;
	s21 =	spop (v2sf)  }
0x9f: {  	(v2sf) =	vpush v63, $0x9;
	[tilespmem:s15], [sflag:$0x1] =	stream.linear.gather [hbm4b:s2+s1], $0x80, $0x38;
	[tilespmem:$0x10200] =	vst v63  }
0xa0: {  	s18 =	sand.u32 $0x1FFFFFF0, s16;
	s17 =	sadd.s32 s3, s13;
	s31 =	spop (v2sf)  }
0xa1: {  	s23 =	sadd.s32 s4, s18;
	s30 =	sand.u32 $0x1FFFFFF0, s21;
	s15 =	spop (v2sf)  }
0xa2: {  	[tilespmem:s22], [sflag:$0x1] =	stream.linear.gather [hbm4b:s17+s1], $0x80, $0x38;
	[tilespmem:$0x10200] =	vst v63  }
0xa3: {  	(v2sf) =	vpush v1, $0xA;
	s13 =	smov.u32 s7;
	s5 =	sadd.s32 s3, s30;
	s17 =	sand.u32 $0x1FFFFFF0, s15  }
0xa4: {  	[tilespmem:s12], [sflag:$0x1] =	stream.linear.gather [hbm4b:s23+s1], $0x80, $0x38;
	[tilespmem:$0x10200] =	vst v63  }
0xa5: {  	(v2sf) =	vpush v63, $0xA;
	s18 =	spop (v2sf);
	s21 =	sadd.s32 s3, s17;
	s12 =	sand.u32 $0x1FFFFFF0, s31  }
0xa6: {  	[tilespmem:s6], [sflag:$0x1] =	stream.linear.gather [hbm4b:s5+s1], $0x80, $0x38;
	[tilespmem:$0x10200] =	vst v63  }
0xa7: {  	s22 =	sand.u32 $0x1FFFFFF0, s18;
	s16 =	sadd.s32 s4, s12;
	s23 =	spop (v2sf)  }
0xa8: {  	[tilespmem:s10], [sflag:$0x1] =	stream.linear.gather [hbm4b:s16+s1], $0x80, $0x38;
	[tilespmem:$0x10200] =	vst v63  }
0xa9: {  	(v2sf) =	vpush v1, $0xB;
	s30 =	sadd.s32 s4, s22;
	s22 =	rddreg [dreg:$0x6];
	s31 =	sand.u32 $0x1FFFFFF0, s23  }
0xaa: {  	[tilespmem:s9], [sflag:$0x1] =	stream.linear.gather [hbm4b:s21+s1], $0x80, $0x38;
	[tilespmem:$0x10200] =	vst v63  }
0xab: {  	(v2sf) =	vpush v63, $0xB;
	s6 =	sadd.s32 s3, s31;
	s16 =	rddreg [dreg:$0xe];
	s5 =	spop (v2sf)  }
0xac: {  	(v2sf) =	vpush v1, $0xC;
	[tilespmem:s8], [sflag:$0x1] =	stream.linear.gather [hbm4b:s30+s1], $0x80, $0x38;
	[tilespmem:$0x10200] =	vst v63  }
0xad: {  	s9 =	rddreg [dreg:$0x10];
	s7 =	sand.u32 $0x1FFFFFF0, s5;
	s8 =	spop (v2sf)  }
0xae: {  	(v2sf) =	vpush v63, $0xC;
	s10 =	sadd.s32 s4, s7;
	s12 =	sand.u32 $0x1FFFFFF0, s8;
	s15 =	spop (v2sf)  }
0xaf: {  	[tilespmem:s9], [sflag:$0x1] =	stream.linear.gather [hbm4b:s6+s1], $0x80, $0x38;
	[tilespmem:$0x10200] =	vst v63  }
0xb0: {  	s7 =	rddreg [dreg:$0xa];
	s17 =	sadd.s32 s3, s12;
	s18 =	sand.u32 $0x1FFFFFF0, s15  }
0xb1: {  	[tilespmem:s16], [sflag:$0x1] =	stream.linear.gather [hbm4b:s10+s1], $0x80, $0x38;
	[tilespmem:$0x10200] =	vst v63  }
0xb2: {  	s21 =	spop (v2sf);
	s12 =	rddreg [dreg:$0x8];
	s23 =	sadd.s32 s4, s18  }
0xb3: {  	[tilespmem:s22], [sflag:$0x1] =	stream.linear.gather [hbm4b:s17+s1], $0x80, $0x38;
	[tilespmem:$0x10200] =	vst v63  }
0xb4: {  	s30 =	sand.u32 $0x1FFFFFF0, s21;
	s31 =	spop (v2sf);
	s18 =	rddreg [dreg:$0x2]  }
0xb5: {  	[tilespmem:s7], [sflag:$0x1] =	stream.linear.gather [hbm4b:s23+s1], $0x80, $0x38;
	[tilespmem:$0x10200] =	vst v63  }
0xb6: {  	s8 =	sadd.s32 s3, s30;
	s9 =	sand.u32 $0x1FFFFFF0, s31;
	s30 =	rddreg [dreg:$0xc]  }
0xb7: {  	[tilespmem:s12], [sflag:$0x1] =	stream.linear.gather [hbm4b:s8+s1], $0x80, $0x38;
	[tilespmem:$0x10200] =	vst v63  }
0xb8: {  	s10 =	spop (v2sf);
	s31 =	rddreg [dreg:$0x4];
	s15 =	sadd.s32 s4, s9  }
0xb9: {  	(v2sf) =	vpush v1, $0xD;
	[tilespmem:s18], [sflag:$0x1] =	stream.linear.gather [hbm4b:s15+s1], $0x80, $0x38;
	[tilespmem:$0x10200] =	vst v63  }
.Ltmp0:
0xba: {  	(v2sf) =	vpush v63, $0xD;
	s16 =	sand.u32 $0x1FFFFFF0, s10;
	s17 =	spop (v2sf);
	(pc) =	sbr.rel @p0 .LBB2_2-.Ltmp0, $4  }
0xbb: {  	(v2sf) =	vpush v1, $0xE;
	s21 =	sadd.s32 s3, s16;
	s22 =	sand.u32 $0x1FFFFFF0, s17;
	s23 =	spop (v2sf)  }
0xbc: {  	(v2sf) =	vpush v63, $0xE;
	[tilespmem:s30], [sflag:$0x1] =	stream.linear.gather [hbm4b:s21+s1], $0x80, $0x38;
	[tilespmem:$0x10200] =	vst v63  }
0xbd: {  	(v2sf) =	vpush v1, $0xF;
	s2 =	sadd.s32 s4, s22;
	s0 =	sand.u32 $0x1FFFFFF0, s23;
	s5 =	spop (v2sf)  }
0xbe: {  	(v2sf) =	vpush v63, $0xF;
	[tilespmem:s31], [sflag:$0x1] =	stream.linear.gather [hbm4b:s2+s1], $0x80, $0x38;
	[tilespmem:$0x10200] =	vst v63  }
0xbf: {  	_ =	sdelay $0x4  }
0xc0: {  	s0 =	sadd.s32 s3, s0;
	s2 =	sand.u32 $0x1FFFFFF0, s5  }
0xc1: {  	[tilespmem:s29], [sflag:$0x1] =	stream.linear.gather [hbm4b:s0+s1], $0x80, $0x38;
	[tilespmem:$0x10200] =	vst v63  }
0xc2: {  	s22 =	sadd.s32 s4, s2  }
0xc3: {  	[tilespmem:s13], [sflag:$0x1] =	stream.linear.gather [hbm4b:s22+s1], $0x80, $0x38;
	[tilespmem:$0x10200] =	vst v63  }
0xc4: {  	s21 =	spop (v2sf)  }
0xc5: {  	s23 =	sand.u32 $0x1FFFFFF0, s21;
	s24 =	spop (v2sf)  }
0xc6: {  	s25 =	sadd.s32 s3, s23;
	s30 =	sand.u32 $0x1FFFFFF0, s24;
	s31 =	spop (v2sf)  }
0xc7: {  	[tilespmem:s14], [sflag:$0x1] =	stream.linear.gather [hbm4b:s25+s1], $0x80, $0x38;
	[tilespmem:$0x10200] =	vst v63  }
0xc8: {  	s6 =	sadd.s32 s4, s30;
	s7 =	sand.u32 $0x1FFFFFF0, s31;
	s8 =	spop (v2sf)  }
0xc9: {  	[tilespmem:s11], [sflag:$0x1] =	stream.linear.gather [hbm4b:s6+s1], $0x80, $0x38;
	[tilespmem:$0x10200] =	vst v63  }
0xca: {  	s9 =	sadd.s32 s3, s7;
	s10 =	sand.u32 $0x1FFFFFF0, s8;
	s11 =	spop (v2sf)  }
0xcb: {  	[tilespmem:s28], [sflag:$0x1] =	stream.linear.gather [hbm4b:s9+s1], $0x80, $0x38;
	[tilespmem:$0x10200] =	vst v63  }
0xcc: {  	s12 =	sadd.s32 s4, s10;
	s13 =	sand.u32 $0x1FFFFFF0, s11;
	s14 =	spop (v2sf)  }
0xcd: {  	[tilespmem:s26], [sflag:$0x1] =	stream.linear.gather [hbm4b:s12+s1], $0x80, $0x38;
	[tilespmem:$0x10200] =	vst v63  }
0xce: {  	s15 =	sadd.s32 $0x980, s19;
	s2 =	sadd.s32 s3, s13;
	s5 =	sand.u32 $0x1FFFFFF0, s14  }
0xcf: {  	[tilespmem:s15], [sflag:$0x1] =	stream.linear.gather [hbm4b:s2+s1], $0x80, $0x38;
	[tilespmem:$0x10200] =	vst v63  }
0xd0: {  	s16 =	sadd.s32 $0x8980, s19;
	s18 =	simm.s32 $0x1;
	s17 =	sadd.s32 s4, s5  }
0xd1: {  	[tilespmem:s16], [sflag:$0x1] =	stream.linear.gather [hbm4b:s17+s1], $0x80, $0x38;
	[tilespmem:$0x10200] =	vst v63  }
0xd2: {  	_ =	swait.ge [sflag:s18], $0x8000  }
0xd3: {  	[sflag:s18] =	ssyncset.done $0x0  }
0xd4: {  	[sflag:s18] =	ssyncadd.s32 $0xFFFF8000  }
0xd5: {  	_ =	swait.ge [sflag:s18], $0x8000  }
0xd6: {  	s19 =	simm.s32 $0x0;
	s21 =	simm.s32 $0x200;
	[sflag:s18] =	ssyncset.done $0x0  }
0xd7: {  	s6 =	simm.s32 $0x2;
	s20 =	rddreg [dreg:$0x16];
	[sflag:s18] =	ssyncadd.s32 $0xFFFF8000  }
0xd8: {  	[hbm4b:s20+s19] =	stream.linear.scatter [tilespmem:s21], [sflag:$0x2], $0x8000, $0x38;
	[tilespmem:$0x10200] =	vst v63  }
0xd9: {  	_ =	swait.ge [sflag:s6], $0x8000  }
0xda: {  	[sflag:s6] =	ssyncset.done $0x0  }
0xdb: {  	s23 =	simm.s32 $0x8200;
	s22 =	rddreg [dreg:$0x17];
	[sflag:s6] =	ssyncadd.s32 $0xFFFF8000  }
0xdc: {  	[hbm4b:s22+s19] =	stream.linear.scatter [tilespmem:s23], [sflag:$0x2], $0x8000, $0x38;
	[tilespmem:$0x10200] =	vst v63  }
0xdd: {  	_ =	swait.ge [sflag:s6], $0x8000  }
0xde: {  	[sflag:s6] =	ssyncset.done $0x0  }
0xdf: {  	s24 =	rddreg [dreg:$0x18];
	[sflag:s6] =	ssyncadd.s32 $0xFFFF8000  }
0xe0: {  	[tilespmem:s19], [sflag:$0x2] =	stream.linear.gather [hbm4b:s24+s19], $0x100, $0x38;
	[tilespmem:$0x10200] =	vst v63  }
0xe1: {  	_ =	swait.ge [sflag:s6], $0x100  }
0xe2: {  	[sflag:s6] =	ssyncset.done $0x0  }
0xe3: {  	s25 =	simm.s32 $0x100;
	s26 =	rddreg [dreg:$0x19];
	[sflag:s6] =	ssyncadd.s32 $0xFFFFFF00  }
0xe4: {  	[tilespmem:s25], [sflag:$0x2] =	stream.linear.gather [hbm4b:s26+s19], $0x100, $0x38;
	[tilespmem:$0x10200] =	vst v63  }
0xe5: {  	_ =	swait.ge [sflag:s6], $0x100  }
0xe6: {  	[sflag:s6] =	ssyncset.done $0x0  }
0xe7: {  	[sflag:s6] =	ssyncadd.s32 $0xFFFFFF00  }
0xe8: {  	v0 =	vld [tilespmem:s19+$0x0];
	_ =	sdelay $0x1  }
0xe9: {  	v2 =	vld [tilespmem:s25+$0x0];
	_ =	sdelay $0x2  }
0xea: {  	v1 =	vshll.u32 v0, $0x4  }
0xeb: {  	(v2sf) =	vpush v1, $0x0  }
0xec: {  	v63 =	vshll.u32 v2, $0x4  }
0xed: {  	(v2sf) =	vpush v63, $0x0;
	_ =	sdelay $0x1  }
0xee: {  	(v2sf) =	vpush v1, $0x1  }
0xef: {  	(v2sf) =	vpush v63, $0x1  }
0xf0: {  	(v2sf) =	vpush v1, $0x2;
	_ =	sdelay $0x1  }
0xf1: {  	(v2sf) =	vpush v63, $0x2;
	_ =	sdelay $0x1  }
0xf2: {  	(v2sf) =	vpush v1, $0x3  }
0xf3: {  	s0 =	simm.s32 $0x8700  }
0xf4: {  	s29 =	simm.s32 $0x800;
	s30 =	simm.s32 $0x8200;
	s7 =	simm.s32 $0x200  }
0xf5: {  	s10 =	simm.s32 $0x380;
	s9 =	simm.s32 $0x400;
	s13 =	simm.s32 $0x280  }
0xf6: {  	s28 =	simm.s32 $0x900;
	s5 =	simm.s32 $0x480;
	s16 =	simm.s32 $0x8280;
	(v2sf) =	vpush v63, $0x3  }
0xf7: {  	s18 =	simm.s32 $0x300;
	s20 =	simm.s32 $0x2000;
	s8 =	spop (v2sf)  }
0xf8: {  	s23 =	simm.s32 $0x8300;
	s6 =	simm.s32 $0x680;
	s8 =	sand.u32 $0x1FFFFFF0, s8  }
0xf9: {  	s19 =	simm.s32 $0x0;
	s31 =	spop (v2sf);
	s8 =	sadd.s32 s3, s8  }
0xfa: {  	(v2sf) =	vpush v1, $0x4;
	[tilespmem:s7], [sflag:$0x1] =	stream.linear.gather [hbm4b:s8+s1], $0x80, $0x38;
	[tilespmem:$0x10200] =	vst v63  }
0xfb: {  	(v2sf) =	vpush v63, $0x4;
	s11 =	sand.u32 $0x1FFFFFF0, s31;
	s12 =	spop (v2sf);
	s7 =	simm.s32 $0x8380  }
0xfc: {  	s8 =	sadd.s32 s4, s11;
	s11 =	sand.u32 $0x1FFFFFF0, s12;
	s12 =	spop (v2sf)  }
0xfd: {  	(v2sf) =	vpush v1, $0x5;
	s14 =	sadd.s32 s3, s11;
	s15 =	sand.u32 $0x1FFFFFF0, s12;
	s17 =	spop (v2sf)  }
0xfe: {  	[tilespmem:s30], [sflag:$0x1] =	stream.linear.gather [hbm4b:s8+s1], $0x80, $0x38;
	[tilespmem:$0x10200] =	vst v63  }
0xff: {  	(v2sf) =	vpush v63, $0x5;
	s12 =	simm.s32 $0x580;
	s11 =	sadd.s32 s4, s15;
	s21 =	spop (v2sf)  }
0x100: {  	[tilespmem:s13], [sflag:$0x1] =	stream.linear.gather [hbm4b:s14+s1], $0x80, $0x38;
	[tilespmem:$0x10200] =	vst v63  }
0x101: {  	(v2sf) =	vpush v1, $0x6;
	s8 =	sand.u32 $0x1FFFFFF0, s17;
	s30 =	simm.s32 $0x8400;
	s22 =	spop (v2sf)  }
0x102: {  	[tilespmem:s16], [sflag:$0x1] =	stream.linear.gather [hbm4b:s11+s1], $0x80, $0x38;
	[tilespmem:$0x10200] =	vst v63  }
0x103: {  	s8 =	sadd.s32 s3, s8;
	(v2sf) =	vpush v63, $0x6;
	s25 =	sand.u32 $0x1FFFFFF0, s22;
	s11 =	sand.u32 $0x1FFFFFF0, s21  }
0x104: {  	[tilespmem:s18], [sflag:$0x1] =	stream.linear.gather [hbm4b:s8+s1], $0x80, $0x38;
	[tilespmem:$0x10200] =	vst v63  }
0x105: {  	s13 =	simm.s32 $0x8800;
	s26 =	spop (v2sf);
	s24 =	sadd.s32 s4, s11  }
0x106: {  	[tilespmem:s23], [sflag:$0x1] =	stream.linear.gather [hbm4b:s24+s1], $0x80, $0x38;
	[tilespmem:$0x10200] =	vst v63  }
0x107: {  	(v2sf) =	vpush v1, $0x7;
	s14 =	simm.s32 $0x880;
	s16 =	simm.s32 $0x8480;
	s11 =	sadd.s32 s3, s25  }
0x108: {  	[tilespmem:s10], [sflag:$0x1] =	stream.linear.gather [hbm4b:s11+s1], $0x80, $0x38;
	[tilespmem:$0x10200] =	vst v63  }
0x109: {  	(v2sf) =	vpush v63, $0x7;
	s8 =	sand.u32 $0x1FFFFFF0, s26;
	s18 =	simm.s32 $0x500;
	s31 =	spop (v2sf)  }
0x10a: {  	s8 =	sadd.s32 s4, s8;
	s11 =	sand.u32 $0x1FFFFFF0, s31;
	s2 =	spop (v2sf)  }
0x10b: {  	(v2sf) =	vpush v1, $0x8;
	[tilespmem:s7], [sflag:$0x1] =	stream.linear.gather [hbm4b:s8+s1], $0x80, $0x38;
	[tilespmem:$0x10200] =	vst v63  }
0x10c: {  	s11 =	sadd.s32 s3, s11;
	s15 =	sand.u32 $0x1FFFFFF0, s2;
	s17 =	spop (v2sf)  }
0x10d: {  	(v2sf) =	vpush v63, $0x8;
	[tilespmem:s9], [sflag:$0x1] =	stream.linear.gather [hbm4b:s11+s1], $0x80, $0x38;
	[tilespmem:$0x10200] =	vst v63  }
0x10e: {  	s8 =	sadd.s32 s4, s15;
	s9 =	sand.u32 $0x1FFFFFF0, s17;
	s21 =	spop (v2sf)  }
0x10f: {  	(v2sf) =	vpush v1, $0x9;
	s11 =	simm.s32 $0x8880;
	s17 =	simm.s32 $0x8580;
	s9 =	sadd.s32 s3, s9  }
0x110: {  	(v2sf) =	vpush v63, $0x9;
	s10 =	sand.u32 $0x1FFFFFF0, s21;
	s22 =	spop (v2sf);
	s21 =	simm.s32 $0x600  }
0x111: {  	[tilespmem:s30], [sflag:$0x1] =	stream.linear.gather [hbm4b:s8+s1], $0x80, $0x38;
	[tilespmem:$0x10200] =	vst v63  }
0x112: {  	(v2sf) =	vpush v1, $0xA;
	s23 =	sadd.s32 s4, s10;
	s24 =	sand.u32 $0x1FFFFFF0, s22;
	s25 =	spop (v2sf)  }
0x113: {  	[tilespmem:s5], [sflag:$0x1] =	stream.linear.gather [hbm4b:s9+s1], $0x80, $0x38;
	[tilespmem:$0x10200] =	vst v63  }
0x114: {  	s30 =	simm.s32 $0x8500;
	(v2sf) =	vpush v63, $0xA;
	s26 =	sadd.s32 s3, s24;
	s7 =	sand.u32 $0x1FFFFFF0, s25  }
0x115: {  	[tilespmem:s16], [sflag:$0x1] =	stream.linear.gather [hbm4b:s23+s1], $0x80, $0x38;
	[tilespmem:$0x10200] =	vst v63  }
0x116: {  	s31 =	spop (v2sf);
	(v2sf) =	vpush v1, $0xB;
	s24 =	simm.s32 $0x8600;
	s5 =	simm.s32 $0x8780  }
0x117: {  	[tilespmem:s18], [sflag:$0x1] =	stream.linear.gather [hbm4b:s26+s1], $0x80, $0x38;
	[tilespmem:$0x10200] =	vst v63  }
0x118: {  	s7 =	sadd.s32 s4, s7;
	s9 =	sand.u32 $0x1FFFFFF0, s31;
	s2 =	spop (v2sf);
	(v2sf) =	vpush v63, $0xB  }
0x119: {  	[tilespmem:s30], [sflag:$0x1] =	stream.linear.gather [hbm4b:s7+s1], $0x80, $0x38;
	[tilespmem:$0x10200] =	vst v63  }
0x11a: {  	s15 =	sadd.s32 s3, s9;
	s16 =	sand.u32 $0x1FFFFFF0, s2;
	s18 =	spop (v2sf)  }
0x11b: {  	[tilespmem:s12], [sflag:$0x1] =	stream.linear.gather [hbm4b:s15+s1], $0x80, $0x38;
	[tilespmem:$0x10200] =	vst v63  }
0x11c: {  	s2 =	simm.s32 $0x700;
	s9 =	sadd.s32 s4, s16;
	s22 =	spop (v2sf)  }
0x11d: {  	[tilespmem:s17], [sflag:$0x1] =	stream.linear.gather [hbm4b:s9+s1], $0x80, $0x38;
	[tilespmem:$0x10200] =	vst v63  }
0x11e: {  	s30 =	simm.s32 $0x8680;
	s8 =	sand.u32 $0x1FFFFFF0, s18;
	(v2sf) =	vpush v1, $0xC;
	s23 =	spop (v2sf)  }
0x11f: {  	s8 =	sadd.s32 s3, s8;
	s9 =	sand.u32 $0x1FFFFFF0, s22;
	s31 =	spop (v2sf)  }
0x120: {  	(v2sf) =	vpush v63, $0xC;
	[tilespmem:s21], [sflag:$0x1] =	stream.linear.gather [hbm4b:s8+s1], $0x80, $0x38;
	[tilespmem:$0x10200] =	vst v63  }
0x121: {  	s25 =	sadd.s32 s4, s9;
	s26 =	sand.u32 $0x1FFFFFF0, s23;
	s12 =	spop (v2sf)  }
0x122: {  	[tilespmem:s24], [sflag:$0x1] =	stream.linear.gather [hbm4b:s25+s1], $0x80, $0x38;
	[tilespmem:$0x10200] =	vst v63  }
0x123: {  	s9 =	sadd.s32 s3, s26;
	s8 =	sand.u32 $0x1FFFFFF0, s31;
	s15 =	spop (v2sf)  }
0x124: {  	[tilespmem:s6], [sflag:$0x1] =	stream.linear.gather [hbm4b:s9+s1], $0x80, $0x38;
	[tilespmem:$0x10200] =	vst v63  }
0x125: {  	s8 =	sadd.s32 s4, s8;
	s18 =	spop (v2sf);
	s9 =	sand.u32 $0x1FFFFFF0, s12  }
0x126: {  	[tilespmem:s30], [sflag:$0x1] =	stream.linear.gather [hbm4b:s8+s1], $0x80, $0x38;
	[tilespmem:$0x10200] =	vst v63  }
0x127: {  	s17 =	sand.u32 $0x1FFFFFF0, s15;
	s23 =	spop (v2sf);
	s16 =	sadd.s32 s3, s9  }
0x128: {  	[tilespmem:s2], [sflag:$0x1] =	stream.linear.gather [hbm4b:s16+s1], $0x80, $0x38;
	[tilespmem:$0x10200] =	vst v63  }
0x129: {  	s21 =	sadd.s32 s4, s17;
	s22 =	sand.u32 $0x1FFFFFF0, s18;
	s26 =	sand.u32 $0x1FFFFFF0, s23  }
0x12a: {  	(v2sf) =	vpush v1, $0xD;
	[tilespmem:s0], [sflag:$0x1] =	stream.linear.gather [hbm4b:s21+s1], $0x80, $0x38;
	[tilespmem:$0x10200] =	vst v63  }
0x12b: {  	s24 =	simm.s32 $0x780;
	(v2sf) =	vpush v63, $0xD;
	s25 =	sadd.s32 s3, s22;
	s30 =	sadd.s32 s4, s26  }
0x12c: {  	(v2sf) =	vpush v1, $0xE;
	[tilespmem:s24], [sflag:$0x1] =	stream.linear.gather [hbm4b:s25+s1], $0x80, $0x38;
	[tilespmem:$0x10200] =	vst v63  }
0x12d: {  	(v2sf) =	vpush v63, $0xE;
	s26 =	simm.s32 $0x8900;
	s31 =	spop (v2sf);
	s24 =	simm.s32 $0x10  }
0x12e: {  	(v2sf) =	vpush v1, $0xF;
	[tilespmem:s5], [sflag:$0x1] =	stream.linear.gather [hbm4b:s30+s1], $0x80, $0x38;
	[tilespmem:$0x10200] =	vst v63  }
0x12f: {  	(v2sf) =	vpush v63, $0xF;
	s25 =	simm.s32 $0x110;
	s0 =	sand.u32 $0x1FFFFFF0, s31;
	s5 =	spop (v2sf)  }
.LBB2_4:
0x130: {  	_ =	sdelay $0x4  }
0x131: {  	s0 =	sadd.s32 s3, s0;
	s5 =	sand.u32 $0x1FFFFFF0, s5  }
0x132: {  	[tilespmem:s29], [sflag:$0x1] =	stream.linear.gather [hbm4b:s0+s1], $0x80, $0x38;
	[tilespmem:$0x10200] =	vst v63  }
0x133: {  	s8 =	sadd.s32 s4, s5  }
0x134: {  	[tilespmem:s13], [sflag:$0x1] =	stream.linear.gather [hbm4b:s8+s1], $0x80, $0x38;
	[tilespmem:$0x10200] =	vst v63  }
0x135: {  	s6 =	spop (v2sf)  }
0x136: {  	s9 =	sand.u32 $0x1FFFFFF0, s6;
	s10 =	spop (v2sf)  }
0x137: {  	s12 =	sadd.s32 s3, s9;
	s2 =	sand.u32 $0x1FFFFFF0, s10;
	s13 =	spop (v2sf)  }
0x138: {  	[tilespmem:s14], [sflag:$0x1] =	stream.linear.gather [hbm4b:s12+s1], $0x80, $0x38;
	[tilespmem:$0x10200] =	vst v63  }
0x139: {  	s14 =	sadd.s32 s4, s2;
	s15 =	sand.u32 $0x1FFFFFF0, s13;
	s16 =	spop (v2sf)  }
0x13a: {  	[tilespmem:s11], [sflag:$0x1] =	stream.linear.gather [hbm4b:s14+s1], $0x80, $0x38;
	[tilespmem:$0x10200] =	vst v63  }
0x13b: {  	s17 =	sadd.s32 s3, s15;
	s18 =	sand.u32 $0x1FFFFFF0, s16;
	s21 =	spop (v2sf)  }
0x13c: {  	[tilespmem:s28], [sflag:$0x1] =	stream.linear.gather [hbm4b:s17+s1], $0x80, $0x38;
	[tilespmem:$0x10200] =	vst v63  }
0x13d: {  	s22 =	sadd.s32 s4, s18;
	s23 =	sand.u32 $0x1FFFFFF0, s21;
	s30 =	spop (v2sf)  }
0x13e: {  	[tilespmem:s26], [sflag:$0x1] =	stream.linear.gather [hbm4b:s22+s1], $0x80, $0x38;
	[tilespmem:$0x10200] =	vst v63  }
0x13f: {  	s31 =	sadd.s32 $0x980, s19;
	s2 =	sadd.s32 s3, s23;
	s5 =	sand.u32 $0x1FFFFFF0, s30  }
0x140: {  	[tilespmem:s31], [sflag:$0x1] =	stream.linear.gather [hbm4b:s2+s1], $0x80, $0x38;
	[tilespmem:$0x10200] =	vst v63  }
0x141: {  	s5 =	sadd.s32 s4, s5;
	s2 =	sadd.s32 $0x8980, s19  }
0x142: {  	[tilespmem:s2], [sflag:$0x1] =	stream.linear.gather [hbm4b:s5+s1], $0x80, $0x38;
	[tilespmem:$0x10200] =	vst v63  }
0x143: {  	v0 =	vld [tilespmem:s24+$0x0];
	_ =	sdelay $0x1  }
0x144: {  	v2 =	vld [tilespmem:s25+$0x0];
	_ =	sdelay $0x2  }
0x145: {  	v1 =	vshll.u32 v0, $0x4  }
0x146: {  	(v2sf) =	vpush v1, $0x0  }
0x147: {  	v63 =	vshll.u32 v2, $0x4  }
0x148: {  	s6 =	smov.u32 s20;
	(v2sf) =	vpush v63, $0x0  }
0x149: {  	p0 =	sne.s32 s20, $0x1E000;
	s19 =	sshra.s32 s6, $0x2;
	(v2sf) =	vpush v1, $0x1  }
0x14a: {  	s20 =	sadd.s32 $0x2000, s20;
	s31 =	sadd.s32 $0x8200, s19;
	s0 =	sadd.s32 $0x480, s19  }
0x14b: {  	s7 =	sadd.s32 $0x680, s19;
	s13 =	sadd.s32 $0x400, s19;
	s8 =	sadd.s32 $0x8700, s19;
	(v2sf) =	vpush v63, $0x1  }
0x14c: {  	s14 =	sadd.s32 $0x380, s19;
	s18 =	sadd.s32 $0x8380, s19;
	s21 =	sadd.s32 $0x300, s19  }
0x14d: {  	s15 =	sadd.s32 $0x8400, s19;
	s30 =	sadd.s32 $0x8280, s19;
	s12 =	sadd.s32 $0x8480, s19;
	(v2sf) =	vpush v1, $0x2  }
0x14e: {  	s6 =	sadd.s32 $0x500, s19;
	s11 =	sadd.s32 $0x8880, s19;
	s10 =	sadd.s32 $0x8500, s19;
	(v2sf) =	vpush v63, $0x2  }
0x14f: {  	s9 =	sadd.s32 $0x8680, s19;
	s16 =	sadd.s32 $0x700, s19;
	[dreg:$0x13] =	wrdreg s0  }
0x150: {  	s17 =	sadd.s32 $0x8600, s19;
	s29 =	sadd.s32 $0x800, s19;
	[dreg:$0x7] =	wrdreg s7;
	(v2sf) =	vpush v1, $0x3  }
0x151: {  	s28 =	sadd.s32 $0x900, s19;
	s26 =	sadd.s32 $0x8900, s19;
	[dreg:$0x3] =	wrdreg s8  }
0x152: {  	s2 =	sadd.s32 $0x200, s19;
	s7 =	sadd.s32 $0x8800, s19;
	[dreg:$0xb] =	wrdreg s9  }
0x153: {  	s5 =	sadd.s32 $0x880, s19;
	s0 =	sadd.s32 $0x8300, s19;
	[dreg:$0x9] =	wrdreg s16  }
0x154: {  	s8 =	sadd.s32 $0x8780, s19;
	s9 =	sadd.s32 $0x580, s19;
	[dreg:$0xf] =	wrdreg s17;
	(v2sf) =	vpush v63, $0x3  }
0x155: {  	s17 =	sadd.s32 $0x600, s19;
	[dreg:$0x5] =	wrdreg s8;
	s22 =	spop (v2sf)  }
0x156: {  	[dreg:$0x11] =	wrdreg s17;
	(v2sf) =	vpush v1, $0x4;
	s17 =	sand.u32 $0x1FFFFFF0, s22;
	s22 =	sadd.s32 $0x780, s19  }
0x157: {  	s16 =	sadd.s32 $0x280, s19;
	s23 =	spop (v2sf);
	[dreg:$0xd] =	wrdreg s22  }
0x158: {  	(v2sf) =	vpush v63, $0x4;
	s17 =	sadd.s32 s3, s17;
	s22 =	sand.u32 $0x1FFFFFF0, s23;
	s23 =	spop (v2sf)  }
0x159: {  	[tilespmem:s2], [sflag:$0x1] =	stream.linear.gather [hbm4b:s17+s1], $0x80, $0x38;
	[tilespmem:$0x10200] =	vst v63  }
0x15a: {  	(v2sf) =	vpush v1, $0x5;
	s17 =	sadd.s32 s4, s22;
	s22 =	sand.u32 $0x1FFFFFF0, s23;
	s23 =	spop (v2sf)  }
0x15b: {  	(v2sf) =	vpush v63, $0x5;
	[tilespmem:s31], [sflag:$0x1] =	stream.linear.gather [hbm4b:s17+s1], $0x80, $0x38;
	[tilespmem:$0x10200] =	vst v63  }
0x15c: {  	s8 =	sadd.s32 $0x8580, s19;
	s24 =	sadd.s32 $0x10, s24;
	s31 =	spop (v2sf)  }
0x15d: {  	s23 =	sand.u32 $0x1FFFFFF0, s23;
	s17 =	sadd.s32 s3, s22;
	(v2sf) =	vpush v1, $0x6;
	s22 =	spop (v2sf)  }
0x15e: {  	[tilespmem:s16], [sflag:$0x1] =	stream.linear.gather [hbm4b:s17+s1], $0x80, $0x38;
	[tilespmem:$0x10200] =	vst v63  }
0x15f: {  	(v2sf) =	vpush v63, $0x6;
	s16 =	sadd.s32 s4, s23;
	s17 =	sand.u32 $0x1FFFFFF0, s31;
	s31 =	spop (v2sf)  }
0x160: {  	(v2sf) =	vpush v1, $0x7;
	[tilespmem:s30], [sflag:$0x1] =	stream.linear.gather [hbm4b:s16+s1], $0x80, $0x38;
	[tilespmem:$0x10200] =	vst v63  }
0x161: {  	s25 =	sadd.s32 $0x10, s25;
	s23 =	sadd.s32 s3, s17;
	s30 =	sand.u32 $0x1FFFFFF0, s22  }
0x162: {  	[tilespmem:s21], [sflag:$0x1] =	stream.linear.gather [hbm4b:s23+s1], $0x80, $0x38;
	[tilespmem:$0x10200] =	vst v63  }
0x163: {  	s22 =	spop (v2sf);
	s16 =	sadd.s32 s4, s30;
	s21 =	sand.u32 $0x1FFFFFF0, s31  }
0x164: {  	(v2sf) =	vpush v63, $0x7;
	[tilespmem:s0], [sflag:$0x1] =	stream.linear.gather [hbm4b:s16+s1], $0x80, $0x38;
	[tilespmem:$0x10200] =	vst v63  }
0x165: {  	s30 =	sand.u32 $0x1FFFFFF0, s22;
	s31 =	spop (v2sf);
	s23 =	sadd.s32 s3, s21  }
0x166: {  	(v2sf) =	vpush v1, $0x8;
	[tilespmem:s14], [sflag:$0x1] =	stream.linear.gather [hbm4b:s23+s1], $0x80, $0x38;
	[tilespmem:$0x10200] =	vst v63  }
0x167: {  	s17 =	sadd.s32 s4, s30;
	s21 =	sand.u32 $0x1FFFFFF0, s31;
	s22 =	spop (v2sf)  }
0x168: {  	[tilespmem:s18], [sflag:$0x1] =	stream.linear.gather [hbm4b:s17+s1], $0x80, $0x38;
	[tilespmem:$0x10200] =	vst v63  }
0x169: {  	s23 =	sadd.s32 s3, s21;
	s14 =	smov.u32 s5;
	s31 =	spop (v2sf)  }
0x16a: {  	(v2sf) =	vpush v63, $0x8;
	s30 =	sand.u32 $0x1FFFFFF0, s22;
	s22 =	rddreg [dreg:$0x13];
	s16 =	spop (v2sf)  }
0x16b: {  	[tilespmem:s13], [sflag:$0x1] =	stream.linear.gather [hbm4b:s23+s1], $0x80, $0x38;
	[tilespmem:$0x10200] =	vst v63  }
0x16c: {  	(v2sf) =	vpush v1, $0x9;
	s2 =	sadd.s32 s4, s30;
	s13 =	sand.u32 $0x1FFFFFF0, s31;
	s21 =	spop (v2sf)  }
0x16d: {  	(v2sf) =	vpush v63, $0x9;
	[tilespmem:s15], [sflag:$0x1] =	stream.linear.gather [hbm4b:s2+s1], $0x80, $0x38;
	[tilespmem:$0x10200] =	vst v63  }
0x16e: {  	s18 =	sand.u32 $0x1FFFFFF0, s16;
	s17 =	sadd.s32 s3, s13;
	s31 =	spop (v2sf)  }
0x16f: {  	s23 =	sadd.s32 s4, s18;
	s30 =	sand.u32 $0x1FFFFFF0, s21;
	s15 =	spop (v2sf)  }
0x170: {  	[tilespmem:s22], [sflag:$0x1] =	stream.linear.gather [hbm4b:s17+s1], $0x80, $0x38;
	[tilespmem:$0x10200] =	vst v63  }
0x171: {  	(v2sf) =	vpush v1, $0xA;
	s13 =	smov.u32 s7;
	s5 =	sadd.s32 s3, s30;
	s17 =	sand.u32 $0x1FFFFFF0, s15  }
0x172: {  	[tilespmem:s12], [sflag:$0x1] =	stream.linear.gather [hbm4b:s23+s1], $0x80, $0x38;
	[tilespmem:$0x10200] =	vst v63  }
0x173: {  	(v2sf) =	vpush v63, $0xA;
	s18 =	spop (v2sf);
	s21 =	sadd.s32 s3, s17;
	s12 =	sand.u32 $0x1FFFFFF0, s31  }
0x174: {  	[tilespmem:s6], [sflag:$0x1] =	stream.linear.gather [hbm4b:s5+s1], $0x80, $0x38;
	[tilespmem:$0x10200] =	vst v63  }
0x175: {  	s22 =	sand.u32 $0x1FFFFFF0, s18;
	s16 =	sadd.s32 s4, s12;
	s23 =	spop (v2sf)  }
0x176: {  	[tilespmem:s10], [sflag:$0x1] =	stream.linear.gather [hbm4b:s16+s1], $0x80, $0x38;
	[tilespmem:$0x10200] =	vst v63  }
0x177: {  	(v2sf) =	vpush v1, $0xB;
	s30 =	sadd.s32 s4, s22;
	s22 =	rddreg [dreg:$0x7];
	s31 =	sand.u32 $0x1FFFFFF0, s23  }
0x178: {  	[tilespmem:s9], [sflag:$0x1] =	stream.linear.gather [hbm4b:s21+s1], $0x80, $0x38;
	[tilespmem:$0x10200] =	vst v63  }
0x179: {  	(v2sf) =	vpush v63, $0xB;
	s6 =	sadd.s32 s3, s31;
	s16 =	rddreg [dreg:$0xf];
	s5 =	spop (v2sf)  }
0x17a: {  	(v2sf) =	vpush v1, $0xC;
	[tilespmem:s8], [sflag:$0x1] =	stream.linear.gather [hbm4b:s30+s1], $0x80, $0x38;
	[tilespmem:$0x10200] =	vst v63  }
0x17b: {  	s9 =	rddreg [dreg:$0x11];
	s7 =	sand.u32 $0x1FFFFFF0, s5;
	s8 =	spop (v2sf)  }
0x17c: {  	(v2sf) =	vpush v63, $0xC;
	s10 =	sadd.s32 s4, s7;
	s12 =	sand.u32 $0x1FFFFFF0, s8;
	s15 =	spop (v2sf)  }
0x17d: {  	[tilespmem:s9], [sflag:$0x1] =	stream.linear.gather [hbm4b:s6+s1], $0x80, $0x38;
	[tilespmem:$0x10200] =	vst v63  }
0x17e: {  	s7 =	rddreg [dreg:$0xb];
	s17 =	sadd.s32 s3, s12;
	s18 =	sand.u32 $0x1FFFFFF0, s15  }
0x17f: {  	[tilespmem:s16], [sflag:$0x1] =	stream.linear.gather [hbm4b:s10+s1], $0x80, $0x38;
	[tilespmem:$0x10200] =	vst v63  }
0x180: {  	s21 =	spop (v2sf);
	s12 =	rddreg [dreg:$0x9];
	s23 =	sadd.s32 s4, s18  }
0x181: {  	[tilespmem:s22], [sflag:$0x1] =	stream.linear.gather [hbm4b:s17+s1], $0x80, $0x38;
	[tilespmem:$0x10200] =	vst v63  }
0x182: {  	s30 =	sand.u32 $0x1FFFFFF0, s21;
	s31 =	spop (v2sf);
	s18 =	rddreg [dreg:$0x3]  }
0x183: {  	[tilespmem:s7], [sflag:$0x1] =	stream.linear.gather [hbm4b:s23+s1], $0x80, $0x38;
	[tilespmem:$0x10200] =	vst v63  }
0x184: {  	s8 =	sadd.s32 s3, s30;
	s9 =	sand.u32 $0x1FFFFFF0, s31;
	s30 =	rddreg [dreg:$0xd]  }
0x185: {  	[tilespmem:s12], [sflag:$0x1] =	stream.linear.gather [hbm4b:s8+s1], $0x80, $0x38;
	[tilespmem:$0x10200] =	vst v63  }
0x186: {  	s10 =	spop (v2sf);
	s31 =	rddreg [dreg:$0x5];
	s15 =	sadd.s32 s4, s9  }
0x187: {  	(v2sf) =	vpush v1, $0xD;
	[tilespmem:s18], [sflag:$0x1] =	stream.linear.gather [hbm4b:s15+s1], $0x80, $0x38;
	[tilespmem:$0x10200] =	vst v63  }
.Ltmp1:
0x188: {  	(v2sf) =	vpush v63, $0xD;
	s16 =	sand.u32 $0x1FFFFFF0, s10;
	s17 =	spop (v2sf);
	(pc) =	sbr.rel @p0 .LBB2_4-.Ltmp1, $4  }
0x189: {  	(v2sf) =	vpush v1, $0xE;
	s21 =	sadd.s32 s3, s16;
	s22 =	sand.u32 $0x1FFFFFF0, s17;
	s23 =	spop (v2sf)  }
0x18a: {  	(v2sf) =	vpush v63, $0xE;
	[tilespmem:s30], [sflag:$0x1] =	stream.linear.gather [hbm4b:s21+s1], $0x80, $0x38;
	[tilespmem:$0x10200] =	vst v63  }
0x18b: {  	(v2sf) =	vpush v1, $0xF;
	s2 =	sadd.s32 s4, s22;
	s0 =	sand.u32 $0x1FFFFFF0, s23;
	s5 =	spop (v2sf)  }
0x18c: {  	(v2sf) =	vpush v63, $0xF;
	[tilespmem:s31], [sflag:$0x1] =	stream.linear.gather [hbm4b:s2+s1], $0x80, $0x38;
	[tilespmem:$0x10200] =	vst v63  }
0x18d: {  	_ =	sdelay $0x4  }
0x18e: {  	s0 =	sadd.s32 s3, s0;
	s2 =	sand.u32 $0x1FFFFFF0, s5  }
0x18f: {  	[tilespmem:s29], [sflag:$0x1] =	stream.linear.gather [hbm4b:s0+s1], $0x80, $0x38;
	[tilespmem:$0x10200] =	vst v63  }
0x190: {  	s2 =	sadd.s32 s4, s2  }
0x191: {  	[tilespmem:s13], [sflag:$0x1] =	stream.linear.gather [hbm4b:s2+s1], $0x80, $0x38;
	[tilespmem:$0x10200] =	vst v63  }
0x192: {  	s31 =	spop (v2sf)  }
0x193: {  	s5 =	sand.u32 $0x1FFFFFF0, s31;
	s6 =	spop (v2sf)  }
0x194: {  	s7 =	sadd.s32 s3, s5;
	s8 =	sand.u32 $0x1FFFFFF0, s6;
	s9 =	spop (v2sf)  }
0x195: {  	[tilespmem:s14], [sflag:$0x1] =	stream.linear.gather [hbm4b:s7+s1], $0x80, $0x38;
	[tilespmem:$0x10200] =	vst v63  }
0x196: {  	s10 =	sadd.s32 s4, s8;
	s12 =	sand.u32 $0x1FFFFFF0, s9;
	s13 =	spop (v2sf)  }
0x197: {  	[tilespmem:s11], [sflag:$0x1] =	stream.linear.gather [hbm4b:s10+s1], $0x80, $0x38;
	[tilespmem:$0x10200] =	vst v63  }
0x198: {  	s14 =	sadd.s32 s3, s12;
	s15 =	sand.u32 $0x1FFFFFF0, s13;
	s16 =	spop (v2sf)  }
0x199: {  	[tilespmem:s28], [sflag:$0x1] =	stream.linear.gather [hbm4b:s14+s1], $0x80, $0x38;
	[tilespmem:$0x10200] =	vst v63  }
0x19a: {  	s17 =	sadd.s32 s4, s15;
	s18 =	sand.u32 $0x1FFFFFF0, s16;
	s20 =	spop (v2sf)  }
0x19b: {  	[tilespmem:s26], [sflag:$0x1] =	stream.linear.gather [hbm4b:s17+s1], $0x80, $0x38;
	[tilespmem:$0x10200] =	vst v63  }
0x19c: {  	s21 =	sadd.s32 $0x980, s19;
	s2 =	sadd.s32 s3, s18;
	s5 =	sand.u32 $0x1FFFFFF0, s20  }
0x19d: {  	[tilespmem:s21], [sflag:$0x1] =	stream.linear.gather [hbm4b:s2+s1], $0x80, $0x38;
	[tilespmem:$0x10200] =	vst v63  }
0x19e: {  	s22 =	sadd.s32 $0x8980, s19;
	s24 =	simm.s32 $0x1;
	s23 =	sadd.s32 s4, s5  }
0x19f: {  	[tilespmem:s22], [sflag:$0x1] =	stream.linear.gather [hbm4b:s23+s1], $0x80, $0x38;
	[tilespmem:$0x10200] =	vst v63  }
0x1a0: {  	_ =	swait.ge [sflag:s24], $0x8000  }
0x1a1: {  	[sflag:s24] =	ssyncset.done $0x0  }
0x1a2: {  	[sflag:s24] =	ssyncadd.s32 $0xFFFF8000  }
0x1a3: {  	_ =	swait.ge [sflag:s24], $0x8000  }
0x1a4: {  	s5 =	simm.s32 $0x2;
	[sflag:s24] =	ssyncset.done $0x0  }
0x1a5: {  	s26 =	simm.s32 $0x200;
	s25 =	rddreg [dreg:$0x1a];
	[sflag:s24] =	ssyncadd.s32 $0xFFFF8000  }
0x1a6: {  	[hbm4b:s25+s1] =	stream.linear.scatter [tilespmem:s26], [sflag:$0x2], $0x8000, $0x38;
	[tilespmem:$0x10200] =	vst v63  }
0x1a7: {  	_ =	swait.ge [sflag:s5], $0x8000  }
0x1a8: {  	[sflag:s5] =	ssyncset.done $0x0  }
0x1a9: {  	s29 =	simm.s32 $0x8200;
	s28 =	rddreg [dreg:$0x1b];
	[sflag:s5] =	ssyncadd.s32 $0xFFFF8000  }
0x1aa: {  	[hbm4b:s28+s1] =	stream.linear.scatter [tilespmem:s29], [sflag:$0x2], $0x8000, $0x38;
	[tilespmem:$0x10200] =	vst v63  }
0x1ab: {  	_ =	swait.ge [sflag:s5], $0x8000  }
0x1ac: {  	s30 =	rddreg [dreg:$0x1d]  }
0x1ad: {  	s31 =	rddreg [dreg:$0x1c];
	s2 =	sadd.s32 $0x1, s30  }
0x1ae: {  	p0 =	sne.s32 s2, s31  }
.Ltmp2:
0x1af: {  	_ = 	snop;
	(pc) =	sbr.rel @p0 .LBB2_1-.Ltmp2, $3  }
0x1b0: {  	_ =	sdelay $0x1  }
0x1b1: {  	[sflag:s5] =	ssyncset.done $0x0  }
0x1b2: {  	[sflag:s5] =	ssyncadd.s32 $0xFFFF8000  }
0x1b3: {  	_ =	sfence.sel $0x180000  }
0x1b4: {  	[bflag:$0x0] =	sbarrier.arrive $0xFFFF  }
0x1b5: {  	_ =	strace $0x90000047  }
0x1b6: {  	s0 =	stileid.u32;
	[bflag:$0x2] =	sbarrier.arrive $0xFFFF  }
0x1b7: {  	p0 =	sne.s32 s0, $0x0;
	s0 =	rddreg [dreg:$0x1]  }
0x1b8: {  	s0 =	sadd.s32 @!p0 $0x100000, s0  }
0x1b9: {  	[sflag:s0] =	ssyncadd.tile.s32 @!p0 $0x1;
	_ =	shalt  }
.Lfunc_end2:
_tile_overlayer_lowered:
.L_overlay_start_2:
0x1ba: {  	(tag) =	ssettag $0x2  }
0x1bb: {  	s0 =	rddreg [dreg:$0x0];
	s2 =	stileid.u32  }
0x1bc: {  	s1 =	rddreg [dreg:$0x1];
	p0 =	sne.s32 s2, $0x0  }
0x1bd: {  	s3 =	rddreg [dreg:$0x2];
	[bflag:$0x3] =	sbarrier.arrive $0xFFFF;
	s2 =	simm.s32 @!p0 $0x1C02  }
0x1be: {  	[timem:s3], [sflag:s2] =	dma.local @!p0 [hbm:s0], s1  }
0x1bf: {  	s0 =	simm.s32 @!p0 $0x2  }
0x1c0: {  	_ =	swait.ge @!p0 [sflag:s0], s1  }
0x1c1: {  	s1 =	ssub.s32 @!p0 $0x0, s1;
	[sflag:s0] =	ssyncset.done @!p0 $0x0  }
0x1c2: {  	[sflag:s0] =	ssyncadd.s32 @!p0 s1  }
0x1c3: {  	[bflag:$0x3] =	sbarrier.arrive $0xFFFF  }
0x1c4: {  	_ =	shalt  }

</sc_bundles>
